<compile_context>
chip_gen: v7x
topology: tpu7x:2x2x1
jax: 0.10.2.dev20260603
libtpu: 0.0.44.dev20260713+nightly
codegen_flags: <defaults>
</compile_context>

<pallas_src>
import functools

import jax
import jax.numpy as jnp
from jax import lax
from jax.experimental import pallas as pl
from jax.experimental.pallas import tpu as pltpu, tpu_sc as plsc

NUM_CLASS = 1000000
EMBED_DIM = 32
BATCH = 16384

_info = plsc.get_sparse_core_info()
_NC, _NS = _info.num_cores, _info.num_subcores
_NW = _NC * _NS
_BPW = BATCH // _NW
_G = 16
_NG = _BPW // _G
_RING = 16


@functools.partial(
    pl.kernel,
    mesh=plsc.VectorSubcoreMesh(core_axis_name="c", subcore_axis_name="s"),
    out_type=jax.ShapeDtypeStruct((EMBED_DIM, BATCH), jnp.float32),
    scratch_types=[
        pltpu.VMEM((_BPW,), jnp.int32),
        pltpu.VMEM((_RING, EMBED_DIM, 128), jnp.float32),
        pltpu.VMEM((EMBED_DIM, 128), jnp.float32),
        pltpu.SemaphoreType.DMA,
    ],
    compiler_params=pltpu.CompilerParams(needs_layout_passes=False),
)
def _embed_gather_t(label_hbm, tablet_hbm, outt_hbm, idx_v, slots_v, out_v, sem):
    wid = lax.axis_index("s") * _NC + lax.axis_index("c")
    base = wid * _BPW
    pltpu.sync_copy(label_hbm.at[pl.ds(base, _BPW)], idx_v)

    c_lo = lax.broadcasted_iota(jnp.int32, (16,), 0)
    c_hi = c_lo + 16

    def group_offsets(g):
        jv = idx_v[pl.ds(pl.multiple_of(g * _G, _G), _G)]
        return (jv // 128) * 128, jv % 128

    def fire(off_scalar, b):
        pltpu.async_copy(
            tablet_hbm.at[
                pl.ds(0, EMBED_DIM), pl.ds(pl.multiple_of(off_scalar, 128), 128)
            ],
            slots_v.at[b],
            sem,
        )

    kv0, _ = group_offsets(0)
    kv1, _ = group_offsets(1)
    for m in range(_G):
        fire(kv0[m], m)
    for m in range(_RING - _G):
        fire(kv1[m], _G + m)

    @pl.loop(0, _NG)
    def _(g):
        _, lv = group_offsets(g)
        kvn1, _ = group_offsets((g + 1) % _NG)
        kvn2, _ = group_offsets((g + 2) % _NG)
        for m in range(_G):
            k = g * _G + m
            slot = k % _RING
            pltpu.make_async_copy(
                tablet_hbm.at[pl.ds(0, EMBED_DIM), pl.ds(0, 128)],
                slots_v.at[slot],
                sem,
            ).wait()
            lane = jnp.full((16,), lv[m], jnp.int32)
            col = jnp.full((16,), (g % 8) * _G + m, jnp.int32)
            vals_lo = plsc.load_gather(slots_v.at[slot], [c_lo, lane])
            vals_hi = plsc.load_gather(slots_v.at[slot], [c_hi, lane])

            @pl.when(k + _RING < _BPW)
            def _():
                if m < _G - (_RING - _G):
                    fire(kvn1[m + (_RING - _G)], slot)
                else:
                    fire(kvn2[m - (_G - (_RING - _G))], slot)

            plsc.store_scatter(out_v, [c_lo, col], vals_lo)
            plsc.store_scatter(out_v, [c_hi, col], vals_hi)

        @pl.when(g % 8 == 7)
        def _():
            out_off = pl.multiple_of(base + (g // 8) * 128, 128)
            pltpu.sync_copy(out_v, outt_hbm.at[:, pl.ds(out_off, 128)])


def kernel(label, embed_table):
    outt = _embed_gather_t(label.astype(jnp.int32), embed_table.T)
    return outt.T

# --- scband reference (transcript-rebuilt; emitter-appended) ---
"""Pipeline reference for scband-class-embed-60997125537943 (READ-ONLY COPY).

The authoritative reference and input builder live on the scoring server;
editing this copy changes nothing except your own understanding.
"""

import jax, jax.numpy as jnp
import numpy as np

NUM_CLASS = 1000000
EMBED_DIM = 32
BATCH = 16384

def setup_inputs(seed: int = 0) -> dict:
    key = jax.random.key(seed)
    k1, k2 = jax.random.split(key)
    label = jax.random.randint(k1, (BATCH,), 0, NUM_CLASS + 1, dtype=jnp.int64 if jax.config.jax_enable_x64 else jnp.int32)
    embed_table = jax.random.normal(k2, (NUM_CLASS + 1, EMBED_DIM), dtype=jnp.float32) * 0.02
    return {"label": label, "embed_table": embed_table}

def reference(label, embed_table):
    # Faithful translation of ClassEmbed.forward with label provided (not None):
    # return self.embed(label) -> row gather from embedding table.
    return jnp.take(embed_table, label, axis=0)

if __name__ == "__main__":
    import jax
    _d = setup_inputs()
    print(jax.jit(kernel)(*tuple(_d.values())))

</pallas_src>

<mosaic_0001>
#map = affine_map<(d0, d1) -> (0)>
#map1 = affine_map<(d0, d1) -> (0, 0)>
module attributes {stable_mosaic.version = 14 : i64} {
  func.func @_embed_gather_t(%arg0: i32, %arg1: i32, %arg2: memref<16384xi32, #tpu.memory_space<hbm>>, %arg3: memref<32x1000001xf32, #tpu.memory_space<hbm>>, %arg4: memref<32x16384xf32, #tpu.memory_space<hbm>>, %arg5: memref<512xi32, #tpu.memory_space<vmem>>, %arg6: memref<16x32x128xf32, #tpu.memory_space<vmem>>, %arg7: memref<32x128xf32, #tpu.memory_space<vmem>>, %arg8: memref<!tpu.dma_semaphore, #tpu.memory_space<semaphore_mem>>) attributes {dimension_semantics = [#tpu.dimension_semantics<core_parallel>, #tpu.dimension_semantics<subcore_parallel>], iteration_bounds = array<i64: 2, 16>, scalar_prefetch = 0 : i64, scratch_operands = 4 : i64, tpu.core_type = #tpu.core_type<sc_vector_subcore>, window_params = [{transform_indices = #map}, {transform_indices = #map1}, {transform_indices = #map1}]} {
    %mul3A = arith.constant 2 : i32
    %mul3A_0 = arith.muli %arg1, %mul3A : i32
    %add3A = arith.addi %mul3A_0, %arg0 : i32
    %mul3A_1 = arith.constant 512 : i32
    %mul3A_2 = arith.muli %add3A, %mul3A_1 : i32
    "tpu.region"() ({
      %run_scoped3A = tpu.sem_alloc : memref<!tpu.dma_semaphore, #tpu.memory_space<semaphore_mem>>
      %dma_start3A_371 = tpu.memref_slice %arg2[%mul3A_2] : memref<16384xi32, #tpu.memory_space<hbm>> -> memref<512xi32, #tpu.memory_space<hbm>>
      %dma_start3A_372 = tpu.memref_slice %arg2[%mul3A_2] : memref<16384xi32, #tpu.memory_space<hbm>> -> memref<512xi32, #tpu.memory_space<hbm>>
      tpu.enqueue_dma source(%dma_start3A_372 : memref<512xi32, #tpu.memory_space<hbm>>) target(%arg5 : memref<512xi32, #tpu.memory_space<vmem>>) target_semaphore(%run_scoped3A : memref<!tpu.dma_semaphore, #tpu.memory_space<semaphore_mem>>)
      %dma_wait3A = tpu.memref_slice %arg2[%mul3A_2] : memref<16384xi32, #tpu.memory_space<hbm>> -> memref<512xi32, #tpu.memory_space<hbm>>
      %dma_wait3A_373 = tpu.memref_slice %arg2[%mul3A_2] : memref<16384xi32, #tpu.memory_space<hbm>> -> memref<512xi32, #tpu.memory_space<hbm>>
      tpu.wait_dma2 semaphore(%run_scoped3A : memref<!tpu.dma_semaphore, #tpu.memory_space<semaphore_mem>>) src(%dma_wait3A_373 : memref<512xi32, #tpu.memory_space<hbm>>) dst(%arg5 : memref<512xi32, #tpu.memory_space<vmem>>)
      tpu.yield
    }) : () -> ()
    %iota3A = tpu.iota {dimensions = array<i32: 0>} : vector<16xi32>
    %add3A_3 = arith.constant 16 : i32
    %add3A_4 = vector.broadcast %add3A_3 : i32 to vector<16xi32>
    %add3A_5 = arith.addi %iota3A, %add3A_4 : vector<16xi32>
    %multiple_of3A = arith.constant 0 : i32
    %multiple_of3A_6 = tpu.assume_multiple %multiple_of3A, 16 : i32
    %get3A = arith.index_cast %multiple_of3A_6 : i32 to index
    %get3A_7 = tpu.vector_load %arg5[%get3A] {strides = array<i32>} : memref<512xi32, #tpu.memory_space<vmem>>, vector<16xi32>,
    %jit3A = arith.constant 128 : i32
    %div3A = vector.broadcast %jit3A : i32 to vector<16xi32>
    %div3A_8 = arith.divsi %get3A_7, %div3A : vector<16xi32>
    %sign3A = arith.constant 0 : i32
    %sign3A_9 = vector.broadcast %sign3A : i32 to vector<16xi32>
    %sign3A_10 = arith.cmpi sgt, %get3A_7, %sign3A_9 : vector<16xi32>
    %sign3A_11 = arith.extui %sign3A_10 : vector<16xi1> to vector<16xi32>
    %sign3A_12 = arith.constant 0 : i32
    %sign3A_13 = vector.broadcast %sign3A_12 : i32 to vector<16xi32>
    %sign3A_14 = arith.cmpi slt, %get3A_7, %sign3A_13 : vector<16xi32>
    %sign3A_15 = arith.extui %sign3A_14 : vector<16xi1> to vector<16xi32>
    %sign3A_16 = arith.subi %sign3A_11, %sign3A_15 : vector<16xi32>
    %sign3A_17 = arith.constant 0 : i32
    %sign3A_18 = arith.cmpi sgt, %jit3A, %sign3A_17 : i32
    %sign3A_19 = arith.extui %sign3A_18 : i1 to i32
    %sign3A_20 = arith.constant 0 : i32
    %sign3A_21 = arith.cmpi slt, %jit3A, %sign3A_20 : i32
    %sign3A_22 = arith.extui %sign3A_21 : i1 to i32
    %sign3A_23 = arith.subi %sign3A_19, %sign3A_22 : i32
    %ne3A = vector.broadcast %sign3A_23 : i32 to vector<16xi32>
    %ne3A_24 = arith.cmpi ne, %sign3A_16, %ne3A : vector<16xi32>
    %rem3A = vector.broadcast %jit3A : i32 to vector<16xi32>
    %rem3A_25 = arith.remsi %get3A_7, %rem3A : vector<16xi32>
    %ne3A_26 = arith.constant 0 : i32
    %ne3A_27 = vector.broadcast %ne3A_26 : i32 to vector<16xi32>
    %ne3A_28 = arith.cmpi ne, %rem3A_25, %ne3A_27 : vector<16xi32>
    %and3A = arith.andi %ne3A_24, %ne3A_28 : vector<16xi1>
    %sub3A = arith.constant 1 : i32
    %sub3A_29 = vector.broadcast %sub3A : i32 to vector<16xi32>
    %sub3A_30 = arith.subi %div3A_8, %sub3A_29 : vector<16xi32>
    %select_n3A = arith.select %and3A, %sub3A_30, %div3A_8 : vector<16xi1>, vector<16xi32>
    %mul3A_31 = arith.constant 128 : i32
    %mul3A_32 = vector.broadcast %mul3A_31 : i32 to vector<16xi32>
    %mul3A_33 = arith.muli %select_n3A, %mul3A_32 : vector<16xi32>
    %jit3A_34 = arith.constant 128 : i32
    %eq3A = arith.constant 0 : i32
    %eq3A_35 = arith.cmpi eq, %jit3A_34, %eq3A : i32
    %jit3A_36 = arith.constant 1 : i32
    %select_n3A_37 = arith.select %eq3A_35, %jit3A_36, %jit3A_34 : i32
    %rem3A_38 = vector.broadcast %select_n3A_37 : i32 to vector<16xi32>
    %rem3A_39 = arith.remsi %get3A_7, %rem3A_38 : vector<16xi32>
    %ne3A_40 = arith.constant 0 : i32
    %ne3A_41 = vector.broadcast %ne3A_40 : i32 to vector<16xi32>
    %ne3A_42 = arith.cmpi ne, %rem3A_39, %ne3A_41 : vector<16xi32>
    %lt3A = arith.constant 0 : i32
    %lt3A_43 = vector.broadcast %lt3A : i32 to vector<16xi32>
    %lt3A_44 = arith.cmpi slt, %rem3A_39, %lt3A_43 : vector<16xi32>
    %lt3A_45 = arith.constant 0 : i32
    %lt3A_46 = arith.cmpi slt, %select_n3A_37, %lt3A_45 : i32
    %ne3A_47 = vector.broadcast %lt3A_46 : i1 to vector<16xi1>
    %ne3A_48 = vector.broadcast %ne3A_47 : vector<16xi1> to vector<16xi1>
    %ne3A_49 = arith.xori %lt3A_44, %ne3A_48 : vector<16xi1>
    %and3A_50 = arith.andi %ne3A_49, %ne3A_42 : vector<16xi1>
    %add3A_51 = vector.broadcast %select_n3A_37 : i32 to vector<16xi32>
    %add3A_52 = arith.addi %rem3A_39, %add3A_51 : vector<16xi32>
    %select_n3A_53 = arith.select %and3A_50, %add3A_52, %rem3A_39 : vector<16xi1>, vector<16xi32>
    %multiple_of3A_54 = arith.constant 16 : i32
    %multiple_of3A_55 = tpu.assume_multiple %multiple_of3A_54, 16 : i32
    %get3A_56 = arith.index_cast %multiple_of3A_55 : i32 to index
    %get3A_57 = tpu.vector_load %arg5[%get3A_56] {strides = array<i32>} : memref<512xi32, #tpu.memory_space<vmem>>, vector<16xi32>,
    %jit3A_58 = arith.constant 128 : i32
    %div3A_59 = vector.broadcast %jit3A_58 : i32 to vector<16xi32>
    %div3A_60 = arith.divsi %get3A_57, %div3A_59 : vector<16xi32>
    %sign3A_61 = arith.constant 0 : i32
    %sign3A_62 = vector.broadcast %sign3A_61 : i32 to vector<16xi32>
    %sign3A_63 = arith.cmpi sgt, %get3A_57, %sign3A_62 : vector<16xi32>
    %sign3A_64 = arith.extui %sign3A_63 : vector<16xi1> to vector<16xi32>
    %sign3A_65 = arith.constant 0 : i32
    %sign3A_66 = vector.broadcast %sign3A_65 : i32 to vector<16xi32>
    %sign3A_67 = arith.cmpi slt, %get3A_57, %sign3A_66 : vector<16xi32>
    %sign3A_68 = arith.extui %sign3A_67 : vector<16xi1> to vector<16xi32>
    %sign3A_69 = arith.subi %sign3A_64, %sign3A_68 : vector<16xi32>
    %sign3A_70 = arith.constant 0 : i32
    %sign3A_71 = arith.cmpi sgt, %jit3A_58, %sign3A_70 : i32
    %sign3A_72 = arith.extui %sign3A_71 : i1 to i32
    %sign3A_73 = arith.constant 0 : i32
    %sign3A_74 = arith.cmpi slt, %jit3A_58, %sign3A_73 : i32
    %sign3A_75 = arith.extui %sign3A_74 : i1 to i32
    %sign3A_76 = arith.subi %sign3A_72, %sign3A_75 : i32
    %ne3A_77 = vector.broadcast %sign3A_76 : i32 to vector<16xi32>
    %ne3A_78 = arith.cmpi ne, %sign3A_69, %ne3A_77 : vector<16xi32>
    %rem3A_79 = vector.broadcast %jit3A_58 : i32 to vector<16xi32>
    %rem3A_80 = arith.remsi %get3A_57, %rem3A_79 : vector<16xi32>
    %ne3A_81 = arith.constant 0 : i32
    %ne3A_82 = vector.broadcast %ne3A_81 : i32 to vector<16xi32>
    %ne3A_83 = arith.cmpi ne, %rem3A_80, %ne3A_82 : vector<16xi32>
    %and3A_84 = arith.andi %ne3A_78, %ne3A_83 : vector<16xi1>
    %sub3A_85 = arith.constant 1 : i32
    %sub3A_86 = vector.broadcast %sub3A_85 : i32 to vector<16xi32>
    %sub3A_87 = arith.subi %div3A_60, %sub3A_86 : vector<16xi32>
    %select_n3A_88 = arith.select %and3A_84, %sub3A_87, %div3A_60 : vector<16xi1>, vector<16xi32>
    %mul3A_89 = arith.constant 128 : i32
    %mul3A_90 = vector.broadcast %mul3A_89 : i32 to vector<16xi32>
    %mul3A_91 = arith.muli %select_n3A_88, %mul3A_90 : vector<16xi32>
    %jit3A_92 = arith.constant 128 : i32
    %eq3A_93 = arith.constant 0 : i32
    %eq3A_94 = arith.cmpi eq, %jit3A_92, %eq3A_93 : i32
    %jit3A_95 = arith.constant 1 : i32
    %select_n3A_96 = arith.select %eq3A_94, %jit3A_95, %jit3A_92 : i32
    %rem3A_97 = vector.broadcast %select_n3A_96 : i32 to vector<16xi32>
    %rem3A_98 = arith.remsi %get3A_57, %rem3A_97 : vector<16xi32>
    %ne3A_99 = arith.constant 0 : i32
    %ne3A_100 = vector.broadcast %ne3A_99 : i32 to vector<16xi32>
    %ne3A_101 = arith.cmpi ne, %rem3A_98, %ne3A_100 : vector<16xi32>
    %lt3A_102 = arith.constant 0 : i32
    %lt3A_103 = vector.broadcast %lt3A_102 : i32 to vector<16xi32>
    %lt3A_104 = arith.cmpi slt, %rem3A_98, %lt3A_103 : vector<16xi32>
    %lt3A_105 = arith.constant 0 : i32
    %lt3A_106 = arith.cmpi slt, %select_n3A_96, %lt3A_105 : i32
    %ne3A_107 = vector.broadcast %lt3A_106 : i1 to vector<16xi1>
    %ne3A_108 = vector.broadcast %ne3A_107 : vector<16xi1> to vector<16xi1>
    %ne3A_109 = arith.xori %lt3A_104, %ne3A_108 : vector<16xi1>
    %and3A_110 = arith.andi %ne3A_109, %ne3A_101 : vector<16xi1>
    %add3A_111 = vector.broadcast %select_n3A_96 : i32 to vector<16xi32>
    %add3A_112 = arith.addi %rem3A_98, %add3A_111 : vector<16xi32>
    %select_n3A_113 = arith.select %and3A_110, %add3A_112, %rem3A_98 : vector<16xi1>, vector<16xi32>
    %slice3A = vector.extract_strided_slice %mul3A_33 {offsets = [0], sizes = [1], strides = [1]} : vector<16xi32> to vector<1xi32>
    %squeeze3A = vector.extract %slice3A[0] : i32 from vector<1xi32>
    %multiple_of3A_114 = tpu.assume_multiple %squeeze3A, 128 : i32
    %dma_start3A = arith.constant 0 : i32
    %dma_start3A_115 = arith.constant 0 : i32
    %dma_start3A_116 = arith.constant 0 : i32
    %dma_start3A_117 = tpu.memref_slice %arg6[%dma_start3A, %dma_start3A_115, %dma_start3A_116] : memref<16x32x128xf32, #tpu.memory_space<vmem>> -> memref<1x32x128xf32, #tpu.memory_space<vmem>>
    %dma_start3A_118 = tpu.memref_squeeze %dma_start3A_117 : memref<1x32x128xf32, #tpu.memory_space<vmem>> -> memref<32x128xf32, #tpu.memory_space<vmem>>
    %dma_start3A_119 = arith.constant 0 : i32
    %dma_start3A_120 = tpu.memref_slice %arg3[%dma_start3A_119, %multiple_of3A_114] : memref<32x1000001xf32, #tpu.memory_space<hbm>> -> memref<32x128xf32, #tpu.memory_space<hbm>>
    %dma_start3A_121 = arith.constant 0 : i32
    %dma_start3A_122 = arith.constant 0 : i32
    %dma_start3A_123 = tpu.memref_slice %arg6[%dma_start3A, %dma_start3A_121, %dma_start3A_122] : memref<16x32x128xf32, #tpu.memory_space<vmem>> -> memref<1x32x128xf32, #tpu.memory_space<vmem>>
    %dma_start3A_124 = tpu.memref_squeeze %dma_start3A_123 : memref<1x32x128xf32, #tpu.memory_space<vmem>> -> memref<32x128xf32, #tpu.memory_space<vmem>>
    %dma_start3A_125 = arith.constant 0 : i32
    %dma_start3A_126 = tpu.memref_slice %arg3[%dma_start3A_125, %multiple_of3A_114] : memref<32x1000001xf32, #tpu.memory_space<hbm>> -> memref<32x128xf32, #tpu.memory_space<hbm>>
    tpu.enqueue_dma source(%dma_start3A_126 : memref<32x128xf32, #tpu.memory_space<hbm>>) target(%dma_start3A_124 : memref<32x128xf32, #tpu.memory_space<vmem>>) target_semaphore(%arg8 : memref<!tpu.dma_semaphore, #tpu.memory_space<semaphore_mem>>)
    %slice3A_127 = vector.extract_strided_slice %mul3A_33 {offsets = [1], sizes = [1], strides = [1]} : vector<16xi32> to vector<1xi32>
    %squeeze3A_128 = vector.extract %slice3A_127[0] : i32 from vector<1xi32>
    %multiple_of3A_129 = tpu.assume_multiple %squeeze3A_128, 128 : i32
    %dma_start3A_130 = arith.constant 1 : i32
    %dma_start3A_131 = arith.constant 0 : i32
    %dma_start3A_132 = arith.constant 0 : i32
    %dma_start3A_133 = tpu.memref_slice %arg6[%dma_start3A_130, %dma_start3A_131, %dma_start3A_132] : memref<16x32x128xf32, #tpu.memory_space<vmem>> -> memref<1x32x128xf32, #tpu.memory_space<vmem>>
    %dma_start3A_134 = tpu.memref_squeeze %dma_start3A_133 : memref<1x32x128xf32, #tpu.memory_space<vmem>> -> memref<32x128xf32, #tpu.memory_space<vmem>>
    %dma_start3A_135 = arith.constant 0 : i32
    %dma_start3A_136 = tpu.memref_slice %arg3[%dma_start3A_135, %multiple_of3A_129] : memref<32x1000001xf32, #tpu.memory_space<hbm>> -> memref<32x128xf32, #tpu.memory_space<hbm>>
    %dma_start3A_137 = arith.constant 0 : i32
    %dma_start3A_138 = arith.constant 0 : i32
    %dma_start3A_139 = tpu.memref_slice %arg6[%dma_start3A_130, %dma_start3A_137, %dma_start3A_138] : memref<16x32x128xf32, #tpu.memory_space<vmem>> -> memref<1x32x128xf32, #tpu.memory_space<vmem>>
    %dma_start3A_140 = tpu.memref_squeeze %dma_start3A_139 : memref<1x32x128xf32, #tpu.memory_space<vmem>> -> memref<32x128xf32, #tpu.memory_space<vmem>>
    %dma_start3A_141 = arith.constant 0 : i32
    %dma_start3A_142 = tpu.memref_slice %arg3[%dma_start3A_141, %multiple_of3A_129] : memref<32x1000001xf32, #tpu.memory_space<hbm>> -> memref<32x128xf32, #tpu.memory_space<hbm>>
    tpu.enqueue_dma source(%dma_start3A_142 : memref<32x128xf32, #tpu.memory_space<hbm>>) target(%dma_start3A_140 : memref<32x128xf32, #tpu.memory_space<vmem>>) target_semaphore(%arg8 : memref<!tpu.dma_semaphore, #tpu.memory_space<semaphore_mem>>)
    %slice3A_143 = vector.extract_strided_slice %mul3A_33 {offsets = [2], sizes = [1], strides = [1]} : vector<16xi32> to vector<1xi32>
    %squeeze3A_144 = vector.extract %slice3A_143[0] : i32 from vector<1xi32>
    %multiple_of3A_145 = tpu.assume_multiple %squeeze3A_144, 128 : i32
    %dma_start3A_146 = arith.constant 2 : i32
    %dma_start3A_147 = arith.constant 0 : i32
    %dma_start3A_148 = arith.constant 0 : i32
    %dma_start3A_149 = tpu.memref_slice %arg6[%dma_start3A_146, %dma_start3A_147, %dma_start3A_148] : memref<16x32x128xf32, #tpu.memory_space<vmem>> -> memref<1x32x128xf32, #tpu.memory_space<vmem>>
    %dma_start3A_150 = tpu.memref_squeeze %dma_start3A_149 : memref<1x32x128xf32, #tpu.memory_space<vmem>> -> memref<32x128xf32, #tpu.memory_space<vmem>>
    %dma_start3A_151 = arith.constant 0 : i32
    %dma_start3A_152 = tpu.memref_slice %arg3[%dma_start3A_151, %multiple_of3A_145] : memref<32x1000001xf32, #tpu.memory_space<hbm>> -> memref<32x128xf32, #tpu.memory_space<hbm>>
    %dma_start3A_153 = arith.constant 0 : i32
    %dma_start3A_154 = arith.constant 0 : i32
    %dma_start3A_155 = tpu.memref_slice %arg6[%dma_start3A_146, %dma_start3A_153, %dma_start3A_154] : memref<16x32x128xf32, #tpu.memory_space<vmem>> -> memref<1x32x128xf32, #tpu.memory_space<vmem>>
    %dma_start3A_156 = tpu.memref_squeeze %dma_start3A_155 : memref<1x32x128xf32, #tpu.memory_space<vmem>> -> memref<32x128xf32, #tpu.memory_space<vmem>>
    %dma_start3A_157 = arith.constant 0 : i32
    %dma_start3A_158 = tpu.memref_slice %arg3[%dma_start3A_157, %multiple_of3A_145] : memref<32x1000001xf32, #tpu.memory_space<hbm>> -> memref<32x128xf32, #tpu.memory_space<hbm>>
    tpu.enqueue_dma source(%dma_start3A_158 : memref<32x128xf32, #tpu.memory_space<hbm>>) target(%dma_start3A_156 : memref<32x128xf32, #tpu.memory_space<vmem>>) target_semaphore(%arg8 : memref<!tpu.dma_semaphore, #tpu.memory_space<semaphore_mem>>)
    %slice3A_159 = vector.extract_strided_slice %mul3A_33 {offsets = [3], sizes = [1], strides = [1]} : vector<16xi32> to vector<1xi32>
    %squeeze3A_160 = vector.extract %slice3A_159[0] : i32 from vector<1xi32>
    %multiple_of3A_161 = tpu.assume_multiple %squeeze3A_160, 128 : i32
    %dma_start3A_162 = arith.constant 3 : i32
    %dma_start3A_163 = arith.constant 0 : i32
    %dma_start3A_164 = arith.constant 0 : i32
    %dma_start3A_165 = tpu.memref_slice %arg6[%dma_start3A_162, %dma_start3A_163, %dma_start3A_164] : memref<16x32x128xf32, #tpu.memory_space<vmem>> -> memref<1x32x128xf32, #tpu.memory_space<vmem>>
    %dma_start3A_166 = tpu.memref_squeeze %dma_start3A_165 : memref<1x32x128xf32, #tpu.memory_space<vmem>> -> memref<32x128xf32, #tpu.memory_space<vmem>>
    %dma_start3A_167 = arith.constant 0 : i32
    %dma_start3A_168 = tpu.memref_slice %arg3[%dma_start3A_167, %multiple_of3A_161] : memref<32x1000001xf32, #tpu.memory_space<hbm>> -> memref<32x128xf32, #tpu.memory_space<hbm>>
    %dma_start3A_169 = arith.constant 0 : i32
    %dma_start3A_170 = arith.constant 0 : i32
    %dma_start3A_171 = tpu.memref_slice %arg6[%dma_start3A_162, %dma_start3A_169, %dma_start3A_170] : memref<16x32x128xf32, #tpu.memory_space<vmem>> -> memref<1x32x128xf32, #tpu.memory_space<vmem>>
    %dma_start3A_172 = tpu.memref_squeeze %dma_start3A_171 : memref<1x32x128xf32, #tpu.memory_space<vmem>> -> memref<32x128xf32, #tpu.memory_space<vmem>>
    %dma_start3A_173 = arith.constant 0 : i32
    %dma_start3A_174 = tpu.memref_slice %arg3[%dma_start3A_173, %multiple_of3A_161] : memref<32x1000001xf32, #tpu.memory_space<hbm>> -> memref<32x128xf32, #tpu.memory_space<hbm>>
    tpu.enqueue_dma source(%dma_start3A_174 : memref<32x128xf32, #tpu.memory_space<hbm>>) target(%dma_start3A_172 : memref<32x128xf32, #tpu.memory_space<vmem>>) target_semaphore(%arg8 : memref<!tpu.dma_semaphore, #tpu.memory_space<semaphore_mem>>)
    %slice3A_175 = vector.extract_strided_slice %mul3A_33 {offsets = [4], sizes = [1], strides = [1]} : vector<16xi32> to vector<1xi32>
    %squeeze3A_176 = vector.extract %slice3A_175[0] : i32 from vector<1xi32>
    %multiple_of3A_177 = tpu.assume_multiple %squeeze3A_176, 128 : i32
    %dma_start3A_178 = arith.constant 4 : i32
    %dma_start3A_179 = arith.constant 0 : i32
    %dma_start3A_180 = arith.constant 0 : i32
    %dma_start3A_181 = tpu.memref_slice %arg6[%dma_start3A_178, %dma_start3A_179, %dma_start3A_180] : memref<16x32x128xf32, #tpu.memory_space<vmem>> -> memref<1x32x128xf32, #tpu.memory_space<vmem>>
    %dma_start3A_182 = tpu.memref_squeeze %dma_start3A_181 : memref<1x32x128xf32, #tpu.memory_space<vmem>> -> memref<32x128xf32, #tpu.memory_space<vmem>>
    %dma_start3A_183 = arith.constant 0 : i32
    %dma_start3A_184 = tpu.memref_slice %arg3[%dma_start3A_183, %multiple_of3A_177] : memref<32x1000001xf32, #tpu.memory_space<hbm>> -> memref<32x128xf32, #tpu.memory_space<hbm>>
    %dma_start3A_185 = arith.constant 0 : i32
    %dma_start3A_186 = arith.constant 0 : i32
    %dma_start3A_187 = tpu.memref_slice %arg6[%dma_start3A_178, %dma_start3A_185, %dma_start3A_186] : memref<16x32x128xf32, #tpu.memory_space<vmem>> -> memref<1x32x128xf32, #tpu.memory_space<vmem>>
    %dma_start3A_188 = tpu.memref_squeeze %dma_start3A_187 : memref<1x32x128xf32, #tpu.memory_space<vmem>> -> memref<32x128xf32, #tpu.memory_space<vmem>>
    %dma_start3A_189 = arith.constant 0 : i32
    %dma_start3A_190 = tpu.memref_slice %arg3[%dma_start3A_189, %multiple_of3A_177] : memref<32x1000001xf32, #tpu.memory_space<hbm>> -> memref<32x128xf32, #tpu.memory_space<hbm>>
    tpu.enqueue_dma source(%dma_start3A_190 : memref<32x128xf32, #tpu.memory_space<hbm>>) target(%dma_start3A_188 : memref<32x128xf32, #tpu.memory_space<vmem>>) target_semaphore(%arg8 : memref<!tpu.dma_semaphore, #tpu.memory_space<semaphore_mem>>)
    %slice3A_191 = vector.extract_strided_slice %mul3A_33 {offsets = [5], sizes = [1], strides = [1]} : vector<16xi32> to vector<1xi32>
    %squeeze3A_192 = vector.extract %slice3A_191[0] : i32 from vector<1xi32>
    %multiple_of3A_193 = tpu.assume_multiple %squeeze3A_192, 128 : i32
    %dma_start3A_194 = arith.constant 5 : i32
    %dma_start3A_195 = arith.constant 0 : i32
    %dma_start3A_196 = arith.constant 0 : i32
    %dma_start3A_197 = tpu.memref_slice %arg6[%dma_start3A_194, %dma_start3A_195, %dma_start3A_196] : memref<16x32x128xf32, #tpu.memory_space<vmem>> -> memref<1x32x128xf32, #tpu.memory_space<vmem>>
    %dma_start3A_198 = tpu.memref_squeeze %dma_start3A_197 : memref<1x32x128xf32, #tpu.memory_space<vmem>> -> memref<32x128xf32, #tpu.memory_space<vmem>>
    %dma_start3A_199 = arith.constant 0 : i32
    %dma_start3A_200 = tpu.memref_slice %arg3[%dma_start3A_199, %multiple_of3A_193] : memref<32x1000001xf32, #tpu.memory_space<hbm>> -> memref<32x128xf32, #tpu.memory_space<hbm>>
    %dma_start3A_201 = arith.constant 0 : i32
    %dma_start3A_202 = arith.constant 0 : i32
    %dma_start3A_203 = tpu.memref_slice %arg6[%dma_start3A_194, %dma_start3A_201, %dma_start3A_202] : memref<16x32x128xf32, #tpu.memory_space<vmem>> -> memref<1x32x128xf32, #tpu.memory_space<vmem>>
    %dma_start3A_204 = tpu.memref_squeeze %dma_start3A_203 : memref<1x32x128xf32, #tpu.memory_space<vmem>> -> memref<32x128xf32, #tpu.memory_space<vmem>>
    %dma_start3A_205 = arith.constant 0 : i32
    %dma_start3A_206 = tpu.memref_slice %arg3[%dma_start3A_205, %multiple_of3A_193] : memref<32x1000001xf32, #tpu.memory_space<hbm>> -> memref<32x128xf32, #tpu.memory_space<hbm>>
    tpu.enqueue_dma source(%dma_start3A_206 : memref<32x128xf32, #tpu.memory_space<hbm>>) target(%dma_start3A_204 : memref<32x128xf32, #tpu.memory_space<vmem>>) target_semaphore(%arg8 : memref<!tpu.dma_semaphore, #tpu.memory_space<semaphore_mem>>)
    %slice3A_207 = vector.extract_strided_slice %mul3A_33 {offsets = [6], sizes = [1], strides = [1]} : vector<16xi32> to vector<1xi32>
    %squeeze3A_208 = vector.extract %slice3A_207[0] : i32 from vector<1xi32>
    %multiple_of3A_209 = tpu.assume_multiple %squeeze3A_208, 128 : i32
    %dma_start3A_210 = arith.constant 6 : i32
    %dma_start3A_211 = arith.constant 0 : i32
    %dma_start3A_212 = arith.constant 0 : i32
    %dma_start3A_213 = tpu.memref_slice %arg6[%dma_start3A_210, %dma_start3A_211, %dma_start3A_212] : memref<16x32x128xf32, #tpu.memory_space<vmem>> -> memref<1x32x128xf32, #tpu.memory_space<vmem>>
    %dma_start3A_214 = tpu.memref_squeeze %dma_start3A_213 : memref<1x32x128xf32, #tpu.memory_space<vmem>> -> memref<32x128xf32, #tpu.memory_space<vmem>>
    %dma_start3A_215 = arith.constant 0 : i32
    %dma_start3A_216 = tpu.memref_slice %arg3[%dma_start3A_215, %multiple_of3A_209] : memref<32x1000001xf32, #tpu.memory_space<hbm>> -> memref<32x128xf32, #tpu.memory_space<hbm>>
    %dma_start3A_217 = arith.constant 0 : i32
    %dma_start3A_218 = arith.constant 0 : i32
    %dma_start3A_219 = tpu.memref_slice %arg6[%dma_start3A_210, %dma_start3A_217, %dma_start3A_218] : memref<16x32x128xf32, #tpu.memory_space<vmem>> -> memref<1x32x128xf32, #tpu.memory_space<vmem>>
    %dma_start3A_220 = tpu.memref_squeeze %dma_start3A_219 : memref<1x32x128xf32, #tpu.memory_space<vmem>> -> memref<32x128xf32, #tpu.memory_space<vmem>>
    %dma_start3A_221 = arith.constant 0 : i32
    %dma_start3A_222 = tpu.memref_slice %arg3[%dma_start3A_221, %multiple_of3A_209] : memref<32x1000001xf32, #tpu.memory_space<hbm>> -> memref<32x128xf32, #tpu.memory_space<hbm>>
    tpu.enqueue_dma source(%dma_start3A_222 : memref<32x128xf32, #tpu.memory_space<hbm>>) target(%dma_start3A_220 : memref<32x128xf32, #tpu.memory_space<vmem>>) target_semaphore(%arg8 : memref<!tpu.dma_semaphore, #tpu.memory_space<semaphore_mem>>)
    %slice3A_223 = vector.extract_strided_slice %mul3A_33 {offsets = [7], sizes = [1], strides = [1]} : vector<16xi32> to vector<1xi32>
    %squeeze3A_224 = vector.extract %slice3A_223[0] : i32 from vector<1xi32>
    %multiple_of3A_225 = tpu.assume_multiple %squeeze3A_224, 128 : i32
    %dma_start3A_226 = arith.constant 7 : i32
    %dma_start3A_227 = arith.constant 0 : i32
    %dma_start3A_228 = arith.constant 0 : i32
    %dma_start3A_229 = tpu.memref_slice %arg6[%dma_start3A_226, %dma_start3A_227, %dma_start3A_228] : memref<16x32x128xf32, #tpu.memory_space<vmem>> -> memref<1x32x128xf32, #tpu.memory_space<vmem>>
    %dma_start3A_230 = tpu.memref_squeeze %dma_start3A_229 : memref<1x32x128xf32, #tpu.memory_space<vmem>> -> memref<32x128xf32, #tpu.memory_space<vmem>>
    %dma_start3A_231 = arith.constant 0 : i32
    %dma_start3A_232 = tpu.memref_slice %arg3[%dma_start3A_231, %multiple_of3A_225] : memref<32x1000001xf32, #tpu.memory_space<hbm>> -> memref<32x128xf32, #tpu.memory_space<hbm>>
    %dma_start3A_233 = arith.constant 0 : i32
    %dma_start3A_234 = arith.constant 0 : i32
    %dma_start3A_235 = tpu.memref_slice %arg6[%dma_start3A_226, %dma_start3A_233, %dma_start3A_234] : memref<16x32x128xf32, #tpu.memory_space<vmem>> -> memref<1x32x128xf32, #tpu.memory_space<vmem>>
    %dma_start3A_236 = tpu.memref_squeeze %dma_start3A_235 : memref<1x32x128xf32, #tpu.memory_space<vmem>> -> memref<32x128xf32, #tpu.memory_space<vmem>>
    %dma_start3A_237 = arith.constant 0 : i32
    %dma_start3A_238 = tpu.memref_slice %arg3[%dma_start3A_237, %multiple_of3A_225] : memref<32x1000001xf32, #tpu.memory_space<hbm>> -> memref<32x128xf32, #tpu.memory_space<hbm>>
    tpu.enqueue_dma source(%dma_start3A_238 : memref<32x128xf32, #tpu.memory_space<hbm>>) target(%dma_start3A_236 : memref<32x128xf32, #tpu.memory_space<vmem>>) target_semaphore(%arg8 : memref<!tpu.dma_semaphore, #tpu.memory_space<semaphore_mem>>)
    %slice3A_239 = vector.extract_strided_slice %mul3A_33 {offsets = [8], sizes = [1], strides = [1]} : vector<16xi32> to vector<1xi32>
    %squeeze3A_240 = vector.extract %slice3A_239[0] : i32 from vector<1xi32>
    %multiple_of3A_241 = tpu.assume_multiple %squeeze3A_240, 128 : i32
    %dma_start3A_242 = arith.constant 8 : i32
    %dma_start3A_243 = arith.constant 0 : i32
    %dma_start3A_244 = arith.constant 0 : i32
    %dma_start3A_245 = tpu.memref_slice %arg6[%dma_start3A_242, %dma_start3A_243, %dma_start3A_244] : memref<16x32x128xf32, #tpu.memory_space<vmem>> -> memref<1x32x128xf32, #tpu.memory_space<vmem>>
    %dma_start3A_246 = tpu.memref_squeeze %dma_start3A_245 : memref<1x32x128xf32, #tpu.memory_space<vmem>> -> memref<32x128xf32, #tpu.memory_space<vmem>>
    %dma_start3A_247 = arith.constant 0 : i32
    %dma_start3A_248 = tpu.memref_slice %arg3[%dma_start3A_247, %multiple_of3A_241] : memref<32x1000001xf32, #tpu.memory_space<hbm>> -> memref<32x128xf32, #tpu.memory_space<hbm>>
    %dma_start3A_249 = arith.constant 0 : i32
    %dma_start3A_250 = arith.constant 0 : i32
    %dma_start3A_251 = tpu.memref_slice %arg6[%dma_start3A_242, %dma_start3A_249, %dma_start3A_250] : memref<16x32x128xf32, #tpu.memory_space<vmem>> -> memref<1x32x128xf32, #tpu.memory_space<vmem>>
    %dma_start3A_252 = tpu.memref_squeeze %dma_start3A_251 : memref<1x32x128xf32, #tpu.memory_space<vmem>> -> memref<32x128xf32, #tpu.memory_space<vmem>>
    %dma_start3A_253 = arith.constant 0 : i32
    %dma_start3A_254 = tpu.memref_slice %arg3[%dma_start3A_253, %multiple_of3A_241] : memref<32x1000001xf32, #tpu.memory_space<hbm>> -> memref<32x128xf32, #tpu.memory_space<hbm>>
    tpu.enqueue_dma source(%dma_start3A_254 : memref<32x128xf32, #tpu.memory_space<hbm>>) target(%dma_start3A_252 : memref<32x128xf32, #tpu.memory_space<vmem>>) target_semaphore(%arg8 : memref<!tpu.dma_semaphore, #tpu.memory_space<semaphore_mem>>)
    %slice3A_255 = vector.extract_strided_slice %mul3A_33 {offsets = [9], sizes = [1], strides = [1]} : vector<16xi32> to vector<1xi32>
    %squeeze3A_256 = vector.extract %slice3A_255[0] : i32 from vector<1xi32>
    %multiple_of3A_257 = tpu.assume_multiple %squeeze3A_256, 128 : i32
    %dma_start3A_258 = arith.constant 9 : i32
    %dma_start3A_259 = arith.constant 0 : i32
    %dma_start3A_260 = arith.constant 0 : i32
    %dma_start3A_261 = tpu.memref_slice %arg6[%dma_start3A_258, %dma_start3A_259, %dma_start3A_260] : memref<16x32x128xf32, #tpu.memory_space<vmem>> -> memref<1x32x128xf32, #tpu.memory_space<vmem>>
    %dma_start3A_262 = tpu.memref_squeeze %dma_start3A_261 : memref<1x32x128xf32, #tpu.memory_space<vmem>> -> memref<32x128xf32, #tpu.memory_space<vmem>>
    %dma_start3A_263 = arith.constant 0 : i32
    %dma_start3A_264 = tpu.memref_slice %arg3[%dma_start3A_263, %multiple_of3A_257] : memref<32x1000001xf32, #tpu.memory_space<hbm>> -> memref<32x128xf32, #tpu.memory_space<hbm>>
    %dma_start3A_265 = arith.constant 0 : i32
    %dma_start3A_266 = arith.constant 0 : i32
    %dma_start3A_267 = tpu.memref_slice %arg6[%dma_start3A_258, %dma_start3A_265, %dma_start3A_266] : memref<16x32x128xf32, #tpu.memory_space<vmem>> -> memref<1x32x128xf32, #tpu.memory_space<vmem>>
    %dma_start3A_268 = tpu.memref_squeeze %dma_start3A_267 : memref<1x32x128xf32, #tpu.memory_space<vmem>> -> memref<32x128xf32, #tpu.memory_space<vmem>>
    %dma_start3A_269 = arith.constant 0 : i32
    %dma_start3A_270 = tpu.memref_slice %arg3[%dma_start3A_269, %multiple_of3A_257] : memref<32x1000001xf32, #tpu.memory_space<hbm>> -> memref<32x128xf32, #tpu.memory_space<hbm>>
    tpu.enqueue_dma source(%dma_start3A_270 : memref<32x128xf32, #tpu.memory_space<hbm>>) target(%dma_start3A_268 : memref<32x128xf32, #tpu.memory_space<vmem>>) target_semaphore(%arg8 : memref<!tpu.dma_semaphore, #tpu.memory_space<semaphore_mem>>)
    %slice3A_271 = vector.extract_strided_slice %mul3A_33 {offsets = [10], sizes = [1], strides = [1]} : vector<16xi32> to vector<1xi32>
    %squeeze3A_272 = vector.extract %slice3A_271[0] : i32 from vector<1xi32>
    %multiple_of3A_273 = tpu.assume_multiple %squeeze3A_272, 128 : i32
    %dma_start3A_274 = arith.constant 10 : i32
    %dma_start3A_275 = arith.constant 0 : i32
    %dma_start3A_276 = arith.constant 0 : i32
    %dma_start3A_277 = tpu.memref_slice %arg6[%dma_start3A_274, %dma_start3A_275, %dma_start3A_276] : memref<16x32x128xf32, #tpu.memory_space<vmem>> -> memref<1x32x128xf32, #tpu.memory_space<vmem>>
    %dma_start3A_278 = tpu.memref_squeeze %dma_start3A_277 : memref<1x32x128xf32, #tpu.memory_space<vmem>> -> memref<32x128xf32, #tpu.memory_space<vmem>>
    %dma_start3A_279 = arith.constant 0 : i32
    %dma_start3A_280 = tpu.memref_slice %arg3[%dma_start3A_279, %multiple_of3A_273] : memref<32x1000001xf32, #tpu.memory_space<hbm>> -> memref<32x128xf32, #tpu.memory_space<hbm>>
    %dma_start3A_281 = arith.constant 0 : i32
    %dma_start3A_282 = arith.constant 0 : i32
    %dma_start3A_283 = tpu.memref_slice %arg6[%dma_start3A_274, %dma_start3A_281, %dma_start3A_282] : memref<16x32x128xf32, #tpu.memory_space<vmem>> -> memref<1x32x128xf32, #tpu.memory_space<vmem>>
    %dma_start3A_284 = tpu.memref_squeeze %dma_start3A_283 : memref<1x32x128xf32, #tpu.memory_space<vmem>> -> memref<32x128xf32, #tpu.memory_space<vmem>>
    %dma_start3A_285 = arith.constant 0 : i32
    %dma_start3A_286 = tpu.memref_slice %arg3[%dma_start3A_285, %multiple_of3A_273] : memref<32x1000001xf32, #tpu.memory_space<hbm>> -> memref<32x128xf32, #tpu.memory_space<hbm>>
    tpu.enqueue_dma source(%dma_start3A_286 : memref<32x128xf32, #tpu.memory_space<hbm>>) target(%dma_start3A_284 : memref<32x128xf32, #tpu.memory_space<vmem>>) target_semaphore(%arg8 : memref<!tpu.dma_semaphore, #tpu.memory_space<semaphore_mem>>)
    %slice3A_287 = vector.extract_strided_slice %mul3A_33 {offsets = [11], sizes = [1], strides = [1]} : vector<16xi32> to vector<1xi32>
    %squeeze3A_288 = vector.extract %slice3A_287[0] : i32 from vector<1xi32>
    %multiple_of3A_289 = tpu.assume_multiple %squeeze3A_288, 128 : i32
    %dma_start3A_290 = arith.constant 11 : i32
    %dma_start3A_291 = arith.constant 0 : i32
    %dma_start3A_292 = arith.constant 0 : i32
    %dma_start3A_293 = tpu.memref_slice %arg6[%dma_start3A_290, %dma_start3A_291, %dma_start3A_292] : memref<16x32x128xf32, #tpu.memory_space<vmem>> -> memref<1x32x128xf32, #tpu.memory_space<vmem>>
    %dma_start3A_294 = tpu.memref_squeeze %dma_start3A_293 : memref<1x32x128xf32, #tpu.memory_space<vmem>> -> memref<32x128xf32, #tpu.memory_space<vmem>>
    %dma_start3A_295 = arith.constant 0 : i32
    %dma_start3A_296 = tpu.memref_slice %arg3[%dma_start3A_295, %multiple_of3A_289] : memref<32x1000001xf32, #tpu.memory_space<hbm>> -> memref<32x128xf32, #tpu.memory_space<hbm>>
    %dma_start3A_297 = arith.constant 0 : i32
    %dma_start3A_298 = arith.constant 0 : i32
    %dma_start3A_299 = tpu.memref_slice %arg6[%dma_start3A_290, %dma_start3A_297, %dma_start3A_298] : memref<16x32x128xf32, #tpu.memory_space<vmem>> -> memref<1x32x128xf32, #tpu.memory_space<vmem>>
    %dma_start3A_300 = tpu.memref_squeeze %dma_start3A_299 : memref<1x32x128xf32, #tpu.memory_space<vmem>> -> memref<32x128xf32, #tpu.memory_space<vmem>>
    %dma_start3A_301 = arith.constant 0 : i32
    %dma_start3A_302 = tpu.memref_slice %arg3[%dma_start3A_301, %multiple_of3A_289] : memref<32x1000001xf32, #tpu.memory_space<hbm>> -> memref<32x128xf32, #tpu.memory_space<hbm>>
    tpu.enqueue_dma source(%dma_start3A_302 : memref<32x128xf32, #tpu.memory_space<hbm>>) target(%dma_start3A_300 : memref<32x128xf32, #tpu.memory_space<vmem>>) target_semaphore(%arg8 : memref<!tpu.dma_semaphore, #tpu.memory_space<semaphore_mem>>)
    %slice3A_303 = vector.extract_strided_slice %mul3A_33 {offsets = [12], sizes = [1], strides = [1]} : vector<16xi32> to vector<1xi32>
    %squeeze3A_304 = vector.extract %slice3A_303[0] : i32 from vector<1xi32>
    %multiple_of3A_305 = tpu.assume_multiple %squeeze3A_304, 128 : i32
    %dma_start3A_306 = arith.constant 12 : i32
    %dma_start3A_307 = arith.constant 0 : i32
    %dma_start3A_308 = arith.constant 0 : i32
    %dma_start3A_309 = tpu.memref_slice %arg6[%dma_start3A_306, %dma_start3A_307, %dma_start3A_308] : memref<16x32x128xf32, #tpu.memory_space<vmem>> -> memref<1x32x128xf32, #tpu.memory_space<vmem>>
    %dma_start3A_310 = tpu.memref_squeeze %dma_start3A_309 : memref<1x32x128xf32, #tpu.memory_space<vmem>> -> memref<32x128xf32, #tpu.memory_space<vmem>>
    %dma_start3A_311 = arith.constant 0 : i32
    %dma_start3A_312 = tpu.memref_slice %arg3[%dma_start3A_311, %multiple_of3A_305] : memref<32x1000001xf32, #tpu.memory_space<hbm>> -> memref<32x128xf32, #tpu.memory_space<hbm>>
    %dma_start3A_313 = arith.constant 0 : i32
    %dma_start3A_314 = arith.constant 0 : i32
    %dma_start3A_315 = tpu.memref_slice %arg6[%dma_start3A_306, %dma_start3A_313, %dma_start3A_314] : memref<16x32x128xf32, #tpu.memory_space<vmem>> -> memref<1x32x128xf32, #tpu.memory_space<vmem>>
    %dma_start3A_316 = tpu.memref_squeeze %dma_start3A_315 : memref<1x32x128xf32, #tpu.memory_space<vmem>> -> memref<32x128xf32, #tpu.memory_space<vmem>>
    %dma_start3A_317 = arith.constant 0 : i32
    %dma_start3A_318 = tpu.memref_slice %arg3[%dma_start3A_317, %multiple_of3A_305] : memref<32x1000001xf32, #tpu.memory_space<hbm>> -> memref<32x128xf32, #tpu.memory_space<hbm>>
    tpu.enqueue_dma source(%dma_start3A_318 : memref<32x128xf32, #tpu.memory_space<hbm>>) target(%dma_start3A_316 : memref<32x128xf32, #tpu.memory_space<vmem>>) target_semaphore(%arg8 : memref<!tpu.dma_semaphore, #tpu.memory_space<semaphore_mem>>)
    %slice3A_319 = vector.extract_strided_slice %mul3A_33 {offsets = [13], sizes = [1], strides = [1]} : vector<16xi32> to vector<1xi32>
    %squeeze3A_320 = vector.extract %slice3A_319[0] : i32 from vector<1xi32>
    %multiple_of3A_321 = tpu.assume_multiple %squeeze3A_320, 128 : i32
    %dma_start3A_322 = arith.constant 13 : i32
    %dma_start3A_323 = arith.constant 0 : i32
    %dma_start3A_324 = arith.constant 0 : i32
    %dma_start3A_325 = tpu.memref_slice %arg6[%dma_start3A_322, %dma_start3A_323, %dma_start3A_324] : memref<16x32x128xf32, #tpu.memory_space<vmem>> -> memref<1x32x128xf32, #tpu.memory_space<vmem>>
    %dma_start3A_326 = tpu.memref_squeeze %dma_start3A_325 : memref<1x32x128xf32, #tpu.memory_space<vmem>> -> memref<32x128xf32, #tpu.memory_space<vmem>>
    %dma_start3A_327 = arith.constant 0 : i32
    %dma_start3A_328 = tpu.memref_slice %arg3[%dma_start3A_327, %multiple_of3A_321] : memref<32x1000001xf32, #tpu.memory_space<hbm>> -> memref<32x128xf32, #tpu.memory_space<hbm>>
    %dma_start3A_329 = arith.constant 0 : i32
    %dma_start3A_330 = arith.constant 0 : i32
    %dma_start3A_331 = tpu.memref_slice %arg6[%dma_start3A_322, %dma_start3A_329, %dma_start3A_330] : memref<16x32x128xf32, #tpu.memory_space<vmem>> -> memref<1x32x128xf32, #tpu.memory_space<vmem>>
    %dma_start3A_332 = tpu.memref_squeeze %dma_start3A_331 : memref<1x32x128xf32, #tpu.memory_space<vmem>> -> memref<32x128xf32, #tpu.memory_space<vmem>>
    %dma_start3A_333 = arith.constant 0 : i32
    %dma_start3A_334 = tpu.memref_slice %arg3[%dma_start3A_333, %multiple_of3A_321] : memref<32x1000001xf32, #tpu.memory_space<hbm>> -> memref<32x128xf32, #tpu.memory_space<hbm>>
    tpu.enqueue_dma source(%dma_start3A_334 : memref<32x128xf32, #tpu.memory_space<hbm>>) target(%dma_start3A_332 : memref<32x128xf32, #tpu.memory_space<vmem>>) target_semaphore(%arg8 : memref<!tpu.dma_semaphore, #tpu.memory_space<semaphore_mem>>)
    %slice3A_335 = vector.extract_strided_slice %mul3A_33 {offsets = [14], sizes = [1], strides = [1]} : vector<16xi32> to vector<1xi32>
    %squeeze3A_336 = vector.extract %slice3A_335[0] : i32 from vector<1xi32>
    %multiple_of3A_337 = tpu.assume_multiple %squeeze3A_336, 128 : i32
    %dma_start3A_338 = arith.constant 14 : i32
    %dma_start3A_339 = arith.constant 0 : i32
    %dma_start3A_340 = arith.constant 0 : i32
    %dma_start3A_341 = tpu.memref_slice %arg6[%dma_start3A_338, %dma_start3A_339, %dma_start3A_340] : memref<16x32x128xf32, #tpu.memory_space<vmem>> -> memref<1x32x128xf32, #tpu.memory_space<vmem>>
    %dma_start3A_342 = tpu.memref_squeeze %dma_start3A_341 : memref<1x32x128xf32, #tpu.memory_space<vmem>> -> memref<32x128xf32, #tpu.memory_space<vmem>>
    %dma_start3A_343 = arith.constant 0 : i32
    %dma_start3A_344 = tpu.memref_slice %arg3[%dma_start3A_343, %multiple_of3A_337] : memref<32x1000001xf32, #tpu.memory_space<hbm>> -> memref<32x128xf32, #tpu.memory_space<hbm>>
    %dma_start3A_345 = arith.constant 0 : i32
    %dma_start3A_346 = arith.constant 0 : i32
    %dma_start3A_347 = tpu.memref_slice %arg6[%dma_start3A_338, %dma_start3A_345, %dma_start3A_346] : memref<16x32x128xf32, #tpu.memory_space<vmem>> -> memref<1x32x128xf32, #tpu.memory_space<vmem>>
    %dma_start3A_348 = tpu.memref_squeeze %dma_start3A_347 : memref<1x32x128xf32, #tpu.memory_space<vmem>> -> memref<32x128xf32, #tpu.memory_space<vmem>>
    %dma_start3A_349 = arith.constant 0 : i32
    %dma_start3A_350 = tpu.memref_slice %arg3[%dma_start3A_349, %multiple_of3A_337] : memref<32x1000001xf32, #tpu.memory_space<hbm>> -> memref<32x128xf32, #tpu.memory_space<hbm>>
    tpu.enqueue_dma source(%dma_start3A_350 : memref<32x128xf32, #tpu.memory_space<hbm>>) target(%dma_start3A_348 : memref<32x128xf32, #tpu.memory_space<vmem>>) target_semaphore(%arg8 : memref<!tpu.dma_semaphore, #tpu.memory_space<semaphore_mem>>)
    %slice3A_351 = vector.extract_strided_slice %mul3A_33 {offsets = [15], sizes = [1], strides = [1]} : vector<16xi32> to vector<1xi32>
    %squeeze3A_352 = vector.extract %slice3A_351[0] : i32 from vector<1xi32>
    %multiple_of3A_353 = tpu.assume_multiple %squeeze3A_352, 128 : i32
    %dma_start3A_354 = arith.constant 15 : i32
    %dma_start3A_355 = arith.constant 0 : i32
    %dma_start3A_356 = arith.constant 0 : i32
    %dma_start3A_357 = tpu.memref_slice %arg6[%dma_start3A_354, %dma_start3A_355, %dma_start3A_356] : memref<16x32x128xf32, #tpu.memory_space<vmem>> -> memref<1x32x128xf32, #tpu.memory_space<vmem>>
    %dma_start3A_358 = tpu.memref_squeeze %dma_start3A_357 : memref<1x32x128xf32, #tpu.memory_space<vmem>> -> memref<32x128xf32, #tpu.memory_space<vmem>>
    %dma_start3A_359 = arith.constant 0 : i32
    %dma_start3A_360 = tpu.memref_slice %arg3[%dma_start3A_359, %multiple_of3A_353] : memref<32x1000001xf32, #tpu.memory_space<hbm>> -> memref<32x128xf32, #tpu.memory_space<hbm>>
    %dma_start3A_361 = arith.constant 0 : i32
    %dma_start3A_362 = arith.constant 0 : i32
    %dma_start3A_363 = tpu.memref_slice %arg6[%dma_start3A_354, %dma_start3A_361, %dma_start3A_362] : memref<16x32x128xf32, #tpu.memory_space<vmem>> -> memref<1x32x128xf32, #tpu.memory_space<vmem>>
    %dma_start3A_364 = tpu.memref_squeeze %dma_start3A_363 : memref<1x32x128xf32, #tpu.memory_space<vmem>> -> memref<32x128xf32, #tpu.memory_space<vmem>>
    %dma_start3A_365 = arith.constant 0 : i32
    %dma_start3A_366 = tpu.memref_slice %arg3[%dma_start3A_365, %multiple_of3A_353] : memref<32x1000001xf32, #tpu.memory_space<hbm>> -> memref<32x128xf32, #tpu.memory_space<hbm>>
    tpu.enqueue_dma source(%dma_start3A_366 : memref<32x128xf32, #tpu.memory_space<hbm>>) target(%dma_start3A_364 : memref<32x128xf32, #tpu.memory_space<vmem>>) target_semaphore(%arg8 : memref<!tpu.dma_semaphore, #tpu.memory_space<semaphore_mem>>)
    %scan3A = arith.constant 0 : i32
    %scan3A_367 = arith.constant 32 : i32
    %scan3A_368 = arith.addi %scan3A, %scan3A_367 : i32
    %scan3A_369 = arith.constant 1 : i32
    scf.for %scan3A_371 = %scan3A to %scan3A_368 step %scan3A_369  : i32 {
      %mul3A_372 = arith.constant 1 : i32
      %mul3A_373 = arith.muli %scan3A_371, %mul3A_372 : i32
      %add3A_374 = arith.constant 0 : i32
      %add3A_375 = arith.addi %add3A_374, %mul3A_373 : i32
      %mul3A_376 = arith.constant 16 : i32
      %mul3A_377 = arith.muli %add3A_375, %mul3A_376 : i32
      %multiple_of3A_378 = tpu.assume_multiple %mul3A_377, 16 : i32
      %get3A_379 = arith.index_cast %multiple_of3A_378 : i32 to index
      %get3A_380 = tpu.vector_load %arg5[%get3A_379] {strides = array<i32>} : memref<512xi32, #tpu.memory_space<vmem>>, vector<16xi32>,
      %jit3A_381 = arith.constant 128 : i32
      %div3A_382 = vector.broadcast %jit3A_381 : i32 to vector<16xi32>
      %div3A_383 = arith.divsi %get3A_380, %div3A_382 : vector<16xi32>
      %sign3A_384 = arith.constant 0 : i32
      %sign3A_385 = vector.broadcast %sign3A_384 : i32 to vector<16xi32>
      %sign3A_386 = arith.cmpi sgt, %get3A_380, %sign3A_385 : vector<16xi32>
      %sign3A_387 = arith.extui %sign3A_386 : vector<16xi1> to vector<16xi32>
      %sign3A_388 = arith.constant 0 : i32
      %sign3A_389 = vector.broadcast %sign3A_388 : i32 to vector<16xi32>
      %sign3A_390 = arith.cmpi slt, %get3A_380, %sign3A_389 : vector<16xi32>
      %sign3A_391 = arith.extui %sign3A_390 : vector<16xi1> to vector<16xi32>
      %sign3A_392 = arith.subi %sign3A_387, %sign3A_391 : vector<16xi32>
      %sign3A_393 = arith.constant 0 : i32
      %sign3A_394 = arith.cmpi sgt, %jit3A_381, %sign3A_393 : i32
      %sign3A_395 = arith.extui %sign3A_394 : i1 to i32
      %sign3A_396 = arith.constant 0 : i32
      %sign3A_397 = arith.cmpi slt, %jit3A_381, %sign3A_396 : i32
      %sign3A_398 = arith.extui %sign3A_397 : i1 to i32
      %sign3A_399 = arith.subi %sign3A_395, %sign3A_398 : i32
      %ne3A_400 = vector.broadcast %sign3A_399 : i32 to vector<16xi32>
      %ne3A_401 = arith.cmpi ne, %sign3A_392, %ne3A_400 : vector<16xi32>
      %rem3A_402 = vector.broadcast %jit3A_381 : i32 to vector<16xi32>
      %rem3A_403 = arith.remsi %get3A_380, %rem3A_402 : vector<16xi32>
      %ne3A_404 = arith.constant 0 : i32
      %ne3A_405 = vector.broadcast %ne3A_404 : i32 to vector<16xi32>
      %ne3A_406 = arith.cmpi ne, %rem3A_403, %ne3A_405 : vector<16xi32>
      %and3A_407 = arith.andi %ne3A_401, %ne3A_406 : vector<16xi1>
      %sub3A_408 = arith.constant 1 : i32
      %sub3A_409 = vector.broadcast %sub3A_408 : i32 to vector<16xi32>
      %sub3A_410 = arith.subi %div3A_383, %sub3A_409 : vector<16xi32>
      %select_n3A_411 = arith.select %and3A_407, %sub3A_410, %div3A_383 : vector<16xi1>, vector<16xi32>
      %mul3A_412 = arith.constant 128 : i32
      %mul3A_413 = vector.broadcast %mul3A_412 : i32 to vector<16xi32>
      %mul3A_414 = arith.muli %select_n3A_411, %mul3A_413 : vector<16xi32>
      %jit3A_415 = arith.constant 128 : i32
      %eq3A_416 = arith.constant 0 : i32
      %eq3A_417 = arith.cmpi eq, %jit3A_415, %eq3A_416 : i32
      %jit3A_418 = arith.constant 1 : i32
      %select_n3A_419 = arith.select %eq3A_417, %jit3A_418, %jit3A_415 : i32
      %rem3A_420 = vector.broadcast %select_n3A_419 : i32 to vector<16xi32>
      %rem3A_421 = arith.remsi %get3A_380, %rem3A_420 : vector<16xi32>
      %ne3A_422 = arith.constant 0 : i32
      %ne3A_423 = vector.broadcast %ne3A_422 : i32 to vector<16xi32>
      %ne3A_424 = arith.cmpi ne, %rem3A_421, %ne3A_423 : vector<16xi32>
      %lt3A_425 = arith.constant 0 : i32
      %lt3A_426 = vector.broadcast %lt3A_425 : i32 to vector<16xi32>
      %lt3A_427 = arith.cmpi slt, %rem3A_421, %lt3A_426 : vector<16xi32>
      %lt3A_428 = arith.constant 0 : i32
      %lt3A_429 = arith.cmpi slt, %select_n3A_419, %lt3A_428 : i32
      %ne3A_430 = vector.broadcast %lt3A_429 : i1 to vector<16xi1>
      %ne3A_431 = vector.broadcast %ne3A_430 : vector<16xi1> to vector<16xi1>
      %ne3A_432 = arith.xori %lt3A_427, %ne3A_431 : vector<16xi1>
      %and3A_433 = arith.andi %ne3A_432, %ne3A_424 : vector<16xi1>
      %add3A_434 = vector.broadcast %select_n3A_419 : i32 to vector<16xi32>
      %add3A_435 = arith.addi %rem3A_421, %add3A_434 : vector<16xi32>
      %select_n3A_436 = arith.select %and3A_433, %add3A_435, %rem3A_421 : vector<16xi1>, vector<16xi32>
      %add3A_437 = arith.constant 1 : i32
      %add3A_438 = arith.addi %add3A_375, %add3A_437 : i32
      %jit3A_439 = arith.constant 32 : i32
      %eq3A_440 = arith.constant 0 : i32
      %eq3A_441 = arith.cmpi eq, %jit3A_439, %eq3A_440 : i32
      %jit3A_442 = arith.constant 1 : i32
      %select_n3A_443 = arith.select %eq3A_441, %jit3A_442, %jit3A_439 : i32
      %rem3A_444 = arith.remsi %add3A_438, %select_n3A_443 : i32
      %ne3A_445 = arith.constant 0 : i32
      %ne3A_446 = arith.cmpi ne, %rem3A_444, %ne3A_445 : i32
      %lt3A_447 = arith.constant 0 : i32
      %lt3A_448 = arith.cmpi slt, %rem3A_444, %lt3A_447 : i32
      %lt3A_449 = arith.constant 0 : i32
      %lt3A_450 = arith.cmpi slt, %select_n3A_443, %lt3A_449 : i32
      %ne3A_451 = arith.xori %lt3A_448, %lt3A_450 : i1
      %and3A_452 = arith.andi %ne3A_451, %ne3A_446 : i1
      %add3A_453 = arith.addi %rem3A_444, %select_n3A_443 : i32
      %select_n3A_454 = arith.select %and3A_452, %add3A_453, %rem3A_444 : i32
      %mul3A_455 = arith.constant 16 : i32
      %mul3A_456 = arith.muli %select_n3A_454, %mul3A_455 : i32
      %multiple_of3A_457 = tpu.assume_multiple %mul3A_456, 16 : i32
      %get3A_458 = arith.index_cast %multiple_of3A_457 : i32 to index
      %get3A_459 = tpu.vector_load %arg5[%get3A_458] {strides = array<i32>} : memref<512xi32, #tpu.memory_space<vmem>>, vector<16xi32>,
      %jit3A_460 = arith.constant 128 : i32
      %div3A_461 = vector.broadcast %jit3A_460 : i32 to vector<16xi32>
      %div3A_462 = arith.divsi %get3A_459, %div3A_461 : vector<16xi32>
      %sign3A_463 = arith.constant 0 : i32
      %sign3A_464 = vector.broadcast %sign3A_463 : i32 to vector<16xi32>
      %sign3A_465 = arith.cmpi sgt, %get3A_459, %sign3A_464 : vector<16xi32>
      %sign3A_466 = arith.extui %sign3A_465 : vector<16xi1> to vector<16xi32>
      %sign3A_467 = arith.constant 0 : i32
      %sign3A_468 = vector.broadcast %sign3A_467 : i32 to vector<16xi32>
      %sign3A_469 = arith.cmpi slt, %get3A_459, %sign3A_468 : vector<16xi32>
      %sign3A_470 = arith.extui %sign3A_469 : vector<16xi1> to vector<16xi32>
      %sign3A_471 = arith.subi %sign3A_466, %sign3A_470 : vector<16xi32>
      %sign3A_472 = arith.constant 0 : i32
      %sign3A_473 = arith.cmpi sgt, %jit3A_460, %sign3A_472 : i32
      %sign3A_474 = arith.extui %sign3A_473 : i1 to i32
      %sign3A_475 = arith.constant 0 : i32
      %sign3A_476 = arith.cmpi slt, %jit3A_460, %sign3A_475 : i32
      %sign3A_477 = arith.extui %sign3A_476 : i1 to i32
      %sign3A_478 = arith.subi %sign3A_474, %sign3A_477 : i32
      %ne3A_479 = vector.broadcast %sign3A_478 : i32 to vector<16xi32>
      %ne3A_480 = arith.cmpi ne, %sign3A_471, %ne3A_479 : vector<16xi32>
      %rem3A_481 = vector.broadcast %jit3A_460 : i32 to vector<16xi32>
      %rem3A_482 = arith.remsi %get3A_459, %rem3A_481 : vector<16xi32>
      %ne3A_483 = arith.constant 0 : i32
      %ne3A_484 = vector.broadcast %ne3A_483 : i32 to vector<16xi32>
      %ne3A_485 = arith.cmpi ne, %rem3A_482, %ne3A_484 : vector<16xi32>
      %and3A_486 = arith.andi %ne3A_480, %ne3A_485 : vector<16xi1>
      %sub3A_487 = arith.constant 1 : i32
      %sub3A_488 = vector.broadcast %sub3A_487 : i32 to vector<16xi32>
      %sub3A_489 = arith.subi %div3A_462, %sub3A_488 : vector<16xi32>
      %select_n3A_490 = arith.select %and3A_486, %sub3A_489, %div3A_462 : vector<16xi1>, vector<16xi32>
      %mul3A_491 = arith.constant 128 : i32
      %mul3A_492 = vector.broadcast %mul3A_491 : i32 to vector<16xi32>
      %mul3A_493 = arith.muli %select_n3A_490, %mul3A_492 : vector<16xi32>
      %jit3A_494 = arith.constant 128 : i32
      %eq3A_495 = arith.constant 0 : i32
      %eq3A_496 = arith.cmpi eq, %jit3A_494, %eq3A_495 : i32
      %jit3A_497 = arith.constant 1 : i32
      %select_n3A_498 = arith.select %eq3A_496, %jit3A_497, %jit3A_494 : i32
      %rem3A_499 = vector.broadcast %select_n3A_498 : i32 to vector<16xi32>
      %rem3A_500 = arith.remsi %get3A_459, %rem3A_499 : vector<16xi32>
      %ne3A_501 = arith.constant 0 : i32
      %ne3A_502 = vector.broadcast %ne3A_501 : i32 to vector<16xi32>
      %ne3A_503 = arith.cmpi ne, %rem3A_500, %ne3A_502 : vector<16xi32>
      %lt3A_504 = arith.constant 0 : i32
      %lt3A_505 = vector.broadcast %lt3A_504 : i32 to vector<16xi32>
      %lt3A_506 = arith.cmpi slt, %rem3A_500, %lt3A_505 : vector<16xi32>
      %lt3A_507 = arith.constant 0 : i32
      %lt3A_508 = arith.cmpi slt, %select_n3A_498, %lt3A_507 : i32
      %ne3A_509 = vector.broadcast %lt3A_508 : i1 to vector<16xi1>
      %ne3A_510 = vector.broadcast %ne3A_509 : vector<16xi1> to vector<16xi1>
      %ne3A_511 = arith.xori %lt3A_506, %ne3A_510 : vector<16xi1>
      %and3A_512 = arith.andi %ne3A_511, %ne3A_503 : vector<16xi1>
      %add3A_513 = vector.broadcast %select_n3A_498 : i32 to vector<16xi32>
      %add3A_514 = arith.addi %rem3A_500, %add3A_513 : vector<16xi32>
      %select_n3A_515 = arith.select %and3A_512, %add3A_514, %rem3A_500 : vector<16xi1>, vector<16xi32>
      %add3A_516 = arith.constant 2 : i32
      %add3A_517 = arith.addi %add3A_375, %add3A_516 : i32
      %jit3A_518 = arith.constant 32 : i32
      %eq3A_519 = arith.constant 0 : i32
      %eq3A_520 = arith.cmpi eq, %jit3A_518, %eq3A_519 : i32
      %jit3A_521 = arith.constant 1 : i32
      %select_n3A_522 = arith.select %eq3A_520, %jit3A_521, %jit3A_518 : i32
      %rem3A_523 = arith.remsi %add3A_517, %select_n3A_522 : i32
      %ne3A_524 = arith.constant 0 : i32
      %ne3A_525 = arith.cmpi ne, %rem3A_523, %ne3A_524 : i32
      %lt3A_526 = arith.constant 0 : i32
      %lt3A_527 = arith.cmpi slt, %rem3A_523, %lt3A_526 : i32
      %lt3A_528 = arith.constant 0 : i32
      %lt3A_529 = arith.cmpi slt, %select_n3A_522, %lt3A_528 : i32
      %ne3A_530 = arith.xori %lt3A_527, %lt3A_529 : i1
      %and3A_531 = arith.andi %ne3A_530, %ne3A_525 : i1
      %add3A_532 = arith.addi %rem3A_523, %select_n3A_522 : i32
      %select_n3A_533 = arith.select %and3A_531, %add3A_532, %rem3A_523 : i32
      %mul3A_534 = arith.constant 16 : i32
      %mul3A_535 = arith.muli %select_n3A_533, %mul3A_534 : i32
      %multiple_of3A_536 = tpu.assume_multiple %mul3A_535, 16 : i32
      %get3A_537 = arith.index_cast %multiple_of3A_536 : i32 to index
      %get3A_538 = tpu.vector_load %arg5[%get3A_537] {strides = array<i32>} : memref<512xi32, #tpu.memory_space<vmem>>, vector<16xi32>,
      %jit3A_539 = arith.constant 128 : i32
      %div3A_540 = vector.broadcast %jit3A_539 : i32 to vector<16xi32>
      %div3A_541 = arith.divsi %get3A_538, %div3A_540 : vector<16xi32>
      %sign3A_542 = arith.constant 0 : i32
      %sign3A_543 = vector.broadcast %sign3A_542 : i32 to vector<16xi32>
      %sign3A_544 = arith.cmpi sgt, %get3A_538, %sign3A_543 : vector<16xi32>
      %sign3A_545 = arith.extui %sign3A_544 : vector<16xi1> to vector<16xi32>
      %sign3A_546 = arith.constant 0 : i32
      %sign3A_547 = vector.broadcast %sign3A_546 : i32 to vector<16xi32>
      %sign3A_548 = arith.cmpi slt, %get3A_538, %sign3A_547 : vector<16xi32>
      %sign3A_549 = arith.extui %sign3A_548 : vector<16xi1> to vector<16xi32>
      %sign3A_550 = arith.subi %sign3A_545, %sign3A_549 : vector<16xi32>
      %sign3A_551 = arith.constant 0 : i32
      %sign3A_552 = arith.cmpi sgt, %jit3A_539, %sign3A_551 : i32
      %sign3A_553 = arith.extui %sign3A_552 : i1 to i32
      %sign3A_554 = arith.constant 0 : i32
      %sign3A_555 = arith.cmpi slt, %jit3A_539, %sign3A_554 : i32
      %sign3A_556 = arith.extui %sign3A_555 : i1 to i32
      %sign3A_557 = arith.subi %sign3A_553, %sign3A_556 : i32
      %ne3A_558 = vector.broadcast %sign3A_557 : i32 to vector<16xi32>
      %ne3A_559 = arith.cmpi ne, %sign3A_550, %ne3A_558 : vector<16xi32>
      %rem3A_560 = vector.broadcast %jit3A_539 : i32 to vector<16xi32>
      %rem3A_561 = arith.remsi %get3A_538, %rem3A_560 : vector<16xi32>
      %ne3A_562 = arith.constant 0 : i32
      %ne3A_563 = vector.broadcast %ne3A_562 : i32 to vector<16xi32>
      %ne3A_564 = arith.cmpi ne, %rem3A_561, %ne3A_563 : vector<16xi32>
      %and3A_565 = arith.andi %ne3A_559, %ne3A_564 : vector<16xi1>
      %sub3A_566 = arith.constant 1 : i32
      %sub3A_567 = vector.broadcast %sub3A_566 : i32 to vector<16xi32>
      %sub3A_568 = arith.subi %div3A_541, %sub3A_567 : vector<16xi32>
      %select_n3A_569 = arith.select %and3A_565, %sub3A_568, %div3A_541 : vector<16xi1>, vector<16xi32>
      %mul3A_570 = arith.constant 128 : i32
      %mul3A_571 = vector.broadcast %mul3A_570 : i32 to vector<16xi32>
      %mul3A_572 = arith.muli %select_n3A_569, %mul3A_571 : vector<16xi32>
      %jit3A_573 = arith.constant 128 : i32
      %eq3A_574 = arith.constant 0 : i32
      %eq3A_575 = arith.cmpi eq, %jit3A_573, %eq3A_574 : i32
      %jit3A_576 = arith.constant 1 : i32
      %select_n3A_577 = arith.select %eq3A_575, %jit3A_576, %jit3A_573 : i32
      %rem3A_578 = vector.broadcast %select_n3A_577 : i32 to vector<16xi32>
      %rem3A_579 = arith.remsi %get3A_538, %rem3A_578 : vector<16xi32>
      %ne3A_580 = arith.constant 0 : i32
      %ne3A_581 = vector.broadcast %ne3A_580 : i32 to vector<16xi32>
      %ne3A_582 = arith.cmpi ne, %rem3A_579, %ne3A_581 : vector<16xi32>
      %lt3A_583 = arith.constant 0 : i32
      %lt3A_584 = vector.broadcast %lt3A_583 : i32 to vector<16xi32>
      %lt3A_585 = arith.cmpi slt, %rem3A_579, %lt3A_584 : vector<16xi32>
      %lt3A_586 = arith.constant 0 : i32
      %lt3A_587 = arith.cmpi slt, %select_n3A_577, %lt3A_586 : i32
      %ne3A_588 = vector.broadcast %lt3A_587 : i1 to vector<16xi1>
      %ne3A_589 = vector.broadcast %ne3A_588 : vector<16xi1> to vector<16xi1>
      %ne3A_590 = arith.xori %lt3A_585, %ne3A_589 : vector<16xi1>
      %and3A_591 = arith.andi %ne3A_590, %ne3A_582 : vector<16xi1>
      %add3A_592 = vector.broadcast %select_n3A_577 : i32 to vector<16xi32>
      %add3A_593 = arith.addi %rem3A_579, %add3A_592 : vector<16xi32>
      %select_n3A_594 = arith.select %and3A_591, %add3A_593, %rem3A_579 : vector<16xi1>, vector<16xi32>
      %mul3A_595 = arith.constant 16 : i32
      %mul3A_596 = arith.muli %add3A_375, %mul3A_595 : i32
      %add3A_597 = arith.constant 0 : i32
      %add3A_598 = arith.addi %mul3A_596, %add3A_597 : i32
      %jit3A_599 = arith.constant 16 : i32
      %eq3A_600 = arith.constant 0 : i32
      %eq3A_601 = arith.cmpi eq, %jit3A_599, %eq3A_600 : i32
      %jit3A_602 = arith.constant 1 : i32
      %select_n3A_603 = arith.select %eq3A_601, %jit3A_602, %jit3A_599 : i32
      %rem3A_604 = arith.remsi %add3A_598, %select_n3A_603 : i32
      %ne3A_605 = arith.constant 0 : i32
      %ne3A_606 = arith.cmpi ne, %rem3A_604, %ne3A_605 : i32
      %lt3A_607 = arith.constant 0 : i32
      %lt3A_608 = arith.cmpi slt, %rem3A_604, %lt3A_607 : i32
      %lt3A_609 = arith.constant 0 : i32
      %lt3A_610 = arith.cmpi slt, %select_n3A_603, %lt3A_609 : i32
      %ne3A_611 = arith.xori %lt3A_608, %lt3A_610 : i1
      %and3A_612 = arith.andi %ne3A_611, %ne3A_606 : i1
      %add3A_613 = arith.addi %rem3A_604, %select_n3A_603 : i32
      %select_n3A_614 = arith.select %and3A_612, %add3A_613, %rem3A_604 : i32
      %dma_wait3A = arith.constant 0 : i32
      %dma_wait3A_615 = arith.constant 0 : i32
      %dma_wait3A_616 = tpu.memref_slice %arg6[%select_n3A_614, %dma_wait3A, %dma_wait3A_615] : memref<16x32x128xf32, #tpu.memory_space<vmem>> -> memref<1x32x128xf32, #tpu.memory_space<vmem>>
      %dma_wait3A_617 = tpu.memref_squeeze %dma_wait3A_616 : memref<1x32x128xf32, #tpu.memory_space<vmem>> -> memref<32x128xf32, #tpu.memory_space<vmem>>
      %dma_wait3A_618 = arith.constant 0 : i32
      %dma_wait3A_619 = arith.constant 0 : i32
      %dma_wait3A_620 = tpu.memref_slice %arg3[%dma_wait3A_618, %dma_wait3A_619] : memref<32x1000001xf32, #tpu.memory_space<hbm>> -> memref<32x128xf32, #tpu.memory_space<hbm>>
      %dma_wait3A_621 = arith.constant 0 : i32
      %dma_wait3A_622 = arith.constant 0 : i32
      %dma_wait3A_623 = tpu.memref_slice %arg6[%select_n3A_614, %dma_wait3A_621, %dma_wait3A_622] : memref<16x32x128xf32, #tpu.memory_space<vmem>> -> memref<1x32x128xf32, #tpu.memory_space<vmem>>
      %dma_wait3A_624 = tpu.memref_squeeze %dma_wait3A_623 : memref<1x32x128xf32, #tpu.memory_space<vmem>> -> memref<32x128xf32, #tpu.memory_space<vmem>>
      %dma_wait3A_625 = arith.constant 0 : i32
      %dma_wait3A_626 = arith.constant 0 : i32
      %dma_wait3A_627 = tpu.memref_slice %arg3[%dma_wait3A_625, %dma_wait3A_626] : memref<32x1000001xf32, #tpu.memory_space<hbm>> -> memref<32x128xf32, #tpu.memory_space<hbm>>
      tpu.wait_dma2 semaphore(%arg8 : memref<!tpu.dma_semaphore, #tpu.memory_space<semaphore_mem>>) src(%dma_wait3A_627 : memref<32x128xf32, #tpu.memory_space<hbm>>) dst(%dma_wait3A_624 : memref<32x128xf32, #tpu.memory_space<vmem>>)
      %slice3A_628 = vector.extract_strided_slice %select_n3A_436 {offsets = [0], sizes = [1], strides = [1]} : vector<16xi32> to vector<1xi32>
      %squeeze3A_629 = vector.extract %slice3A_628[0] : i32 from vector<1xi32>
      %broadcast_in_dim3A = vector.broadcast %squeeze3A_629 : i32 to vector<16xi32>
      %jit3A_630 = arith.constant 8 : i32
      %eq3A_631 = arith.constant 0 : i32
      %eq3A_632 = arith.cmpi eq, %jit3A_630, %eq3A_631 : i32
      %jit3A_633 = arith.constant 1 : i32
      %select_n3A_634 = arith.select %eq3A_632, %jit3A_633, %jit3A_630 : i32
      %rem3A_635 = arith.remsi %add3A_375, %select_n3A_634 : i32
      %ne3A_636 = arith.constant 0 : i32
      %ne3A_637 = arith.cmpi ne, %rem3A_635, %ne3A_636 : i32
      %lt3A_638 = arith.constant 0 : i32
      %lt3A_639 = arith.cmpi slt, %rem3A_635, %lt3A_638 : i32
      %lt3A_640 = arith.constant 0 : i32
      %lt3A_641 = arith.cmpi slt, %select_n3A_634, %lt3A_640 : i32
      %ne3A_642 = arith.xori %lt3A_639, %lt3A_641 : i1
      %and3A_643 = arith.andi %ne3A_642, %ne3A_637 : i1
      %add3A_644 = arith.addi %rem3A_635, %select_n3A_634 : i32
      %select_n3A_645 = arith.select %and3A_643, %add3A_644, %rem3A_635 : i32
      %mul3A_646 = arith.constant 16 : i32
      %mul3A_647 = arith.muli %select_n3A_645, %mul3A_646 : i32
      %add3A_648 = arith.constant 0 : i32
      %add3A_649 = arith.addi %mul3A_647, %add3A_648 : i32
      %broadcast_in_dim3A_650 = vector.broadcast %add3A_649 : i32 to vector<16xi32>
      %gather3A = arith.constant 0 : i32
      %gather3A_651 = arith.constant 0 : i32
      %gather3A_652 = tpu.memref_slice %arg6[%select_n3A_614, %gather3A, %gather3A_651] : memref<16x32x128xf32, #tpu.memory_space<vmem>> -> memref<1x32x128xf32, #tpu.memory_space<vmem>>
      %gather3A_653 = tpu.memref_squeeze %gather3A_652 : memref<1x32x128xf32, #tpu.memory_space<vmem>> -> memref<32x128xf32, #tpu.memory_space<vmem>>
      %gather3A_654 = tpu.vector_load_idx %gather3A_653[%iota3A, %broadcast_in_dim3A] : memref<32x128xf32, #tpu.memory_space<vmem>>[vector<16xi32>, vector<16xi32>], vector<16xf32>,
      %gather3A_655 = arith.constant 0 : i32
      %gather3A_656 = arith.constant 0 : i32
      %gather3A_657 = tpu.memref_slice %arg6[%select_n3A_614, %gather3A_655, %gather3A_656] : memref<16x32x128xf32, #tpu.memory_space<vmem>> -> memref<1x32x128xf32, #tpu.memory_space<vmem>>
      %gather3A_658 = tpu.memref_squeeze %gather3A_657 : memref<1x32x128xf32, #tpu.memory_space<vmem>> -> memref<32x128xf32, #tpu.memory_space<vmem>>
      %gather3A_659 = tpu.vector_load_idx %gather3A_658[%add3A_5, %broadcast_in_dim3A] : memref<32x128xf32, #tpu.memory_space<vmem>>[vector<16xi32>, vector<16xi32>], vector<16xf32>,
      %add3A_660 = arith.constant 16 : i32
      %add3A_661 = arith.addi %add3A_598, %add3A_660 : i32
      %lt3A_662 = arith.constant 512 : i32
      %lt3A_663 = arith.cmpi slt, %add3A_661, %lt3A_662 : i32
      %convert_element_type3A = arith.extui %lt3A_663 : i1 to i32
      %cond3A = arith.constant 0 : i32
      %cond3A_664 = arith.cmpi ne, %convert_element_type3A, %cond3A : i32
      scf.if %cond3A_664 {
        %slice3A_1811 = vector.extract_strided_slice %mul3A_493 {offsets = [0], sizes = [1], strides = [1]} : vector<16xi32> to vector<1xi32>
        %squeeze3A_1812 = vector.extract %slice3A_1811[0] : i32 from vector<1xi32>
        %multiple_of3A_1813 = tpu.assume_multiple %squeeze3A_1812, 128 : i32
        %dma_start3A_1814 = arith.constant 0 : i32
        %dma_start3A_1815 = arith.constant 0 : i32
        %dma_start3A_1816 = tpu.memref_slice %arg6[%select_n3A_614, %dma_start3A_1814, %dma_start3A_1815] : memref<16x32x128xf32, #tpu.memory_space<vmem>> -> memref<1x32x128xf32, #tpu.memory_space<vmem>>
        %dma_start3A_1817 = tpu.memref_squeeze %dma_start3A_1816 : memref<1x32x128xf32, #tpu.memory_space<vmem>> -> memref<32x128xf32, #tpu.memory_space<vmem>>
        %dma_start3A_1818 = arith.constant 0 : i32
        %dma_start3A_1819 = tpu.memref_slice %arg3[%dma_start3A_1818, %multiple_of3A_1813] : memref<32x1000001xf32, #tpu.memory_space<hbm>> -> memref<32x128xf32, #tpu.memory_space<hbm>>
        %dma_start3A_1820 = arith.constant 0 : i32
        %dma_start3A_1821 = arith.constant 0 : i32
        %dma_start3A_1822 = tpu.memref_slice %arg6[%select_n3A_614, %dma_start3A_1820, %dma_start3A_1821] : memref<16x32x128xf32, #tpu.memory_space<vmem>> -> memref<1x32x128xf32, #tpu.memory_space<vmem>>
        %dma_start3A_1823 = tpu.memref_squeeze %dma_start3A_1822 : memref<1x32x128xf32, #tpu.memory_space<vmem>> -> memref<32x128xf32, #tpu.memory_space<vmem>>
        %dma_start3A_1824 = arith.constant 0 : i32
        %dma_start3A_1825 = tpu.memref_slice %arg3[%dma_start3A_1824, %multiple_of3A_1813] : memref<32x1000001xf32, #tpu.memory_space<hbm>> -> memref<32x128xf32, #tpu.memory_space<hbm>>
        tpu.enqueue_dma source(%dma_start3A_1825 : memref<32x128xf32, #tpu.memory_space<hbm>>) target(%dma_start3A_1823 : memref<32x128xf32, #tpu.memory_space<vmem>>) target_semaphore(%arg8 : memref<!tpu.dma_semaphore, #tpu.memory_space<semaphore_mem>>)
      } else {
      }
      tpu.vector_store_idx %arg7[%iota3A, %broadcast_in_dim3A_650], %gather3A_654 : memref<32x128xf32, #tpu.memory_space<vmem>>[vector<16xi32>, vector<16xi32>], vector<16xf32>,
      tpu.vector_store_idx %arg7[%add3A_5, %broadcast_in_dim3A_650], %gather3A_659 : memref<32x128xf32, #tpu.memory_space<vmem>>[vector<16xi32>, vector<16xi32>], vector<16xf32>,
      %mul3A_665 = arith.constant 16 : i32
      %mul3A_666 = arith.muli %add3A_375, %mul3A_665 : i32
      %add3A_667 = arith.constant 1 : i32
      %add3A_668 = arith.addi %mul3A_666, %add3A_667 : i32
      %jit3A_669 = arith.constant 16 : i32
      %eq3A_670 = arith.constant 0 : i32
      %eq3A_671 = arith.cmpi eq, %jit3A_669, %eq3A_670 : i32
      %jit3A_672 = arith.constant 1 : i32
      %select_n3A_673 = arith.select %eq3A_671, %jit3A_672, %jit3A_669 : i32
      %rem3A_674 = arith.remsi %add3A_668, %select_n3A_673 : i32
      %ne3A_675 = arith.constant 0 : i32
      %ne3A_676 = arith.cmpi ne, %rem3A_674, %ne3A_675 : i32
      %lt3A_677 = arith.constant 0 : i32
      %lt3A_678 = arith.cmpi slt, %rem3A_674, %lt3A_677 : i32
      %lt3A_679 = arith.constant 0 : i32
      %lt3A_680 = arith.cmpi slt, %select_n3A_673, %lt3A_679 : i32
      %ne3A_681 = arith.xori %lt3A_678, %lt3A_680 : i1
      %and3A_682 = arith.andi %ne3A_681, %ne3A_676 : i1
      %add3A_683 = arith.addi %rem3A_674, %select_n3A_673 : i32
      %select_n3A_684 = arith.select %and3A_682, %add3A_683, %rem3A_674 : i32
      %dma_wait3A_685 = arith.constant 0 : i32
      %dma_wait3A_686 = arith.constant 0 : i32
      %dma_wait3A_687 = tpu.memref_slice %arg6[%select_n3A_684, %dma_wait3A_685, %dma_wait3A_686] : memref<16x32x128xf32, #tpu.memory_space<vmem>> -> memref<1x32x128xf32, #tpu.memory_space<vmem>>
      %dma_wait3A_688 = tpu.memref_squeeze %dma_wait3A_687 : memref<1x32x128xf32, #tpu.memory_space<vmem>> -> memref<32x128xf32, #tpu.memory_space<vmem>>
      %dma_wait3A_689 = arith.constant 0 : i32
      %dma_wait3A_690 = arith.constant 0 : i32
      %dma_wait3A_691 = tpu.memref_slice %arg3[%dma_wait3A_689, %dma_wait3A_690] : memref<32x1000001xf32, #tpu.memory_space<hbm>> -> memref<32x128xf32, #tpu.memory_space<hbm>>
      %dma_wait3A_692 = arith.constant 0 : i32
      %dma_wait3A_693 = arith.constant 0 : i32
      %dma_wait3A_694 = tpu.memref_slice %arg6[%select_n3A_684, %dma_wait3A_692, %dma_wait3A_693] : memref<16x32x128xf32, #tpu.memory_space<vmem>> -> memref<1x32x128xf32, #tpu.memory_space<vmem>>
      %dma_wait3A_695 = tpu.memref_squeeze %dma_wait3A_694 : memref<1x32x128xf32, #tpu.memory_space<vmem>> -> memref<32x128xf32, #tpu.memory_space<vmem>>
      %dma_wait3A_696 = arith.constant 0 : i32
      %dma_wait3A_697 = arith.constant 0 : i32
      %dma_wait3A_698 = tpu.memref_slice %arg3[%dma_wait3A_696, %dma_wait3A_697] : memref<32x1000001xf32, #tpu.memory_space<hbm>> -> memref<32x128xf32, #tpu.memory_space<hbm>>
      tpu.wait_dma2 semaphore(%arg8 : memref<!tpu.dma_semaphore, #tpu.memory_space<semaphore_mem>>) src(%dma_wait3A_698 : memref<32x128xf32, #tpu.memory_space<hbm>>) dst(%dma_wait3A_695 : memref<32x128xf32, #tpu.memory_space<vmem>>)
      %slice3A_699 = vector.extract_strided_slice %select_n3A_436 {offsets = [1], sizes = [1], strides = [1]} : vector<16xi32> to vector<1xi32>
      %squeeze3A_700 = vector.extract %slice3A_699[0] : i32 from vector<1xi32>
      %broadcast_in_dim3A_701 = vector.broadcast %squeeze3A_700 : i32 to vector<16xi32>
      %jit3A_702 = arith.constant 8 : i32
      %eq3A_703 = arith.constant 0 : i32
      %eq3A_704 = arith.cmpi eq, %jit3A_702, %eq3A_703 : i32
      %jit3A_705 = arith.constant 1 : i32
      %select_n3A_706 = arith.select %eq3A_704, %jit3A_705, %jit3A_702 : i32
      %rem3A_707 = arith.remsi %add3A_375, %select_n3A_706 : i32
      %ne3A_708 = arith.constant 0 : i32
      %ne3A_709 = arith.cmpi ne, %rem3A_707, %ne3A_708 : i32
      %lt3A_710 = arith.constant 0 : i32
      %lt3A_711 = arith.cmpi slt, %rem3A_707, %lt3A_710 : i32
      %lt3A_712 = arith.constant 0 : i32
      %lt3A_713 = arith.cmpi slt, %select_n3A_706, %lt3A_712 : i32
      %ne3A_714 = arith.xori %lt3A_711, %lt3A_713 : i1
      %and3A_715 = arith.andi %ne3A_714, %ne3A_709 : i1
      %add3A_716 = arith.addi %rem3A_707, %select_n3A_706 : i32
      %select_n3A_717 = arith.select %and3A_715, %add3A_716, %rem3A_707 : i32
      %mul3A_718 = arith.constant 16 : i32
      %mul3A_719 = arith.muli %select_n3A_717, %mul3A_718 : i32
      %add3A_720 = arith.constant 1 : i32
      %add3A_721 = arith.addi %mul3A_719, %add3A_720 : i32
      %broadcast_in_dim3A_722 = vector.broadcast %add3A_721 : i32 to vector<16xi32>
      %gather3A_723 = arith.constant 0 : i32
      %gather3A_724 = arith.constant 0 : i32
      %gather3A_725 = tpu.memref_slice %arg6[%select_n3A_684, %gather3A_723, %gather3A_724] : memref<16x32x128xf32, #tpu.memory_space<vmem>> -> memref<1x32x128xf32, #tpu.memory_space<vmem>>
      %gather3A_726 = tpu.memref_squeeze %gather3A_725 : memref<1x32x128xf32, #tpu.memory_space<vmem>> -> memref<32x128xf32, #tpu.memory_space<vmem>>
      %gather3A_727 = tpu.vector_load_idx %gather3A_726[%iota3A, %broadcast_in_dim3A_701] : memref<32x128xf32, #tpu.memory_space<vmem>>[vector<16xi32>, vector<16xi32>], vector<16xf32>,
      %gather3A_728 = arith.constant 0 : i32
      %gather3A_729 = arith.constant 0 : i32
      %gather3A_730 = tpu.memref_slice %arg6[%select_n3A_684, %gather3A_728, %gather3A_729] : memref<16x32x128xf32, #tpu.memory_space<vmem>> -> memref<1x32x128xf32, #tpu.memory_space<vmem>>
      %gather3A_731 = tpu.memref_squeeze %gather3A_730 : memref<1x32x128xf32, #tpu.memory_space<vmem>> -> memref<32x128xf32, #tpu.memory_space<vmem>>
      %gather3A_732 = tpu.vector_load_idx %gather3A_731[%add3A_5, %broadcast_in_dim3A_701] : memref<32x128xf32, #tpu.memory_space<vmem>>[vector<16xi32>, vector<16xi32>], vector<16xf32>,
      %add3A_733 = arith.constant 16 : i32
      %add3A_734 = arith.addi %add3A_668, %add3A_733 : i32
      %lt3A_735 = arith.constant 512 : i32
      %lt3A_736 = arith.cmpi slt, %add3A_734, %lt3A_735 : i32
      %convert_element_type3A_737 = arith.extui %lt3A_736 : i1 to i32
      %cond3A_738 = arith.constant 0 : i32
      %cond3A_739 = arith.cmpi ne, %convert_element_type3A_737, %cond3A_738 : i32
      scf.if %cond3A_739 {
        %slice3A_1811 = vector.extract_strided_slice %mul3A_493 {offsets = [1], sizes = [1], strides = [1]} : vector<16xi32> to vector<1xi32>
        %squeeze3A_1812 = vector.extract %slice3A_1811[0] : i32 from vector<1xi32>
        %multiple_of3A_1813 = tpu.assume_multiple %squeeze3A_1812, 128 : i32
        %dma_start3A_1814 = arith.constant 0 : i32
        %dma_start3A_1815 = arith.constant 0 : i32
        %dma_start3A_1816 = tpu.memref_slice %arg6[%select_n3A_684, %dma_start3A_1814, %dma_start3A_1815] : memref<16x32x128xf32, #tpu.memory_space<vmem>> -> memref<1x32x128xf32, #tpu.memory_space<vmem>>
        %dma_start3A_1817 = tpu.memref_squeeze %dma_start3A_1816 : memref<1x32x128xf32, #tpu.memory_space<vmem>> -> memref<32x128xf32, #tpu.memory_space<vmem>>
        %dma_start3A_1818 = arith.constant 0 : i32
        %dma_start3A_1819 = tpu.memref_slice %arg3[%dma_start3A_1818, %multiple_of3A_1813] : memref<32x1000001xf32, #tpu.memory_space<hbm>> -> memref<32x128xf32, #tpu.memory_space<hbm>>
        %dma_start3A_1820 = arith.constant 0 : i32
        %dma_start3A_1821 = arith.constant 0 : i32
        %dma_start3A_1822 = tpu.memref_slice %arg6[%select_n3A_684, %dma_start3A_1820, %dma_start3A_1821] : memref<16x32x128xf32, #tpu.memory_space<vmem>> -> memref<1x32x128xf32, #tpu.memory_space<vmem>>
        %dma_start3A_1823 = tpu.memref_squeeze %dma_start3A_1822 : memref<1x32x128xf32, #tpu.memory_space<vmem>> -> memref<32x128xf32, #tpu.memory_space<vmem>>
        %dma_start3A_1824 = arith.constant 0 : i32
        %dma_start3A_1825 = tpu.memref_slice %arg3[%dma_start3A_1824, %multiple_of3A_1813] : memref<32x1000001xf32, #tpu.memory_space<hbm>> -> memref<32x128xf32, #tpu.memory_space<hbm>>
        tpu.enqueue_dma source(%dma_start3A_1825 : memref<32x128xf32, #tpu.memory_space<hbm>>) target(%dma_start3A_1823 : memref<32x128xf32, #tpu.memory_space<vmem>>) target_semaphore(%arg8 : memref<!tpu.dma_semaphore, #tpu.memory_space<semaphore_mem>>)
      } else {
      }
      tpu.vector_store_idx %arg7[%iota3A, %broadcast_in_dim3A_722], %gather3A_727 : memref<32x128xf32, #tpu.memory_space<vmem>>[vector<16xi32>, vector<16xi32>], vector<16xf32>,
      tpu.vector_store_idx %arg7[%add3A_5, %broadcast_in_dim3A_722], %gather3A_732 : memref<32x128xf32, #tpu.memory_space<vmem>>[vector<16xi32>, vector<16xi32>], vector<16xf32>,
      %mul3A_740 = arith.constant 16 : i32
      %mul3A_741 = arith.muli %add3A_375, %mul3A_740 : i32
      %add3A_742 = arith.constant 2 : i32
      %add3A_743 = arith.addi %mul3A_741, %add3A_742 : i32
      %jit3A_744 = arith.constant 16 : i32
      %eq3A_745 = arith.constant 0 : i32
      %eq3A_746 = arith.cmpi eq, %jit3A_744, %eq3A_745 : i32
      %jit3A_747 = arith.constant 1 : i32
      %select_n3A_748 = arith.select %eq3A_746, %jit3A_747, %jit3A_744 : i32
      %rem3A_749 = arith.remsi %add3A_743, %select_n3A_748 : i32
      %ne3A_750 = arith.constant 0 : i32
      %ne3A_751 = arith.cmpi ne, %rem3A_749, %ne3A_750 : i32
      %lt3A_752 = arith.constant 0 : i32
      %lt3A_753 = arith.cmpi slt, %rem3A_749, %lt3A_752 : i32
      %lt3A_754 = arith.constant 0 : i32
      %lt3A_755 = arith.cmpi slt, %select_n3A_748, %lt3A_754 : i32
      %ne3A_756 = arith.xori %lt3A_753, %lt3A_755 : i1
      %and3A_757 = arith.andi %ne3A_756, %ne3A_751 : i1
      %add3A_758 = arith.addi %rem3A_749, %select_n3A_748 : i32
      %select_n3A_759 = arith.select %and3A_757, %add3A_758, %rem3A_749 : i32
      %dma_wait3A_760 = arith.constant 0 : i32
      %dma_wait3A_761 = arith.constant 0 : i32
      %dma_wait3A_762 = tpu.memref_slice %arg6[%select_n3A_759, %dma_wait3A_760, %dma_wait3A_761] : memref<16x32x128xf32, #tpu.memory_space<vmem>> -> memref<1x32x128xf32, #tpu.memory_space<vmem>>
      %dma_wait3A_763 = tpu.memref_squeeze %dma_wait3A_762 : memref<1x32x128xf32, #tpu.memory_space<vmem>> -> memref<32x128xf32, #tpu.memory_space<vmem>>
      %dma_wait3A_764 = arith.constant 0 : i32
      %dma_wait3A_765 = arith.constant 0 : i32
      %dma_wait3A_766 = tpu.memref_slice %arg3[%dma_wait3A_764, %dma_wait3A_765] : memref<32x1000001xf32, #tpu.memory_space<hbm>> -> memref<32x128xf32, #tpu.memory_space<hbm>>
      %dma_wait3A_767 = arith.constant 0 : i32
      %dma_wait3A_768 = arith.constant 0 : i32
      %dma_wait3A_769 = tpu.memref_slice %arg6[%select_n3A_759, %dma_wait3A_767, %dma_wait3A_768] : memref<16x32x128xf32, #tpu.memory_space<vmem>> -> memref<1x32x128xf32, #tpu.memory_space<vmem>>
      %dma_wait3A_770 = tpu.memref_squeeze %dma_wait3A_769 : memref<1x32x128xf32, #tpu.memory_space<vmem>> -> memref<32x128xf32, #tpu.memory_space<vmem>>
      %dma_wait3A_771 = arith.constant 0 : i32
      %dma_wait3A_772 = arith.constant 0 : i32
      %dma_wait3A_773 = tpu.memref_slice %arg3[%dma_wait3A_771, %dma_wait3A_772] : memref<32x1000001xf32, #tpu.memory_space<hbm>> -> memref<32x128xf32, #tpu.memory_space<hbm>>
      tpu.wait_dma2 semaphore(%arg8 : memref<!tpu.dma_semaphore, #tpu.memory_space<semaphore_mem>>) src(%dma_wait3A_773 : memref<32x128xf32, #tpu.memory_space<hbm>>) dst(%dma_wait3A_770 : memref<32x128xf32, #tpu.memory_space<vmem>>)
      %slice3A_774 = vector.extract_strided_slice %select_n3A_436 {offsets = [2], sizes = [1], strides = [1]} : vector<16xi32> to vector<1xi32>
      %squeeze3A_775 = vector.extract %slice3A_774[0] : i32 from vector<1xi32>
      %broadcast_in_dim3A_776 = vector.broadcast %squeeze3A_775 : i32 to vector<16xi32>
      %jit3A_777 = arith.constant 8 : i32
      %eq3A_778 = arith.constant 0 : i32
      %eq3A_779 = arith.cmpi eq, %jit3A_777, %eq3A_778 : i32
      %jit3A_780 = arith.constant 1 : i32
      %select_n3A_781 = arith.select %eq3A_779, %jit3A_780, %jit3A_777 : i32
      %rem3A_782 = arith.remsi %add3A_375, %select_n3A_781 : i32
      %ne3A_783 = arith.constant 0 : i32
      %ne3A_784 = arith.cmpi ne, %rem3A_782, %ne3A_783 : i32
      %lt3A_785 = arith.constant 0 : i32
      %lt3A_786 = arith.cmpi slt, %rem3A_782, %lt3A_785 : i32
      %lt3A_787 = arith.constant 0 : i32
      %lt3A_788 = arith.cmpi slt, %select_n3A_781, %lt3A_787 : i32
      %ne3A_789 = arith.xori %lt3A_786, %lt3A_788 : i1
      %and3A_790 = arith.andi %ne3A_789, %ne3A_784 : i1
      %add3A_791 = arith.addi %rem3A_782, %select_n3A_781 : i32
      %select_n3A_792 = arith.select %and3A_790, %add3A_791, %rem3A_782 : i32
      %mul3A_793 = arith.constant 16 : i32
      %mul3A_794 = arith.muli %select_n3A_792, %mul3A_793 : i32
      %add3A_795 = arith.constant 2 : i32
      %add3A_796 = arith.addi %mul3A_794, %add3A_795 : i32
      %broadcast_in_dim3A_797 = vector.broadcast %add3A_796 : i32 to vector<16xi32>
      %gather3A_798 = arith.constant 0 : i32
      %gather3A_799 = arith.constant 0 : i32
      %gather3A_800 = tpu.memref_slice %arg6[%select_n3A_759, %gather3A_798, %gather3A_799] : memref<16x32x128xf32, #tpu.memory_space<vmem>> -> memref<1x32x128xf32, #tpu.memory_space<vmem>>
      %gather3A_801 = tpu.memref_squeeze %gather3A_800 : memref<1x32x128xf32, #tpu.memory_space<vmem>> -> memref<32x128xf32, #tpu.memory_space<vmem>>
      %gather3A_802 = tpu.vector_load_idx %gather3A_801[%iota3A, %broadcast_in_dim3A_776] : memref<32x128xf32, #tpu.memory_space<vmem>>[vector<16xi32>, vector<16xi32>], vector<16xf32>,
      %gather3A_803 = arith.constant 0 : i32
      %gather3A_804 = arith.constant 0 : i32
      %gather3A_805 = tpu.memref_slice %arg6[%select_n3A_759, %gather3A_803, %gather3A_804] : memref<16x32x128xf32, #tpu.memory_space<vmem>> -> memref<1x32x128xf32, #tpu.memory_space<vmem>>
      %gather3A_806 = tpu.memref_squeeze %gather3A_805 : memref<1x32x128xf32, #tpu.memory_space<vmem>> -> memref<32x128xf32, #tpu.memory_space<vmem>>
      %gather3A_807 = tpu.vector_load_idx %gather3A_806[%add3A_5, %broadcast_in_dim3A_776] : memref<32x128xf32, #tpu.memory_space<vmem>>[vector<16xi32>, vector<16xi32>], vector<16xf32>,
      %add3A_808 = arith.constant 16 : i32
      %add3A_809 = arith.addi %add3A_743, %add3A_808 : i32
      %lt3A_810 = arith.constant 512 : i32
      %lt3A_811 = arith.cmpi slt, %add3A_809, %lt3A_810 : i32
      %convert_element_type3A_812 = arith.extui %lt3A_811 : i1 to i32
      %cond3A_813 = arith.constant 0 : i32
      %cond3A_814 = arith.cmpi ne, %convert_element_type3A_812, %cond3A_813 : i32
      scf.if %cond3A_814 {
        %slice3A_1811 = vector.extract_strided_slice %mul3A_493 {offsets = [2], sizes = [1], strides = [1]} : vector<16xi32> to vector<1xi32>
        %squeeze3A_1812 = vector.extract %slice3A_1811[0] : i32 from vector<1xi32>
        %multiple_of3A_1813 = tpu.assume_multiple %squeeze3A_1812, 128 : i32
        %dma_start3A_1814 = arith.constant 0 : i32
        %dma_start3A_1815 = arith.constant 0 : i32
        %dma_start3A_1816 = tpu.memref_slice %arg6[%select_n3A_759, %dma_start3A_1814, %dma_start3A_1815] : memref<16x32x128xf32, #tpu.memory_space<vmem>> -> memref<1x32x128xf32, #tpu.memory_space<vmem>>
        %dma_start3A_1817 = tpu.memref_squeeze %dma_start3A_1816 : memref<1x32x128xf32, #tpu.memory_space<vmem>> -> memref<32x128xf32, #tpu.memory_space<vmem>>
        %dma_start3A_1818 = arith.constant 0 : i32
        %dma_start3A_1819 = tpu.memref_slice %arg3[%dma_start3A_1818, %multiple_of3A_1813] : memref<32x1000001xf32, #tpu.memory_space<hbm>> -> memref<32x128xf32, #tpu.memory_space<hbm>>
        %dma_start3A_1820 = arith.constant 0 : i32
        %dma_start3A_1821 = arith.constant 0 : i32
        %dma_start3A_1822 = tpu.memref_slice %arg6[%select_n3A_759, %dma_start3A_1820, %dma_start3A_1821] : memref<16x32x128xf32, #tpu.memory_space<vmem>> -> memref<1x32x128xf32, #tpu.memory_space<vmem>>
        %dma_start3A_1823 = tpu.memref_squeeze %dma_start3A_1822 : memref<1x32x128xf32, #tpu.memory_space<vmem>> -> memref<32x128xf32, #tpu.memory_space<vmem>>
        %dma_start3A_1824 = arith.constant 0 : i32
        %dma_start3A_1825 = tpu.memref_slice %arg3[%dma_start3A_1824, %multiple_of3A_1813] : memref<32x1000001xf32, #tpu.memory_space<hbm>> -> memref<32x128xf32, #tpu.memory_space<hbm>>
        tpu.enqueue_dma source(%dma_start3A_1825 : memref<32x128xf32, #tpu.memory_space<hbm>>) target(%dma_start3A_1823 : memref<32x128xf32, #tpu.memory_space<vmem>>) target_semaphore(%arg8 : memref<!tpu.dma_semaphore, #tpu.memory_space<semaphore_mem>>)
      } else {
      }
      tpu.vector_store_idx %arg7[%iota3A, %broadcast_in_dim3A_797], %gather3A_802 : memref<32x128xf32, #tpu.memory_space<vmem>>[vector<16xi32>, vector<16xi32>], vector<16xf32>,
      tpu.vector_store_idx %arg7[%add3A_5, %broadcast_in_dim3A_797], %gather3A_807 : memref<32x128xf32, #tpu.memory_space<vmem>>[vector<16xi32>, vector<16xi32>], vector<16xf32>,
      %mul3A_815 = arith.constant 16 : i32
      %mul3A_816 = arith.muli %add3A_375, %mul3A_815 : i32
      %add3A_817 = arith.constant 3 : i32
      %add3A_818 = arith.addi %mul3A_816, %add3A_817 : i32
      %jit3A_819 = arith.constant 16 : i32
      %eq3A_820 = arith.constant 0 : i32
      %eq3A_821 = arith.cmpi eq, %jit3A_819, %eq3A_820 : i32
      %jit3A_822 = arith.constant 1 : i32
      %select_n3A_823 = arith.select %eq3A_821, %jit3A_822, %jit3A_819 : i32
      %rem3A_824 = arith.remsi %add3A_818, %select_n3A_823 : i32
      %ne3A_825 = arith.constant 0 : i32
      %ne3A_826 = arith.cmpi ne, %rem3A_824, %ne3A_825 : i32
      %lt3A_827 = arith.constant 0 : i32
      %lt3A_828 = arith.cmpi slt, %rem3A_824, %lt3A_827 : i32
      %lt3A_829 = arith.constant 0 : i32
      %lt3A_830 = arith.cmpi slt, %select_n3A_823, %lt3A_829 : i32
      %ne3A_831 = arith.xori %lt3A_828, %lt3A_830 : i1
      %and3A_832 = arith.andi %ne3A_831, %ne3A_826 : i1
      %add3A_833 = arith.addi %rem3A_824, %select_n3A_823 : i32
      %select_n3A_834 = arith.select %and3A_832, %add3A_833, %rem3A_824 : i32
      %dma_wait3A_835 = arith.constant 0 : i32
      %dma_wait3A_836 = arith.constant 0 : i32
      %dma_wait3A_837 = tpu.memref_slice %arg6[%select_n3A_834, %dma_wait3A_835, %dma_wait3A_836] : memref<16x32x128xf32, #tpu.memory_space<vmem>> -> memref<1x32x128xf32, #tpu.memory_space<vmem>>
      %dma_wait3A_838 = tpu.memref_squeeze %dma_wait3A_837 : memref<1x32x128xf32, #tpu.memory_space<vmem>> -> memref<32x128xf32, #tpu.memory_space<vmem>>
      %dma_wait3A_839 = arith.constant 0 : i32
      %dma_wait3A_840 = arith.constant 0 : i32
      %dma_wait3A_841 = tpu.memref_slice %arg3[%dma_wait3A_839, %dma_wait3A_840] : memref<32x1000001xf32, #tpu.memory_space<hbm>> -> memref<32x128xf32, #tpu.memory_space<hbm>>
      %dma_wait3A_842 = arith.constant 0 : i32
      %dma_wait3A_843 = arith.constant 0 : i32
      %dma_wait3A_844 = tpu.memref_slice %arg6[%select_n3A_834, %dma_wait3A_842, %dma_wait3A_843] : memref<16x32x128xf32, #tpu.memory_space<vmem>> -> memref<1x32x128xf32, #tpu.memory_space<vmem>>
      %dma_wait3A_845 = tpu.memref_squeeze %dma_wait3A_844 : memref<1x32x128xf32, #tpu.memory_space<vmem>> -> memref<32x128xf32, #tpu.memory_space<vmem>>
      %dma_wait3A_846 = arith.constant 0 : i32
      %dma_wait3A_847 = arith.constant 0 : i32
      %dma_wait3A_848 = tpu.memref_slice %arg3[%dma_wait3A_846, %dma_wait3A_847] : memref<32x1000001xf32, #tpu.memory_space<hbm>> -> memref<32x128xf32, #tpu.memory_space<hbm>>
      tpu.wait_dma2 semaphore(%arg8 : memref<!tpu.dma_semaphore, #tpu.memory_space<semaphore_mem>>) src(%dma_wait3A_848 : memref<32x128xf32, #tpu.memory_space<hbm>>) dst(%dma_wait3A_845 : memref<32x128xf32, #tpu.memory_space<vmem>>)
      %slice3A_849 = vector.extract_strided_slice %select_n3A_436 {offsets = [3], sizes = [1], strides = [1]} : vector<16xi32> to vector<1xi32>
      %squeeze3A_850 = vector.extract %slice3A_849[0] : i32 from vector<1xi32>
      %broadcast_in_dim3A_851 = vector.broadcast %squeeze3A_850 : i32 to vector<16xi32>
      %jit3A_852 = arith.constant 8 : i32
      %eq3A_853 = arith.constant 0 : i32
      %eq3A_854 = arith.cmpi eq, %jit3A_852, %eq3A_853 : i32
      %jit3A_855 = arith.constant 1 : i32
      %select_n3A_856 = arith.select %eq3A_854, %jit3A_855, %jit3A_852 : i32
      %rem3A_857 = arith.remsi %add3A_375, %select_n3A_856 : i32
      %ne3A_858 = arith.constant 0 : i32
      %ne3A_859 = arith.cmpi ne, %rem3A_857, %ne3A_858 : i32
      %lt3A_860 = arith.constant 0 : i32
      %lt3A_861 = arith.cmpi slt, %rem3A_857, %lt3A_860 : i32
      %lt3A_862 = arith.constant 0 : i32
      %lt3A_863 = arith.cmpi slt, %select_n3A_856, %lt3A_862 : i32
      %ne3A_864 = arith.xori %lt3A_861, %lt3A_863 : i1
      %and3A_865 = arith.andi %ne3A_864, %ne3A_859 : i1
      %add3A_866 = arith.addi %rem3A_857, %select_n3A_856 : i32
      %select_n3A_867 = arith.select %and3A_865, %add3A_866, %rem3A_857 : i32
      %mul3A_868 = arith.constant 16 : i32
      %mul3A_869 = arith.muli %select_n3A_867, %mul3A_868 : i32
      %add3A_870 = arith.constant 3 : i32
      %add3A_871 = arith.addi %mul3A_869, %add3A_870 : i32
      %broadcast_in_dim3A_872 = vector.broadcast %add3A_871 : i32 to vector<16xi32>
      %gather3A_873 = arith.constant 0 : i32
      %gather3A_874 = arith.constant 0 : i32
      %gather3A_875 = tpu.memref_slice %arg6[%select_n3A_834, %gather3A_873, %gather3A_874] : memref<16x32x128xf32, #tpu.memory_space<vmem>> -> memref<1x32x128xf32, #tpu.memory_space<vmem>>
      %gather3A_876 = tpu.memref_squeeze %gather3A_875 : memref<1x32x128xf32, #tpu.memory_space<vmem>> -> memref<32x128xf32, #tpu.memory_space<vmem>>
      %gather3A_877 = tpu.vector_load_idx %gather3A_876[%iota3A, %broadcast_in_dim3A_851] : memref<32x128xf32, #tpu.memory_space<vmem>>[vector<16xi32>, vector<16xi32>], vector<16xf32>,
      %gather3A_878 = arith.constant 0 : i32
      %gather3A_879 = arith.constant 0 : i32
      %gather3A_880 = tpu.memref_slice %arg6[%select_n3A_834, %gather3A_878, %gather3A_879] : memref<16x32x128xf32, #tpu.memory_space<vmem>> -> memref<1x32x128xf32, #tpu.memory_space<vmem>>
      %gather3A_881 = tpu.memref_squeeze %gather3A_880 : memref<1x32x128xf32, #tpu.memory_space<vmem>> -> memref<32x128xf32, #tpu.memory_space<vmem>>
      %gather3A_882 = tpu.vector_load_idx %gather3A_881[%add3A_5, %broadcast_in_dim3A_851] : memref<32x128xf32, #tpu.memory_space<vmem>>[vector<16xi32>, vector<16xi32>], vector<16xf32>,
      %add3A_883 = arith.constant 16 : i32
      %add3A_884 = arith.addi %add3A_818, %add3A_883 : i32
      %lt3A_885 = arith.constant 512 : i32
      %lt3A_886 = arith.cmpi slt, %add3A_884, %lt3A_885 : i32
      %convert_element_type3A_887 = arith.extui %lt3A_886 : i1 to i32
      %cond3A_888 = arith.constant 0 : i32
      %cond3A_889 = arith.cmpi ne, %convert_element_type3A_887, %cond3A_888 : i32
      scf.if %cond3A_889 {
        %slice3A_1811 = vector.extract_strided_slice %mul3A_493 {offsets = [3], sizes = [1], strides = [1]} : vector<16xi32> to vector<1xi32>
        %squeeze3A_1812 = vector.extract %slice3A_1811[0] : i32 from vector<1xi32>
        %multiple_of3A_1813 = tpu.assume_multiple %squeeze3A_1812, 128 : i32
        %dma_start3A_1814 = arith.constant 0 : i32
        %dma_start3A_1815 = arith.constant 0 : i32
        %dma_start3A_1816 = tpu.memref_slice %arg6[%select_n3A_834, %dma_start3A_1814, %dma_start3A_1815] : memref<16x32x128xf32, #tpu.memory_space<vmem>> -> memref<1x32x128xf32, #tpu.memory_space<vmem>>
        %dma_start3A_1817 = tpu.memref_squeeze %dma_start3A_1816 : memref<1x32x128xf32, #tpu.memory_space<vmem>> -> memref<32x128xf32, #tpu.memory_space<vmem>>
        %dma_start3A_1818 = arith.constant 0 : i32
        %dma_start3A_1819 = tpu.memref_slice %arg3[%dma_start3A_1818, %multiple_of3A_1813] : memref<32x1000001xf32, #tpu.memory_space<hbm>> -> memref<32x128xf32, #tpu.memory_space<hbm>>
        %dma_start3A_1820 = arith.constant 0 : i32
        %dma_start3A_1821 = arith.constant 0 : i32
        %dma_start3A_1822 = tpu.memref_slice %arg6[%select_n3A_834, %dma_start3A_1820, %dma_start3A_1821] : memref<16x32x128xf32, #tpu.memory_space<vmem>> -> memref<1x32x128xf32, #tpu.memory_space<vmem>>
        %dma_start3A_1823 = tpu.memref_squeeze %dma_start3A_1822 : memref<1x32x128xf32, #tpu.memory_space<vmem>> -> memref<32x128xf32, #tpu.memory_space<vmem>>
        %dma_start3A_1824 = arith.constant 0 : i32
        %dma_start3A_1825 = tpu.memref_slice %arg3[%dma_start3A_1824, %multiple_of3A_1813] : memref<32x1000001xf32, #tpu.memory_space<hbm>> -> memref<32x128xf32, #tpu.memory_space<hbm>>
        tpu.enqueue_dma source(%dma_start3A_1825 : memref<32x128xf32, #tpu.memory_space<hbm>>) target(%dma_start3A_1823 : memref<32x128xf32, #tpu.memory_space<vmem>>) target_semaphore(%arg8 : memref<!tpu.dma_semaphore, #tpu.memory_space<semaphore_mem>>)
      } else {
      }
      tpu.vector_store_idx %arg7[%iota3A, %broadcast_in_dim3A_872], %gather3A_877 : memref<32x128xf32, #tpu.memory_space<vmem>>[vector<16xi32>, vector<16xi32>], vector<16xf32>,
      tpu.vector_store_idx %arg7[%add3A_5, %broadcast_in_dim3A_872], %gather3A_882 : memref<32x128xf32, #tpu.memory_space<vmem>>[vector<16xi32>, vector<16xi32>], vector<16xf32>,
      %mul3A_890 = arith.constant 16 : i32
      %mul3A_891 = arith.muli %add3A_375, %mul3A_890 : i32
      %add3A_892 = arith.constant 4 : i32
      %add3A_893 = arith.addi %mul3A_891, %add3A_892 : i32
      %jit3A_894 = arith.constant 16 : i32
      %eq3A_895 = arith.constant 0 : i32
      %eq3A_896 = arith.cmpi eq, %jit3A_894, %eq3A_895 : i32
      %jit3A_897 = arith.constant 1 : i32
      %select_n3A_898 = arith.select %eq3A_896, %jit3A_897, %jit3A_894 : i32
      %rem3A_899 = arith.remsi %add3A_893, %select_n3A_898 : i32
      %ne3A_900 = arith.constant 0 : i32
      %ne3A_901 = arith.cmpi ne, %rem3A_899, %ne3A_900 : i32
      %lt3A_902 = arith.constant 0 : i32
      %lt3A_903 = arith.cmpi slt, %rem3A_899, %lt3A_902 : i32
      %lt3A_904 = arith.constant 0 : i32
      %lt3A_905 = arith.cmpi slt, %select_n3A_898, %lt3A_904 : i32
      %ne3A_906 = arith.xori %lt3A_903, %lt3A_905 : i1
      %and3A_907 = arith.andi %ne3A_906, %ne3A_901 : i1
      %add3A_908 = arith.addi %rem3A_899, %select_n3A_898 : i32
      %select_n3A_909 = arith.select %and3A_907, %add3A_908, %rem3A_899 : i32
      %dma_wait3A_910 = arith.constant 0 : i32
      %dma_wait3A_911 = arith.constant 0 : i32
      %dma_wait3A_912 = tpu.memref_slice %arg6[%select_n3A_909, %dma_wait3A_910, %dma_wait3A_911] : memref<16x32x128xf32, #tpu.memory_space<vmem>> -> memref<1x32x128xf32, #tpu.memory_space<vmem>>
      %dma_wait3A_913 = tpu.memref_squeeze %dma_wait3A_912 : memref<1x32x128xf32, #tpu.memory_space<vmem>> -> memref<32x128xf32, #tpu.memory_space<vmem>>
      %dma_wait3A_914 = arith.constant 0 : i32
      %dma_wait3A_915 = arith.constant 0 : i32
      %dma_wait3A_916 = tpu.memref_slice %arg3[%dma_wait3A_914, %dma_wait3A_915] : memref<32x1000001xf32, #tpu.memory_space<hbm>> -> memref<32x128xf32, #tpu.memory_space<hbm>>
      %dma_wait3A_917 = arith.constant 0 : i32
      %dma_wait3A_918 = arith.constant 0 : i32
      %dma_wait3A_919 = tpu.memref_slice %arg6[%select_n3A_909, %dma_wait3A_917, %dma_wait3A_918] : memref<16x32x128xf32, #tpu.memory_space<vmem>> -> memref<1x32x128xf32, #tpu.memory_space<vmem>>
      %dma_wait3A_920 = tpu.memref_squeeze %dma_wait3A_919 : memref<1x32x128xf32, #tpu.memory_space<vmem>> -> memref<32x128xf32, #tpu.memory_space<vmem>>
      %dma_wait3A_921 = arith.constant 0 : i32
      %dma_wait3A_922 = arith.constant 0 : i32
      %dma_wait3A_923 = tpu.memref_slice %arg3[%dma_wait3A_921, %dma_wait3A_922] : memref<32x1000001xf32, #tpu.memory_space<hbm>> -> memref<32x128xf32, #tpu.memory_space<hbm>>
      tpu.wait_dma2 semaphore(%arg8 : memref<!tpu.dma_semaphore, #tpu.memory_space<semaphore_mem>>) src(%dma_wait3A_923 : memref<32x128xf32, #tpu.memory_space<hbm>>) dst(%dma_wait3A_920 : memref<32x128xf32, #tpu.memory_space<vmem>>)
      %slice3A_924 = vector.extract_strided_slice %select_n3A_436 {offsets = [4], sizes = [1], strides = [1]} : vector<16xi32> to vector<1xi32>
      %squeeze3A_925 = vector.extract %slice3A_924[0] : i32 from vector<1xi32>
      %broadcast_in_dim3A_926 = vector.broadcast %squeeze3A_925 : i32 to vector<16xi32>
      %jit3A_927 = arith.constant 8 : i32
      %eq3A_928 = arith.constant 0 : i32
      %eq3A_929 = arith.cmpi eq, %jit3A_927, %eq3A_928 : i32
      %jit3A_930 = arith.constant 1 : i32
      %select_n3A_931 = arith.select %eq3A_929, %jit3A_930, %jit3A_927 : i32
      %rem3A_932 = arith.remsi %add3A_375, %select_n3A_931 : i32
      %ne3A_933 = arith.constant 0 : i32
      %ne3A_934 = arith.cmpi ne, %rem3A_932, %ne3A_933 : i32
      %lt3A_935 = arith.constant 0 : i32
      %lt3A_936 = arith.cmpi slt, %rem3A_932, %lt3A_935 : i32
      %lt3A_937 = arith.constant 0 : i32
      %lt3A_938 = arith.cmpi slt, %select_n3A_931, %lt3A_937 : i32
      %ne3A_939 = arith.xori %lt3A_936, %lt3A_938 : i1
      %and3A_940 = arith.andi %ne3A_939, %ne3A_934 : i1
      %add3A_941 = arith.addi %rem3A_932, %select_n3A_931 : i32
      %select_n3A_942 = arith.select %and3A_940, %add3A_941, %rem3A_932 : i32
      %mul3A_943 = arith.constant 16 : i32
      %mul3A_944 = arith.muli %select_n3A_942, %mul3A_943 : i32
      %add3A_945 = arith.constant 4 : i32
      %add3A_946 = arith.addi %mul3A_944, %add3A_945 : i32
      %broadcast_in_dim3A_947 = vector.broadcast %add3A_946 : i32 to vector<16xi32>
      %gather3A_948 = arith.constant 0 : i32
      %gather3A_949 = arith.constant 0 : i32
      %gather3A_950 = tpu.memref_slice %arg6[%select_n3A_909, %gather3A_948, %gather3A_949] : memref<16x32x128xf32, #tpu.memory_space<vmem>> -> memref<1x32x128xf32, #tpu.memory_space<vmem>>
      %gather3A_951 = tpu.memref_squeeze %gather3A_950 : memref<1x32x128xf32, #tpu.memory_space<vmem>> -> memref<32x128xf32, #tpu.memory_space<vmem>>
      %gather3A_952 = tpu.vector_load_idx %gather3A_951[%iota3A, %broadcast_in_dim3A_926] : memref<32x128xf32, #tpu.memory_space<vmem>>[vector<16xi32>, vector<16xi32>], vector<16xf32>,
      %gather3A_953 = arith.constant 0 : i32
      %gather3A_954 = arith.constant 0 : i32
      %gather3A_955 = tpu.memref_slice %arg6[%select_n3A_909, %gather3A_953, %gather3A_954] : memref<16x32x128xf32, #tpu.memory_space<vmem>> -> memref<1x32x128xf32, #tpu.memory_space<vmem>>
      %gather3A_956 = tpu.memref_squeeze %gather3A_955 : memref<1x32x128xf32, #tpu.memory_space<vmem>> -> memref<32x128xf32, #tpu.memory_space<vmem>>
      %gather3A_957 = tpu.vector_load_idx %gather3A_956[%add3A_5, %broadcast_in_dim3A_926] : memref<32x128xf32, #tpu.memory_space<vmem>>[vector<16xi32>, vector<16xi32>], vector<16xf32>,
      %add3A_958 = arith.constant 16 : i32
      %add3A_959 = arith.addi %add3A_893, %add3A_958 : i32
      %lt3A_960 = arith.constant 512 : i32
      %lt3A_961 = arith.cmpi slt, %add3A_959, %lt3A_960 : i32
      %convert_element_type3A_962 = arith.extui %lt3A_961 : i1 to i32
      %cond3A_963 = arith.constant 0 : i32
      %cond3A_964 = arith.cmpi ne, %convert_element_type3A_962, %cond3A_963 : i32
      scf.if %cond3A_964 {
        %slice3A_1811 = vector.extract_strided_slice %mul3A_493 {offsets = [4], sizes = [1], strides = [1]} : vector<16xi32> to vector<1xi32>
        %squeeze3A_1812 = vector.extract %slice3A_1811[0] : i32 from vector<1xi32>
        %multiple_of3A_1813 = tpu.assume_multiple %squeeze3A_1812, 128 : i32
        %dma_start3A_1814 = arith.constant 0 : i32
        %dma_start3A_1815 = arith.constant 0 : i32
        %dma_start3A_1816 = tpu.memref_slice %arg6[%select_n3A_909, %dma_start3A_1814, %dma_start3A_1815] : memref<16x32x128xf32, #tpu.memory_space<vmem>> -> memref<1x32x128xf32, #tpu.memory_space<vmem>>
        %dma_start3A_1817 = tpu.memref_squeeze %dma_start3A_1816 : memref<1x32x128xf32, #tpu.memory_space<vmem>> -> memref<32x128xf32, #tpu.memory_space<vmem>>
        %dma_start3A_1818 = arith.constant 0 : i32
        %dma_start3A_1819 = tpu.memref_slice %arg3[%dma_start3A_1818, %multiple_of3A_1813] : memref<32x1000001xf32, #tpu.memory_space<hbm>> -> memref<32x128xf32, #tpu.memory_space<hbm>>
        %dma_start3A_1820 = arith.constant 0 : i32
        %dma_start3A_1821 = arith.constant 0 : i32
        %dma_start3A_1822 = tpu.memref_slice %arg6[%select_n3A_909, %dma_start3A_1820, %dma_start3A_1821] : memref<16x32x128xf32, #tpu.memory_space<vmem>> -> memref<1x32x128xf32, #tpu.memory_space<vmem>>
        %dma_start3A_1823 = tpu.memref_squeeze %dma_start3A_1822 : memref<1x32x128xf32, #tpu.memory_space<vmem>> -> memref<32x128xf32, #tpu.memory_space<vmem>>
        %dma_start3A_1824 = arith.constant 0 : i32
        %dma_start3A_1825 = tpu.memref_slice %arg3[%dma_start3A_1824, %multiple_of3A_1813] : memref<32x1000001xf32, #tpu.memory_space<hbm>> -> memref<32x128xf32, #tpu.memory_space<hbm>>
        tpu.enqueue_dma source(%dma_start3A_1825 : memref<32x128xf32, #tpu.memory_space<hbm>>) target(%dma_start3A_1823 : memref<32x128xf32, #tpu.memory_space<vmem>>) target_semaphore(%arg8 : memref<!tpu.dma_semaphore, #tpu.memory_space<semaphore_mem>>)
      } else {
      }
      tpu.vector_store_idx %arg7[%iota3A, %broadcast_in_dim3A_947], %gather3A_952 : memref<32x128xf32, #tpu.memory_space<vmem>>[vector<16xi32>, vector<16xi32>], vector<16xf32>,
      tpu.vector_store_idx %arg7[%add3A_5, %broadcast_in_dim3A_947], %gather3A_957 : memref<32x128xf32, #tpu.memory_space<vmem>>[vector<16xi32>, vector<16xi32>], vector<16xf32>,
      %mul3A_965 = arith.constant 16 : i32
      %mul3A_966 = arith.muli %add3A_375, %mul3A_965 : i32
      %add3A_967 = arith.constant 5 : i32
      %add3A_968 = arith.addi %mul3A_966, %add3A_967 : i32
      %jit3A_969 = arith.constant 16 : i32
      %eq3A_970 = arith.constant 0 : i32
      %eq3A_971 = arith.cmpi eq, %jit3A_969, %eq3A_970 : i32
      %jit3A_972 = arith.constant 1 : i32
      %select_n3A_973 = arith.select %eq3A_971, %jit3A_972, %jit3A_969 : i32
      %rem3A_974 = arith.remsi %add3A_968, %select_n3A_973 : i32
      %ne3A_975 = arith.constant 0 : i32
      %ne3A_976 = arith.cmpi ne, %rem3A_974, %ne3A_975 : i32
      %lt3A_977 = arith.constant 0 : i32
      %lt3A_978 = arith.cmpi slt, %rem3A_974, %lt3A_977 : i32
      %lt3A_979 = arith.constant 0 : i32
      %lt3A_980 = arith.cmpi slt, %select_n3A_973, %lt3A_979 : i32
      %ne3A_981 = arith.xori %lt3A_978, %lt3A_980 : i1
      %and3A_982 = arith.andi %ne3A_981, %ne3A_976 : i1
      %add3A_983 = arith.addi %rem3A_974, %select_n3A_973 : i32
      %select_n3A_984 = arith.select %and3A_982, %add3A_983, %rem3A_974 : i32
      %dma_wait3A_985 = arith.constant 0 : i32
      %dma_wait3A_986 = arith.constant 0 : i32
      %dma_wait3A_987 = tpu.memref_slice %arg6[%select_n3A_984, %dma_wait3A_985, %dma_wait3A_986] : memref<16x32x128xf32, #tpu.memory_space<vmem>> -> memref<1x32x128xf32, #tpu.memory_space<vmem>>
      %dma_wait3A_988 = tpu.memref_squeeze %dma_wait3A_987 : memref<1x32x128xf32, #tpu.memory_space<vmem>> -> memref<32x128xf32, #tpu.memory_space<vmem>>
      %dma_wait3A_989 = arith.constant 0 : i32
      %dma_wait3A_990 = arith.constant 0 : i32
      %dma_wait3A_991 = tpu.memref_slice %arg3[%dma_wait3A_989, %dma_wait3A_990] : memref<32x1000001xf32, #tpu.memory_space<hbm>> -> memref<32x128xf32, #tpu.memory_space<hbm>>
      %dma_wait3A_992 = arith.constant 0 : i32
      %dma_wait3A_993 = arith.constant 0 : i32
      %dma_wait3A_994 = tpu.memref_slice %arg6[%select_n3A_984, %dma_wait3A_992, %dma_wait3A_993] : memref<16x32x128xf32, #tpu.memory_space<vmem>> -> memref<1x32x128xf32, #tpu.memory_space<vmem>>
      %dma_wait3A_995 = tpu.memref_squeeze %dma_wait3A_994 : memref<1x32x128xf32, #tpu.memory_space<vmem>> -> memref<32x128xf32, #tpu.memory_space<vmem>>
      %dma_wait3A_996 = arith.constant 0 : i32
      %dma_wait3A_997 = arith.constant 0 : i32
      %dma_wait3A_998 = tpu.memref_slice %arg3[%dma_wait3A_996, %dma_wait3A_997] : memref<32x1000001xf32, #tpu.memory_space<hbm>> -> memref<32x128xf32, #tpu.memory_space<hbm>>
      tpu.wait_dma2 semaphore(%arg8 : memref<!tpu.dma_semaphore, #tpu.memory_space<semaphore_mem>>) src(%dma_wait3A_998 : memref<32x128xf32, #tpu.memory_space<hbm>>) dst(%dma_wait3A_995 : memref<32x128xf32, #tpu.memory_space<vmem>>)
      %slice3A_999 = vector.extract_strided_slice %select_n3A_436 {offsets = [5], sizes = [1], strides = [1]} : vector<16xi32> to vector<1xi32>
      %squeeze3A_1000 = vector.extract %slice3A_999[0] : i32 from vector<1xi32>
      %broadcast_in_dim3A_1001 = vector.broadcast %squeeze3A_1000 : i32 to vector<16xi32>
      %jit3A_1002 = arith.constant 8 : i32
      %eq3A_1003 = arith.constant 0 : i32
      %eq3A_1004 = arith.cmpi eq, %jit3A_1002, %eq3A_1003 : i32
      %jit3A_1005 = arith.constant 1 : i32
      %select_n3A_1006 = arith.select %eq3A_1004, %jit3A_1005, %jit3A_1002 : i32
      %rem3A_1007 = arith.remsi %add3A_375, %select_n3A_1006 : i32
      %ne3A_1008 = arith.constant 0 : i32
      %ne3A_1009 = arith.cmpi ne, %rem3A_1007, %ne3A_1008 : i32
      %lt3A_1010 = arith.constant 0 : i32
      %lt3A_1011 = arith.cmpi slt, %rem3A_1007, %lt3A_1010 : i32
      %lt3A_1012 = arith.constant 0 : i32
      %lt3A_1013 = arith.cmpi slt, %select_n3A_1006, %lt3A_1012 : i32
      %ne3A_1014 = arith.xori %lt3A_1011, %lt3A_1013 : i1
      %and3A_1015 = arith.andi %ne3A_1014, %ne3A_1009 : i1
      %add3A_1016 = arith.addi %rem3A_1007, %select_n3A_1006 : i32
      %select_n3A_1017 = arith.select %and3A_1015, %add3A_1016, %rem3A_1007 : i32
      %mul3A_1018 = arith.constant 16 : i32
      %mul3A_1019 = arith.muli %select_n3A_1017, %mul3A_1018 : i32
      %add3A_1020 = arith.constant 5 : i32
      %add3A_1021 = arith.addi %mul3A_1019, %add3A_1020 : i32
      %broadcast_in_dim3A_1022 = vector.broadcast %add3A_1021 : i32 to vector<16xi32>
      %gather3A_1023 = arith.constant 0 : i32
      %gather3A_1024 = arith.constant 0 : i32
      %gather3A_1025 = tpu.memref_slice %arg6[%select_n3A_984, %gather3A_1023, %gather3A_1024] : memref<16x32x128xf32, #tpu.memory_space<vmem>> -> memref<1x32x128xf32, #tpu.memory_space<vmem>>
      %gather3A_1026 = tpu.memref_squeeze %gather3A_1025 : memref<1x32x128xf32, #tpu.memory_space<vmem>> -> memref<32x128xf32, #tpu.memory_space<vmem>>
      %gather3A_1027 = tpu.vector_load_idx %gather3A_1026[%iota3A, %broadcast_in_dim3A_1001] : memref<32x128xf32, #tpu.memory_space<vmem>>[vector<16xi32>, vector<16xi32>], vector<16xf32>,
      %gather3A_1028 = arith.constant 0 : i32
      %gather3A_1029 = arith.constant 0 : i32
      %gather3A_1030 = tpu.memref_slice %arg6[%select_n3A_984, %gather3A_1028, %gather3A_1029] : memref<16x32x128xf32, #tpu.memory_space<vmem>> -> memref<1x32x128xf32, #tpu.memory_space<vmem>>
      %gather3A_1031 = tpu.memref_squeeze %gather3A_1030 : memref<1x32x128xf32, #tpu.memory_space<vmem>> -> memref<32x128xf32, #tpu.memory_space<vmem>>
      %gather3A_1032 = tpu.vector_load_idx %gather3A_1031[%add3A_5, %broadcast_in_dim3A_1001] : memref<32x128xf32, #tpu.memory_space<vmem>>[vector<16xi32>, vector<16xi32>], vector<16xf32>,
      %add3A_1033 = arith.constant 16 : i32
      %add3A_1034 = arith.addi %add3A_968, %add3A_1033 : i32
      %lt3A_1035 = arith.constant 512 : i32
      %lt3A_1036 = arith.cmpi slt, %add3A_1034, %lt3A_1035 : i32
      %convert_element_type3A_1037 = arith.extui %lt3A_1036 : i1 to i32
      %cond3A_1038 = arith.constant 0 : i32
      %cond3A_1039 = arith.cmpi ne, %convert_element_type3A_1037, %cond3A_1038 : i32
      scf.if %cond3A_1039 {
        %slice3A_1811 = vector.extract_strided_slice %mul3A_493 {offsets = [5], sizes = [1], strides = [1]} : vector<16xi32> to vector<1xi32>
        %squeeze3A_1812 = vector.extract %slice3A_1811[0] : i32 from vector<1xi32>
        %multiple_of3A_1813 = tpu.assume_multiple %squeeze3A_1812, 128 : i32
        %dma_start3A_1814 = arith.constant 0 : i32
        %dma_start3A_1815 = arith.constant 0 : i32
        %dma_start3A_1816 = tpu.memref_slice %arg6[%select_n3A_984, %dma_start3A_1814, %dma_start3A_1815] : memref<16x32x128xf32, #tpu.memory_space<vmem>> -> memref<1x32x128xf32, #tpu.memory_space<vmem>>
        %dma_start3A_1817 = tpu.memref_squeeze %dma_start3A_1816 : memref<1x32x128xf32, #tpu.memory_space<vmem>> -> memref<32x128xf32, #tpu.memory_space<vmem>>
        %dma_start3A_1818 = arith.constant 0 : i32
        %dma_start3A_1819 = tpu.memref_slice %arg3[%dma_start3A_1818, %multiple_of3A_1813] : memref<32x1000001xf32, #tpu.memory_space<hbm>> -> memref<32x128xf32, #tpu.memory_space<hbm>>
        %dma_start3A_1820 = arith.constant 0 : i32
        %dma_start3A_1821 = arith.constant 0 : i32
        %dma_start3A_1822 = tpu.memref_slice %arg6[%select_n3A_984, %dma_start3A_1820, %dma_start3A_1821] : memref<16x32x128xf32, #tpu.memory_space<vmem>> -> memref<1x32x128xf32, #tpu.memory_space<vmem>>
        %dma_start3A_1823 = tpu.memref_squeeze %dma_start3A_1822 : memref<1x32x128xf32, #tpu.memory_space<vmem>> -> memref<32x128xf32, #tpu.memory_space<vmem>>
        %dma_start3A_1824 = arith.constant 0 : i32
        %dma_start3A_1825 = tpu.memref_slice %arg3[%dma_start3A_1824, %multiple_of3A_1813] : memref<32x1000001xf32, #tpu.memory_space<hbm>> -> memref<32x128xf32, #tpu.memory_space<hbm>>
        tpu.enqueue_dma source(%dma_start3A_1825 : memref<32x128xf32, #tpu.memory_space<hbm>>) target(%dma_start3A_1823 : memref<32x128xf32, #tpu.memory_space<vmem>>) target_semaphore(%arg8 : memref<!tpu.dma_semaphore, #tpu.memory_space<semaphore_mem>>)
      } else {
      }
      tpu.vector_store_idx %arg7[%iota3A, %broadcast_in_dim3A_1022], %gather3A_1027 : memref<32x128xf32, #tpu.memory_space<vmem>>[vector<16xi32>, vector<16xi32>], vector<16xf32>,
      tpu.vector_store_idx %arg7[%add3A_5, %broadcast_in_dim3A_1022], %gather3A_1032 : memref<32x128xf32, #tpu.memory_space<vmem>>[vector<16xi32>, vector<16xi32>], vector<16xf32>,
      %mul3A_1040 = arith.constant 16 : i32
      %mul3A_1041 = arith.muli %add3A_375, %mul3A_1040 : i32
      %add3A_1042 = arith.constant 6 : i32
      %add3A_1043 = arith.addi %mul3A_1041, %add3A_1042 : i32
      %jit3A_1044 = arith.constant 16 : i32
      %eq3A_1045 = arith.constant 0 : i32
      %eq3A_1046 = arith.cmpi eq, %jit3A_1044, %eq3A_1045 : i32
      %jit3A_1047 = arith.constant 1 : i32
      %select_n3A_1048 = arith.select %eq3A_1046, %jit3A_1047, %jit3A_1044 : i32
      %rem3A_1049 = arith.remsi %add3A_1043, %select_n3A_1048 : i32
      %ne3A_1050 = arith.constant 0 : i32
      %ne3A_1051 = arith.cmpi ne, %rem3A_1049, %ne3A_1050 : i32
      %lt3A_1052 = arith.constant 0 : i32
      %lt3A_1053 = arith.cmpi slt, %rem3A_1049, %lt3A_1052 : i32
      %lt3A_1054 = arith.constant 0 : i32
      %lt3A_1055 = arith.cmpi slt, %select_n3A_1048, %lt3A_1054 : i32
      %ne3A_1056 = arith.xori %lt3A_1053, %lt3A_1055 : i1
      %and3A_1057 = arith.andi %ne3A_1056, %ne3A_1051 : i1
      %add3A_1058 = arith.addi %rem3A_1049, %select_n3A_1048 : i32
      %select_n3A_1059 = arith.select %and3A_1057, %add3A_1058, %rem3A_1049 : i32
      %dma_wait3A_1060 = arith.constant 0 : i32
      %dma_wait3A_1061 = arith.constant 0 : i32
      %dma_wait3A_1062 = tpu.memref_slice %arg6[%select_n3A_1059, %dma_wait3A_1060, %dma_wait3A_1061] : memref<16x32x128xf32, #tpu.memory_space<vmem>> -> memref<1x32x128xf32, #tpu.memory_space<vmem>>
      %dma_wait3A_1063 = tpu.memref_squeeze %dma_wait3A_1062 : memref<1x32x128xf32, #tpu.memory_space<vmem>> -> memref<32x128xf32, #tpu.memory_space<vmem>>
      %dma_wait3A_1064 = arith.constant 0 : i32
      %dma_wait3A_1065 = arith.constant 0 : i32
      %dma_wait3A_1066 = tpu.memref_slice %arg3[%dma_wait3A_1064, %dma_wait3A_1065] : memref<32x1000001xf32, #tpu.memory_space<hbm>> -> memref<32x128xf32, #tpu.memory_space<hbm>>
      %dma_wait3A_1067 = arith.constant 0 : i32
      %dma_wait3A_1068 = arith.constant 0 : i32
      %dma_wait3A_1069 = tpu.memref_slice %arg6[%select_n3A_1059, %dma_wait3A_1067, %dma_wait3A_1068] : memref<16x32x128xf32, #tpu.memory_space<vmem>> -> memref<1x32x128xf32, #tpu.memory_space<vmem>>
      %dma_wait3A_1070 = tpu.memref_squeeze %dma_wait3A_1069 : memref<1x32x128xf32, #tpu.memory_space<vmem>> -> memref<32x128xf32, #tpu.memory_space<vmem>>
      %dma_wait3A_1071 = arith.constant 0 : i32
      %dma_wait3A_1072 = arith.constant 0 : i32
      %dma_wait3A_1073 = tpu.memref_slice %arg3[%dma_wait3A_1071, %dma_wait3A_1072] : memref<32x1000001xf32, #tpu.memory_space<hbm>> -> memref<32x128xf32, #tpu.memory_space<hbm>>
      tpu.wait_dma2 semaphore(%arg8 : memref<!tpu.dma_semaphore, #tpu.memory_space<semaphore_mem>>) src(%dma_wait3A_1073 : memref<32x128xf32, #tpu.memory_space<hbm>>) dst(%dma_wait3A_1070 : memref<32x128xf32, #tpu.memory_space<vmem>>)
      %slice3A_1074 = vector.extract_strided_slice %select_n3A_436 {offsets = [6], sizes = [1], strides = [1]} : vector<16xi32> to vector<1xi32>
      %squeeze3A_1075 = vector.extract %slice3A_1074[0] : i32 from vector<1xi32>
      %broadcast_in_dim3A_1076 = vector.broadcast %squeeze3A_1075 : i32 to vector<16xi32>
      %jit3A_1077 = arith.constant 8 : i32
      %eq3A_1078 = arith.constant 0 : i32
      %eq3A_1079 = arith.cmpi eq, %jit3A_1077, %eq3A_1078 : i32
      %jit3A_1080 = arith.constant 1 : i32
      %select_n3A_1081 = arith.select %eq3A_1079, %jit3A_1080, %jit3A_1077 : i32
      %rem3A_1082 = arith.remsi %add3A_375, %select_n3A_1081 : i32
      %ne3A_1083 = arith.constant 0 : i32
      %ne3A_1084 = arith.cmpi ne, %rem3A_1082, %ne3A_1083 : i32
      %lt3A_1085 = arith.constant 0 : i32
      %lt3A_1086 = arith.cmpi slt, %rem3A_1082, %lt3A_1085 : i32
      %lt3A_1087 = arith.constant 0 : i32
      %lt3A_1088 = arith.cmpi slt, %select_n3A_1081, %lt3A_1087 : i32
      %ne3A_1089 = arith.xori %lt3A_1086, %lt3A_1088 : i1
      %and3A_1090 = arith.andi %ne3A_1089, %ne3A_1084 : i1
      %add3A_1091 = arith.addi %rem3A_1082, %select_n3A_1081 : i32
      %select_n3A_1092 = arith.select %and3A_1090, %add3A_1091, %rem3A_1082 : i32
      %mul3A_1093 = arith.constant 16 : i32
      %mul3A_1094 = arith.muli %select_n3A_1092, %mul3A_1093 : i32
      %add3A_1095 = arith.constant 6 : i32
      %add3A_1096 = arith.addi %mul3A_1094, %add3A_1095 : i32
      %broadcast_in_dim3A_1097 = vector.broadcast %add3A_1096 : i32 to vector<16xi32>
      %gather3A_1098 = arith.constant 0 : i32
      %gather3A_1099 = arith.constant 0 : i32
      %gather3A_1100 = tpu.memref_slice %arg6[%select_n3A_1059, %gather3A_1098, %gather3A_1099] : memref<16x32x128xf32, #tpu.memory_space<vmem>> -> memref<1x32x128xf32, #tpu.memory_space<vmem>>
      %gather3A_1101 = tpu.memref_squeeze %gather3A_1100 : memref<1x32x128xf32, #tpu.memory_space<vmem>> -> memref<32x128xf32, #tpu.memory_space<vmem>>
      %gather3A_1102 = tpu.vector_load_idx %gather3A_1101[%iota3A, %broadcast_in_dim3A_1076] : memref<32x128xf32, #tpu.memory_space<vmem>>[vector<16xi32>, vector<16xi32>], vector<16xf32>,
      %gather3A_1103 = arith.constant 0 : i32
      %gather3A_1104 = arith.constant 0 : i32
      %gather3A_1105 = tpu.memref_slice %arg6[%select_n3A_1059, %gather3A_1103, %gather3A_1104] : memref<16x32x128xf32, #tpu.memory_space<vmem>> -> memref<1x32x128xf32, #tpu.memory_space<vmem>>
      %gather3A_1106 = tpu.memref_squeeze %gather3A_1105 : memref<1x32x128xf32, #tpu.memory_space<vmem>> -> memref<32x128xf32, #tpu.memory_space<vmem>>
      %gather3A_1107 = tpu.vector_load_idx %gather3A_1106[%add3A_5, %broadcast_in_dim3A_1076] : memref<32x128xf32, #tpu.memory_space<vmem>>[vector<16xi32>, vector<16xi32>], vector<16xf32>,
      %add3A_1108 = arith.constant 16 : i32
      %add3A_1109 = arith.addi %add3A_1043, %add3A_1108 : i32
      %lt3A_1110 = arith.constant 512 : i32
      %lt3A_1111 = arith.cmpi slt, %add3A_1109, %lt3A_1110 : i32
      %convert_element_type3A_1112 = arith.extui %lt3A_1111 : i1 to i32
      %cond3A_1113 = arith.constant 0 : i32
      %cond3A_1114 = arith.cmpi ne, %convert_element_type3A_1112, %cond3A_1113 : i32
      scf.if %cond3A_1114 {
        %slice3A_1811 = vector.extract_strided_slice %mul3A_493 {offsets = [6], sizes = [1], strides = [1]} : vector<16xi32> to vector<1xi32>
        %squeeze3A_1812 = vector.extract %slice3A_1811[0] : i32 from vector<1xi32>
        %multiple_of3A_1813 = tpu.assume_multiple %squeeze3A_1812, 128 : i32
        %dma_start3A_1814 = arith.constant 0 : i32
        %dma_start3A_1815 = arith.constant 0 : i32
        %dma_start3A_1816 = tpu.memref_slice %arg6[%select_n3A_1059, %dma_start3A_1814, %dma_start3A_1815] : memref<16x32x128xf32, #tpu.memory_space<vmem>> -> memref<1x32x128xf32, #tpu.memory_space<vmem>>
        %dma_start3A_1817 = tpu.memref_squeeze %dma_start3A_1816 : memref<1x32x128xf32, #tpu.memory_space<vmem>> -> memref<32x128xf32, #tpu.memory_space<vmem>>
        %dma_start3A_1818 = arith.constant 0 : i32
        %dma_start3A_1819 = tpu.memref_slice %arg3[%dma_start3A_1818, %multiple_of3A_1813] : memref<32x1000001xf32, #tpu.memory_space<hbm>> -> memref<32x128xf32, #tpu.memory_space<hbm>>
        %dma_start3A_1820 = arith.constant 0 : i32
        %dma_start3A_1821 = arith.constant 0 : i32
        %dma_start3A_1822 = tpu.memref_slice %arg6[%select_n3A_1059, %dma_start3A_1820, %dma_start3A_1821] : memref<16x32x128xf32, #tpu.memory_space<vmem>> -> memref<1x32x128xf32, #tpu.memory_space<vmem>>
        %dma_start3A_1823 = tpu.memref_squeeze %dma_start3A_1822 : memref<1x32x128xf32, #tpu.memory_space<vmem>> -> memref<32x128xf32, #tpu.memory_space<vmem>>
        %dma_start3A_1824 = arith.constant 0 : i32
        %dma_start3A_1825 = tpu.memref_slice %arg3[%dma_start3A_1824, %multiple_of3A_1813] : memref<32x1000001xf32, #tpu.memory_space<hbm>> -> memref<32x128xf32, #tpu.memory_space<hbm>>
        tpu.enqueue_dma source(%dma_start3A_1825 : memref<32x128xf32, #tpu.memory_space<hbm>>) target(%dma_start3A_1823 : memref<32x128xf32, #tpu.memory_space<vmem>>) target_semaphore(%arg8 : memref<!tpu.dma_semaphore, #tpu.memory_space<semaphore_mem>>)
      } else {
      }
      tpu.vector_store_idx %arg7[%iota3A, %broadcast_in_dim3A_1097], %gather3A_1102 : memref<32x128xf32, #tpu.memory_space<vmem>>[vector<16xi32>, vector<16xi32>], vector<16xf32>,
      tpu.vector_store_idx %arg7[%add3A_5, %broadcast_in_dim3A_1097], %gather3A_1107 : memref<32x128xf32, #tpu.memory_space<vmem>>[vector<16xi32>, vector<16xi32>], vector<16xf32>,
      %mul3A_1115 = arith.constant 16 : i32
      %mul3A_1116 = arith.muli %add3A_375, %mul3A_1115 : i32
      %add3A_1117 = arith.constant 7 : i32
      %add3A_1118 = arith.addi %mul3A_1116, %add3A_1117 : i32
      %jit3A_1119 = arith.constant 16 : i32
      %eq3A_1120 = arith.constant 0 : i32
      %eq3A_1121 = arith.cmpi eq, %jit3A_1119, %eq3A_1120 : i32
      %jit3A_1122 = arith.constant 1 : i32
      %select_n3A_1123 = arith.select %eq3A_1121, %jit3A_1122, %jit3A_1119 : i32
      %rem3A_1124 = arith.remsi %add3A_1118, %select_n3A_1123 : i32
      %ne3A_1125 = arith.constant 0 : i32
      %ne3A_1126 = arith.cmpi ne, %rem3A_1124, %ne3A_1125 : i32
      %lt3A_1127 = arith.constant 0 : i32
      %lt3A_1128 = arith.cmpi slt, %rem3A_1124, %lt3A_1127 : i32
      %lt3A_1129 = arith.constant 0 : i32
      %lt3A_1130 = arith.cmpi slt, %select_n3A_1123, %lt3A_1129 : i32
      %ne3A_1131 = arith.xori %lt3A_1128, %lt3A_1130 : i1
      %and3A_1132 = arith.andi %ne3A_1131, %ne3A_1126 : i1
      %add3A_1133 = arith.addi %rem3A_1124, %select_n3A_1123 : i32
      %select_n3A_1134 = arith.select %and3A_1132, %add3A_1133, %rem3A_1124 : i32
      %dma_wait3A_1135 = arith.constant 0 : i32
      %dma_wait3A_1136 = arith.constant 0 : i32
      %dma_wait3A_1137 = tpu.memref_slice %arg6[%select_n3A_1134, %dma_wait3A_1135, %dma_wait3A_1136] : memref<16x32x128xf32, #tpu.memory_space<vmem>> -> memref<1x32x128xf32, #tpu.memory_space<vmem>>
      %dma_wait3A_1138 = tpu.memref_squeeze %dma_wait3A_1137 : memref<1x32x128xf32, #tpu.memory_space<vmem>> -> memref<32x128xf32, #tpu.memory_space<vmem>>
      %dma_wait3A_1139 = arith.constant 0 : i32
      %dma_wait3A_1140 = arith.constant 0 : i32
      %dma_wait3A_1141 = tpu.memref_slice %arg3[%dma_wait3A_1139, %dma_wait3A_1140] : memref<32x1000001xf32, #tpu.memory_space<hbm>> -> memref<32x128xf32, #tpu.memory_space<hbm>>
      %dma_wait3A_1142 = arith.constant 0 : i32
      %dma_wait3A_1143 = arith.constant 0 : i32
      %dma_wait3A_1144 = tpu.memref_slice %arg6[%select_n3A_1134, %dma_wait3A_1142, %dma_wait3A_1143] : memref<16x32x128xf32, #tpu.memory_space<vmem>> -> memref<1x32x128xf32, #tpu.memory_space<vmem>>
      %dma_wait3A_1145 = tpu.memref_squeeze %dma_wait3A_1144 : memref<1x32x128xf32, #tpu.memory_space<vmem>> -> memref<32x128xf32, #tpu.memory_space<vmem>>
      %dma_wait3A_1146 = arith.constant 0 : i32
      %dma_wait3A_1147 = arith.constant 0 : i32
      %dma_wait3A_1148 = tpu.memref_slice %arg3[%dma_wait3A_1146, %dma_wait3A_1147] : memref<32x1000001xf32, #tpu.memory_space<hbm>> -> memref<32x128xf32, #tpu.memory_space<hbm>>
      tpu.wait_dma2 semaphore(%arg8 : memref<!tpu.dma_semaphore, #tpu.memory_space<semaphore_mem>>) src(%dma_wait3A_1148 : memref<32x128xf32, #tpu.memory_space<hbm>>) dst(%dma_wait3A_1145 : memref<32x128xf32, #tpu.memory_space<vmem>>)
      %slice3A_1149 = vector.extract_strided_slice %select_n3A_436 {offsets = [7], sizes = [1], strides = [1]} : vector<16xi32> to vector<1xi32>
      %squeeze3A_1150 = vector.extract %slice3A_1149[0] : i32 from vector<1xi32>
      %broadcast_in_dim3A_1151 = vector.broadcast %squeeze3A_1150 : i32 to vector<16xi32>
      %jit3A_1152 = arith.constant 8 : i32
      %eq3A_1153 = arith.constant 0 : i32
      %eq3A_1154 = arith.cmpi eq, %jit3A_1152, %eq3A_1153 : i32
      %jit3A_1155 = arith.constant 1 : i32
      %select_n3A_1156 = arith.select %eq3A_1154, %jit3A_1155, %jit3A_1152 : i32
      %rem3A_1157 = arith.remsi %add3A_375, %select_n3A_1156 : i32
      %ne3A_1158 = arith.constant 0 : i32
      %ne3A_1159 = arith.cmpi ne, %rem3A_1157, %ne3A_1158 : i32
      %lt3A_1160 = arith.constant 0 : i32
      %lt3A_1161 = arith.cmpi slt, %rem3A_1157, %lt3A_1160 : i32
      %lt3A_1162 = arith.constant 0 : i32
      %lt3A_1163 = arith.cmpi slt, %select_n3A_1156, %lt3A_1162 : i32
      %ne3A_1164 = arith.xori %lt3A_1161, %lt3A_1163 : i1
      %and3A_1165 = arith.andi %ne3A_1164, %ne3A_1159 : i1
      %add3A_1166 = arith.addi %rem3A_1157, %select_n3A_1156 : i32
      %select_n3A_1167 = arith.select %and3A_1165, %add3A_1166, %rem3A_1157 : i32
      %mul3A_1168 = arith.constant 16 : i32
      %mul3A_1169 = arith.muli %select_n3A_1167, %mul3A_1168 : i32
      %add3A_1170 = arith.constant 7 : i32
      %add3A_1171 = arith.addi %mul3A_1169, %add3A_1170 : i32
      %broadcast_in_dim3A_1172 = vector.broadcast %add3A_1171 : i32 to vector<16xi32>
      %gather3A_1173 = arith.constant 0 : i32
      %gather3A_1174 = arith.constant 0 : i32
      %gather3A_1175 = tpu.memref_slice %arg6[%select_n3A_1134, %gather3A_1173, %gather3A_1174] : memref<16x32x128xf32, #tpu.memory_space<vmem>> -> memref<1x32x128xf32, #tpu.memory_space<vmem>>
      %gather3A_1176 = tpu.memref_squeeze %gather3A_1175 : memref<1x32x128xf32, #tpu.memory_space<vmem>> -> memref<32x128xf32, #tpu.memory_space<vmem>>
      %gather3A_1177 = tpu.vector_load_idx %gather3A_1176[%iota3A, %broadcast_in_dim3A_1151] : memref<32x128xf32, #tpu.memory_space<vmem>>[vector<16xi32>, vector<16xi32>], vector<16xf32>,
      %gather3A_1178 = arith.constant 0 : i32
      %gather3A_1179 = arith.constant 0 : i32
      %gather3A_1180 = tpu.memref_slice %arg6[%select_n3A_1134, %gather3A_1178, %gather3A_1179] : memref<16x32x128xf32, #tpu.memory_space<vmem>> -> memref<1x32x128xf32, #tpu.memory_space<vmem>>
      %gather3A_1181 = tpu.memref_squeeze %gather3A_1180 : memref<1x32x128xf32, #tpu.memory_space<vmem>> -> memref<32x128xf32, #tpu.memory_space<vmem>>
      %gather3A_1182 = tpu.vector_load_idx %gather3A_1181[%add3A_5, %broadcast_in_dim3A_1151] : memref<32x128xf32, #tpu.memory_space<vmem>>[vector<16xi32>, vector<16xi32>], vector<16xf32>,
      %add3A_1183 = arith.constant 16 : i32
      %add3A_1184 = arith.addi %add3A_1118, %add3A_1183 : i32
      %lt3A_1185 = arith.constant 512 : i32
      %lt3A_1186 = arith.cmpi slt, %add3A_1184, %lt3A_1185 : i32
      %convert_element_type3A_1187 = arith.extui %lt3A_1186 : i1 to i32
      %cond3A_1188 = arith.constant 0 : i32
      %cond3A_1189 = arith.cmpi ne, %convert_element_type3A_1187, %cond3A_1188 : i32
      scf.if %cond3A_1189 {
        %slice3A_1811 = vector.extract_strided_slice %mul3A_493 {offsets = [7], sizes = [1], strides = [1]} : vector<16xi32> to vector<1xi32>
        %squeeze3A_1812 = vector.extract %slice3A_1811[0] : i32 from vector<1xi32>
        %multiple_of3A_1813 = tpu.assume_multiple %squeeze3A_1812, 128 : i32
        %dma_start3A_1814 = arith.constant 0 : i32
        %dma_start3A_1815 = arith.constant 0 : i32
        %dma_start3A_1816 = tpu.memref_slice %arg6[%select_n3A_1134, %dma_start3A_1814, %dma_start3A_1815] : memref<16x32x128xf32, #tpu.memory_space<vmem>> -> memref<1x32x128xf32, #tpu.memory_space<vmem>>
        %dma_start3A_1817 = tpu.memref_squeeze %dma_start3A_1816 : memref<1x32x128xf32, #tpu.memory_space<vmem>> -> memref<32x128xf32, #tpu.memory_space<vmem>>
        %dma_start3A_1818 = arith.constant 0 : i32
        %dma_start3A_1819 = tpu.memref_slice %arg3[%dma_start3A_1818, %multiple_of3A_1813] : memref<32x1000001xf32, #tpu.memory_space<hbm>> -> memref<32x128xf32, #tpu.memory_space<hbm>>
        %dma_start3A_1820 = arith.constant 0 : i32
        %dma_start3A_1821 = arith.constant 0 : i32
        %dma_start3A_1822 = tpu.memref_slice %arg6[%select_n3A_1134, %dma_start3A_1820, %dma_start3A_1821] : memref<16x32x128xf32, #tpu.memory_space<vmem>> -> memref<1x32x128xf32, #tpu.memory_space<vmem>>
        %dma_start3A_1823 = tpu.memref_squeeze %dma_start3A_1822 : memref<1x32x128xf32, #tpu.memory_space<vmem>> -> memref<32x128xf32, #tpu.memory_space<vmem>>
        %dma_start3A_1824 = arith.constant 0 : i32
        %dma_start3A_1825 = tpu.memref_slice %arg3[%dma_start3A_1824, %multiple_of3A_1813] : memref<32x1000001xf32, #tpu.memory_space<hbm>> -> memref<32x128xf32, #tpu.memory_space<hbm>>
        tpu.enqueue_dma source(%dma_start3A_1825 : memref<32x128xf32, #tpu.memory_space<hbm>>) target(%dma_start3A_1823 : memref<32x128xf32, #tpu.memory_space<vmem>>) target_semaphore(%arg8 : memref<!tpu.dma_semaphore, #tpu.memory_space<semaphore_mem>>)
      } else {
      }
      tpu.vector_store_idx %arg7[%iota3A, %broadcast_in_dim3A_1172], %gather3A_1177 : memref<32x128xf32, #tpu.memory_space<vmem>>[vector<16xi32>, vector<16xi32>], vector<16xf32>,
      tpu.vector_store_idx %arg7[%add3A_5, %broadcast_in_dim3A_1172], %gather3A_1182 : memref<32x128xf32, #tpu.memory_space<vmem>>[vector<16xi32>, vector<16xi32>], vector<16xf32>,
      %mul3A_1190 = arith.constant 16 : i32
      %mul3A_1191 = arith.muli %add3A_375, %mul3A_1190 : i32
      %add3A_1192 = arith.constant 8 : i32
      %add3A_1193 = arith.addi %mul3A_1191, %add3A_1192 : i32
      %jit3A_1194 = arith.constant 16 : i32
      %eq3A_1195 = arith.constant 0 : i32
      %eq3A_1196 = arith.cmpi eq, %jit3A_1194, %eq3A_1195 : i32
      %jit3A_1197 = arith.constant 1 : i32
      %select_n3A_1198 = arith.select %eq3A_1196, %jit3A_1197, %jit3A_1194 : i32
      %rem3A_1199 = arith.remsi %add3A_1193, %select_n3A_1198 : i32
      %ne3A_1200 = arith.constant 0 : i32
      %ne3A_1201 = arith.cmpi ne, %rem3A_1199, %ne3A_1200 : i32
      %lt3A_1202 = arith.constant 0 : i32
      %lt3A_1203 = arith.cmpi slt, %rem3A_1199, %lt3A_1202 : i32
      %lt3A_1204 = arith.constant 0 : i32
      %lt3A_1205 = arith.cmpi slt, %select_n3A_1198, %lt3A_1204 : i32
      %ne3A_1206 = arith.xori %lt3A_1203, %lt3A_1205 : i1
      %and3A_1207 = arith.andi %ne3A_1206, %ne3A_1201 : i1
      %add3A_1208 = arith.addi %rem3A_1199, %select_n3A_1198 : i32
      %select_n3A_1209 = arith.select %and3A_1207, %add3A_1208, %rem3A_1199 : i32
      %dma_wait3A_1210 = arith.constant 0 : i32
      %dma_wait3A_1211 = arith.constant 0 : i32
      %dma_wait3A_1212 = tpu.memref_slice %arg6[%select_n3A_1209, %dma_wait3A_1210, %dma_wait3A_1211] : memref<16x32x128xf32, #tpu.memory_space<vmem>> -> memref<1x32x128xf32, #tpu.memory_space<vmem>>
      %dma_wait3A_1213 = tpu.memref_squeeze %dma_wait3A_1212 : memref<1x32x128xf32, #tpu.memory_space<vmem>> -> memref<32x128xf32, #tpu.memory_space<vmem>>
      %dma_wait3A_1214 = arith.constant 0 : i32
      %dma_wait3A_1215 = arith.constant 0 : i32
      %dma_wait3A_1216 = tpu.memref_slice %arg3[%dma_wait3A_1214, %dma_wait3A_1215] : memref<32x1000001xf32, #tpu.memory_space<hbm>> -> memref<32x128xf32, #tpu.memory_space<hbm>>
      %dma_wait3A_1217 = arith.constant 0 : i32
      %dma_wait3A_1218 = arith.constant 0 : i32
      %dma_wait3A_1219 = tpu.memref_slice %arg6[%select_n3A_1209, %dma_wait3A_1217, %dma_wait3A_1218] : memref<16x32x128xf32, #tpu.memory_space<vmem>> -> memref<1x32x128xf32, #tpu.memory_space<vmem>>
      %dma_wait3A_1220 = tpu.memref_squeeze %dma_wait3A_1219 : memref<1x32x128xf32, #tpu.memory_space<vmem>> -> memref<32x128xf32, #tpu.memory_space<vmem>>
      %dma_wait3A_1221 = arith.constant 0 : i32
      %dma_wait3A_1222 = arith.constant 0 : i32
      %dma_wait3A_1223 = tpu.memref_slice %arg3[%dma_wait3A_1221, %dma_wait3A_1222] : memref<32x1000001xf32, #tpu.memory_space<hbm>> -> memref<32x128xf32, #tpu.memory_space<hbm>>
      tpu.wait_dma2 semaphore(%arg8 : memref<!tpu.dma_semaphore, #tpu.memory_space<semaphore_mem>>) src(%dma_wait3A_1223 : memref<32x128xf32, #tpu.memory_space<hbm>>) dst(%dma_wait3A_1220 : memref<32x128xf32, #tpu.memory_space<vmem>>)
      %slice3A_1224 = vector.extract_strided_slice %select_n3A_436 {offsets = [8], sizes = [1], strides = [1]} : vector<16xi32> to vector<1xi32>
      %squeeze3A_1225 = vector.extract %slice3A_1224[0] : i32 from vector<1xi32>
      %broadcast_in_dim3A_1226 = vector.broadcast %squeeze3A_1225 : i32 to vector<16xi32>
      %jit3A_1227 = arith.constant 8 : i32
      %eq3A_1228 = arith.constant 0 : i32
      %eq3A_1229 = arith.cmpi eq, %jit3A_1227, %eq3A_1228 : i32
      %jit3A_1230 = arith.constant 1 : i32
      %select_n3A_1231 = arith.select %eq3A_1229, %jit3A_1230, %jit3A_1227 : i32
      %rem3A_1232 = arith.remsi %add3A_375, %select_n3A_1231 : i32
      %ne3A_1233 = arith.constant 0 : i32
      %ne3A_1234 = arith.cmpi ne, %rem3A_1232, %ne3A_1233 : i32
      %lt3A_1235 = arith.constant 0 : i32
      %lt3A_1236 = arith.cmpi slt, %rem3A_1232, %lt3A_1235 : i32
      %lt3A_1237 = arith.constant 0 : i32
      %lt3A_1238 = arith.cmpi slt, %select_n3A_1231, %lt3A_1237 : i32
      %ne3A_1239 = arith.xori %lt3A_1236, %lt3A_1238 : i1
      %and3A_1240 = arith.andi %ne3A_1239, %ne3A_1234 : i1
      %add3A_1241 = arith.addi %rem3A_1232, %select_n3A_1231 : i32
      %select_n3A_1242 = arith.select %and3A_1240, %add3A_1241, %rem3A_1232 : i32
      %mul3A_1243 = arith.constant 16 : i32
      %mul3A_1244 = arith.muli %select_n3A_1242, %mul3A_1243 : i32
      %add3A_1245 = arith.constant 8 : i32
      %add3A_1246 = arith.addi %mul3A_1244, %add3A_1245 : i32
      %broadcast_in_dim3A_1247 = vector.broadcast %add3A_1246 : i32 to vector<16xi32>
      %gather3A_1248 = arith.constant 0 : i32
      %gather3A_1249 = arith.constant 0 : i32
      %gather3A_1250 = tpu.memref_slice %arg6[%select_n3A_1209, %gather3A_1248, %gather3A_1249] : memref<16x32x128xf32, #tpu.memory_space<vmem>> -> memref<1x32x128xf32, #tpu.memory_space<vmem>>
      %gather3A_1251 = tpu.memref_squeeze %gather3A_1250 : memref<1x32x128xf32, #tpu.memory_space<vmem>> -> memref<32x128xf32, #tpu.memory_space<vmem>>
      %gather3A_1252 = tpu.vector_load_idx %gather3A_1251[%iota3A, %broadcast_in_dim3A_1226] : memref<32x128xf32, #tpu.memory_space<vmem>>[vector<16xi32>, vector<16xi32>], vector<16xf32>,
      %gather3A_1253 = arith.constant 0 : i32
      %gather3A_1254 = arith.constant 0 : i32
      %gather3A_1255 = tpu.memref_slice %arg6[%select_n3A_1209, %gather3A_1253, %gather3A_1254] : memref<16x32x128xf32, #tpu.memory_space<vmem>> -> memref<1x32x128xf32, #tpu.memory_space<vmem>>
      %gather3A_1256 = tpu.memref_squeeze %gather3A_1255 : memref<1x32x128xf32, #tpu.memory_space<vmem>> -> memref<32x128xf32, #tpu.memory_space<vmem>>
      %gather3A_1257 = tpu.vector_load_idx %gather3A_1256[%add3A_5, %broadcast_in_dim3A_1226] : memref<32x128xf32, #tpu.memory_space<vmem>>[vector<16xi32>, vector<16xi32>], vector<16xf32>,
      %add3A_1258 = arith.constant 16 : i32
      %add3A_1259 = arith.addi %add3A_1193, %add3A_1258 : i32
      %lt3A_1260 = arith.constant 512 : i32
      %lt3A_1261 = arith.cmpi slt, %add3A_1259, %lt3A_1260 : i32
      %convert_element_type3A_1262 = arith.extui %lt3A_1261 : i1 to i32
      %cond3A_1263 = arith.constant 0 : i32
      %cond3A_1264 = arith.cmpi ne, %convert_element_type3A_1262, %cond3A_1263 : i32
      scf.if %cond3A_1264 {
        %slice3A_1811 = vector.extract_strided_slice %mul3A_493 {offsets = [8], sizes = [1], strides = [1]} : vector<16xi32> to vector<1xi32>
        %squeeze3A_1812 = vector.extract %slice3A_1811[0] : i32 from vector<1xi32>
        %multiple_of3A_1813 = tpu.assume_multiple %squeeze3A_1812, 128 : i32
        %dma_start3A_1814 = arith.constant 0 : i32
        %dma_start3A_1815 = arith.constant 0 : i32
        %dma_start3A_1816 = tpu.memref_slice %arg6[%select_n3A_1209, %dma_start3A_1814, %dma_start3A_1815] : memref<16x32x128xf32, #tpu.memory_space<vmem>> -> memref<1x32x128xf32, #tpu.memory_space<vmem>>
        %dma_start3A_1817 = tpu.memref_squeeze %dma_start3A_1816 : memref<1x32x128xf32, #tpu.memory_space<vmem>> -> memref<32x128xf32, #tpu.memory_space<vmem>>
        %dma_start3A_1818 = arith.constant 0 : i32
        %dma_start3A_1819 = tpu.memref_slice %arg3[%dma_start3A_1818, %multiple_of3A_1813] : memref<32x1000001xf32, #tpu.memory_space<hbm>> -> memref<32x128xf32, #tpu.memory_space<hbm>>
        %dma_start3A_1820 = arith.constant 0 : i32
        %dma_start3A_1821 = arith.constant 0 : i32
        %dma_start3A_1822 = tpu.memref_slice %arg6[%select_n3A_1209, %dma_start3A_1820, %dma_start3A_1821] : memref<16x32x128xf32, #tpu.memory_space<vmem>> -> memref<1x32x128xf32, #tpu.memory_space<vmem>>
        %dma_start3A_1823 = tpu.memref_squeeze %dma_start3A_1822 : memref<1x32x128xf32, #tpu.memory_space<vmem>> -> memref<32x128xf32, #tpu.memory_space<vmem>>
        %dma_start3A_1824 = arith.constant 0 : i32
        %dma_start3A_1825 = tpu.memref_slice %arg3[%dma_start3A_1824, %multiple_of3A_1813] : memref<32x1000001xf32, #tpu.memory_space<hbm>> -> memref<32x128xf32, #tpu.memory_space<hbm>>
        tpu.enqueue_dma source(%dma_start3A_1825 : memref<32x128xf32, #tpu.memory_space<hbm>>) target(%dma_start3A_1823 : memref<32x128xf32, #tpu.memory_space<vmem>>) target_semaphore(%arg8 : memref<!tpu.dma_semaphore, #tpu.memory_space<semaphore_mem>>)
      } else {
      }
      tpu.vector_store_idx %arg7[%iota3A, %broadcast_in_dim3A_1247], %gather3A_1252 : memref<32x128xf32, #tpu.memory_space<vmem>>[vector<16xi32>, vector<16xi32>], vector<16xf32>,
      tpu.vector_store_idx %arg7[%add3A_5, %broadcast_in_dim3A_1247], %gather3A_1257 : memref<32x128xf32, #tpu.memory_space<vmem>>[vector<16xi32>, vector<16xi32>], vector<16xf32>,
      %mul3A_1265 = arith.constant 16 : i32
      %mul3A_1266 = arith.muli %add3A_375, %mul3A_1265 : i32
      %add3A_1267 = arith.constant 9 : i32
      %add3A_1268 = arith.addi %mul3A_1266, %add3A_1267 : i32
      %jit3A_1269 = arith.constant 16 : i32
      %eq3A_1270 = arith.constant 0 : i32
      %eq3A_1271 = arith.cmpi eq, %jit3A_1269, %eq3A_1270 : i32
      %jit3A_1272 = arith.constant 1 : i32
      %select_n3A_1273 = arith.select %eq3A_1271, %jit3A_1272, %jit3A_1269 : i32
      %rem3A_1274 = arith.remsi %add3A_1268, %select_n3A_1273 : i32
      %ne3A_1275 = arith.constant 0 : i32
      %ne3A_1276 = arith.cmpi ne, %rem3A_1274, %ne3A_1275 : i32
      %lt3A_1277 = arith.constant 0 : i32
      %lt3A_1278 = arith.cmpi slt, %rem3A_1274, %lt3A_1277 : i32
      %lt3A_1279 = arith.constant 0 : i32
      %lt3A_1280 = arith.cmpi slt, %select_n3A_1273, %lt3A_1279 : i32
      %ne3A_1281 = arith.xori %lt3A_1278, %lt3A_1280 : i1
      %and3A_1282 = arith.andi %ne3A_1281, %ne3A_1276 : i1
      %add3A_1283 = arith.addi %rem3A_1274, %select_n3A_1273 : i32
      %select_n3A_1284 = arith.select %and3A_1282, %add3A_1283, %rem3A_1274 : i32
      %dma_wait3A_1285 = arith.constant 0 : i32
      %dma_wait3A_1286 = arith.constant 0 : i32
      %dma_wait3A_1287 = tpu.memref_slice %arg6[%select_n3A_1284, %dma_wait3A_1285, %dma_wait3A_1286] : memref<16x32x128xf32, #tpu.memory_space<vmem>> -> memref<1x32x128xf32, #tpu.memory_space<vmem>>
      %dma_wait3A_1288 = tpu.memref_squeeze %dma_wait3A_1287 : memref<1x32x128xf32, #tpu.memory_space<vmem>> -> memref<32x128xf32, #tpu.memory_space<vmem>>
      %dma_wait3A_1289 = arith.constant 0 : i32
      %dma_wait3A_1290 = arith.constant 0 : i32
      %dma_wait3A_1291 = tpu.memref_slice %arg3[%dma_wait3A_1289, %dma_wait3A_1290] : memref<32x1000001xf32, #tpu.memory_space<hbm>> -> memref<32x128xf32, #tpu.memory_space<hbm>>
      %dma_wait3A_1292 = arith.constant 0 : i32
      %dma_wait3A_1293 = arith.constant 0 : i32
      %dma_wait3A_1294 = tpu.memref_slice %arg6[%select_n3A_1284, %dma_wait3A_1292, %dma_wait3A_1293] : memref<16x32x128xf32, #tpu.memory_space<vmem>> -> memref<1x32x128xf32, #tpu.memory_space<vmem>>
      %dma_wait3A_1295 = tpu.memref_squeeze %dma_wait3A_1294 : memref<1x32x128xf32, #tpu.memory_space<vmem>> -> memref<32x128xf32, #tpu.memory_space<vmem>>
      %dma_wait3A_1296 = arith.constant 0 : i32
      %dma_wait3A_1297 = arith.constant 0 : i32
      %dma_wait3A_1298 = tpu.memref_slice %arg3[%dma_wait3A_1296, %dma_wait3A_1297] : memref<32x1000001xf32, #tpu.memory_space<hbm>> -> memref<32x128xf32, #tpu.memory_space<hbm>>
      tpu.wait_dma2 semaphore(%arg8 : memref<!tpu.dma_semaphore, #tpu.memory_space<semaphore_mem>>) src(%dma_wait3A_1298 : memref<32x128xf32, #tpu.memory_space<hbm>>) dst(%dma_wait3A_1295 : memref<32x128xf32, #tpu.memory_space<vmem>>)
      %slice3A_1299 = vector.extract_strided_slice %select_n3A_436 {offsets = [9], sizes = [1], strides = [1]} : vector<16xi32> to vector<1xi32>
      %squeeze3A_1300 = vector.extract %slice3A_1299[0] : i32 from vector<1xi32>
      %broadcast_in_dim3A_1301 = vector.broadcast %squeeze3A_1300 : i32 to vector<16xi32>
      %jit3A_1302 = arith.constant 8 : i32
      %eq3A_1303 = arith.constant 0 : i32
      %eq3A_1304 = arith.cmpi eq, %jit3A_1302, %eq3A_1303 : i32
      %jit3A_1305 = arith.constant 1 : i32
      %select_n3A_1306 = arith.select %eq3A_1304, %jit3A_1305, %jit3A_1302 : i32
      %rem3A_1307 = arith.remsi %add3A_375, %select_n3A_1306 : i32
      %ne3A_1308 = arith.constant 0 : i32
      %ne3A_1309 = arith.cmpi ne, %rem3A_1307, %ne3A_1308 : i32
      %lt3A_1310 = arith.constant 0 : i32
      %lt3A_1311 = arith.cmpi slt, %rem3A_1307, %lt3A_1310 : i32
      %lt3A_1312 = arith.constant 0 : i32
      %lt3A_1313 = arith.cmpi slt, %select_n3A_1306, %lt3A_1312 : i32
      %ne3A_1314 = arith.xori %lt3A_1311, %lt3A_1313 : i1
      %and3A_1315 = arith.andi %ne3A_1314, %ne3A_1309 : i1
      %add3A_1316 = arith.addi %rem3A_1307, %select_n3A_1306 : i32
      %select_n3A_1317 = arith.select %and3A_1315, %add3A_1316, %rem3A_1307 : i32
      %mul3A_1318 = arith.constant 16 : i32
      %mul3A_1319 = arith.muli %select_n3A_1317, %mul3A_1318 : i32
      %add3A_1320 = arith.constant 9 : i32
      %add3A_1321 = arith.addi %mul3A_1319, %add3A_1320 : i32
      %broadcast_in_dim3A_1322 = vector.broadcast %add3A_1321 : i32 to vector<16xi32>
      %gather3A_1323 = arith.constant 0 : i32
      %gather3A_1324 = arith.constant 0 : i32
      %gather3A_1325 = tpu.memref_slice %arg6[%select_n3A_1284, %gather3A_1323, %gather3A_1324] : memref<16x32x128xf32, #tpu.memory_space<vmem>> -> memref<1x32x128xf32, #tpu.memory_space<vmem>>
      %gather3A_1326 = tpu.memref_squeeze %gather3A_1325 : memref<1x32x128xf32, #tpu.memory_space<vmem>> -> memref<32x128xf32, #tpu.memory_space<vmem>>
      %gather3A_1327 = tpu.vector_load_idx %gather3A_1326[%iota3A, %broadcast_in_dim3A_1301] : memref<32x128xf32, #tpu.memory_space<vmem>>[vector<16xi32>, vector<16xi32>], vector<16xf32>,
      %gather3A_1328 = arith.constant 0 : i32
      %gather3A_1329 = arith.constant 0 : i32
      %gather3A_1330 = tpu.memref_slice %arg6[%select_n3A_1284, %gather3A_1328, %gather3A_1329] : memref<16x32x128xf32, #tpu.memory_space<vmem>> -> memref<1x32x128xf32, #tpu.memory_space<vmem>>
      %gather3A_1331 = tpu.memref_squeeze %gather3A_1330 : memref<1x32x128xf32, #tpu.memory_space<vmem>> -> memref<32x128xf32, #tpu.memory_space<vmem>>
      %gather3A_1332 = tpu.vector_load_idx %gather3A_1331[%add3A_5, %broadcast_in_dim3A_1301] : memref<32x128xf32, #tpu.memory_space<vmem>>[vector<16xi32>, vector<16xi32>], vector<16xf32>,
      %add3A_1333 = arith.constant 16 : i32
      %add3A_1334 = arith.addi %add3A_1268, %add3A_1333 : i32
      %lt3A_1335 = arith.constant 512 : i32
      %lt3A_1336 = arith.cmpi slt, %add3A_1334, %lt3A_1335 : i32
      %convert_element_type3A_1337 = arith.extui %lt3A_1336 : i1 to i32
      %cond3A_1338 = arith.constant 0 : i32
      %cond3A_1339 = arith.cmpi ne, %convert_element_type3A_1337, %cond3A_1338 : i32
      scf.if %cond3A_1339 {
        %slice3A_1811 = vector.extract_strided_slice %mul3A_493 {offsets = [9], sizes = [1], strides = [1]} : vector<16xi32> to vector<1xi32>
        %squeeze3A_1812 = vector.extract %slice3A_1811[0] : i32 from vector<1xi32>
        %multiple_of3A_1813 = tpu.assume_multiple %squeeze3A_1812, 128 : i32
        %dma_start3A_1814 = arith.constant 0 : i32
        %dma_start3A_1815 = arith.constant 0 : i32
        %dma_start3A_1816 = tpu.memref_slice %arg6[%select_n3A_1284, %dma_start3A_1814, %dma_start3A_1815] : memref<16x32x128xf32, #tpu.memory_space<vmem>> -> memref<1x32x128xf32, #tpu.memory_space<vmem>>
        %dma_start3A_1817 = tpu.memref_squeeze %dma_start3A_1816 : memref<1x32x128xf32, #tpu.memory_space<vmem>> -> memref<32x128xf32, #tpu.memory_space<vmem>>
        %dma_start3A_1818 = arith.constant 0 : i32
        %dma_start3A_1819 = tpu.memref_slice %arg3[%dma_start3A_1818, %multiple_of3A_1813] : memref<32x1000001xf32, #tpu.memory_space<hbm>> -> memref<32x128xf32, #tpu.memory_space<hbm>>
        %dma_start3A_1820 = arith.constant 0 : i32
        %dma_start3A_1821 = arith.constant 0 : i32
        %dma_start3A_1822 = tpu.memref_slice %arg6[%select_n3A_1284, %dma_start3A_1820, %dma_start3A_1821] : memref<16x32x128xf32, #tpu.memory_space<vmem>> -> memref<1x32x128xf32, #tpu.memory_space<vmem>>
        %dma_start3A_1823 = tpu.memref_squeeze %dma_start3A_1822 : memref<1x32x128xf32, #tpu.memory_space<vmem>> -> memref<32x128xf32, #tpu.memory_space<vmem>>
        %dma_start3A_1824 = arith.constant 0 : i32
        %dma_start3A_1825 = tpu.memref_slice %arg3[%dma_start3A_1824, %multiple_of3A_1813] : memref<32x1000001xf32, #tpu.memory_space<hbm>> -> memref<32x128xf32, #tpu.memory_space<hbm>>
        tpu.enqueue_dma source(%dma_start3A_1825 : memref<32x128xf32, #tpu.memory_space<hbm>>) target(%dma_start3A_1823 : memref<32x128xf32, #tpu.memory_space<vmem>>) target_semaphore(%arg8 : memref<!tpu.dma_semaphore, #tpu.memory_space<semaphore_mem>>)
      } else {
      }
      tpu.vector_store_idx %arg7[%iota3A, %broadcast_in_dim3A_1322], %gather3A_1327 : memref<32x128xf32, #tpu.memory_space<vmem>>[vector<16xi32>, vector<16xi32>], vector<16xf32>,
      tpu.vector_store_idx %arg7[%add3A_5, %broadcast_in_dim3A_1322], %gather3A_1332 : memref<32x128xf32, #tpu.memory_space<vmem>>[vector<16xi32>, vector<16xi32>], vector<16xf32>,
      %mul3A_1340 = arith.constant 16 : i32
      %mul3A_1341 = arith.muli %add3A_375, %mul3A_1340 : i32
      %add3A_1342 = arith.constant 10 : i32
      %add3A_1343 = arith.addi %mul3A_1341, %add3A_1342 : i32
      %jit3A_1344 = arith.constant 16 : i32
      %eq3A_1345 = arith.constant 0 : i32
      %eq3A_1346 = arith.cmpi eq, %jit3A_1344, %eq3A_1345 : i32
      %jit3A_1347 = arith.constant 1 : i32
      %select_n3A_1348 = arith.select %eq3A_1346, %jit3A_1347, %jit3A_1344 : i32
      %rem3A_1349 = arith.remsi %add3A_1343, %select_n3A_1348 : i32
      %ne3A_1350 = arith.constant 0 : i32
      %ne3A_1351 = arith.cmpi ne, %rem3A_1349, %ne3A_1350 : i32
      %lt3A_1352 = arith.constant 0 : i32
      %lt3A_1353 = arith.cmpi slt, %rem3A_1349, %lt3A_1352 : i32
      %lt3A_1354 = arith.constant 0 : i32
      %lt3A_1355 = arith.cmpi slt, %select_n3A_1348, %lt3A_1354 : i32
      %ne3A_1356 = arith.xori %lt3A_1353, %lt3A_1355 : i1
      %and3A_1357 = arith.andi %ne3A_1356, %ne3A_1351 : i1
      %add3A_1358 = arith.addi %rem3A_1349, %select_n3A_1348 : i32
      %select_n3A_1359 = arith.select %and3A_1357, %add3A_1358, %rem3A_1349 : i32
      %dma_wait3A_1360 = arith.constant 0 : i32
      %dma_wait3A_1361 = arith.constant 0 : i32
      %dma_wait3A_1362 = tpu.memref_slice %arg6[%select_n3A_1359, %dma_wait3A_1360, %dma_wait3A_1361] : memref<16x32x128xf32, #tpu.memory_space<vmem>> -> memref<1x32x128xf32, #tpu.memory_space<vmem>>
      %dma_wait3A_1363 = tpu.memref_squeeze %dma_wait3A_1362 : memref<1x32x128xf32, #tpu.memory_space<vmem>> -> memref<32x128xf32, #tpu.memory_space<vmem>>
      %dma_wait3A_1364 = arith.constant 0 : i32
      %dma_wait3A_1365 = arith.constant 0 : i32
      %dma_wait3A_1366 = tpu.memref_slice %arg3[%dma_wait3A_1364, %dma_wait3A_1365] : memref<32x1000001xf32, #tpu.memory_space<hbm>> -> memref<32x128xf32, #tpu.memory_space<hbm>>
      %dma_wait3A_1367 = arith.constant 0 : i32
      %dma_wait3A_1368 = arith.constant 0 : i32
      %dma_wait3A_1369 = tpu.memref_slice %arg6[%select_n3A_1359, %dma_wait3A_1367, %dma_wait3A_1368] : memref<16x32x128xf32, #tpu.memory_space<vmem>> -> memref<1x32x128xf32, #tpu.memory_space<vmem>>
      %dma_wait3A_1370 = tpu.memref_squeeze %dma_wait3A_1369 : memref<1x32x128xf32, #tpu.memory_space<vmem>> -> memref<32x128xf32, #tpu.memory_space<vmem>>
      %dma_wait3A_1371 = arith.constant 0 : i32
      %dma_wait3A_1372 = arith.constant 0 : i32
      %dma_wait3A_1373 = tpu.memref_slice %arg3[%dma_wait3A_1371, %dma_wait3A_1372] : memref<32x1000001xf32, #tpu.memory_space<hbm>> -> memref<32x128xf32, #tpu.memory_space<hbm>>
      tpu.wait_dma2 semaphore(%arg8 : memref<!tpu.dma_semaphore, #tpu.memory_space<semaphore_mem>>) src(%dma_wait3A_1373 : memref<32x128xf32, #tpu.memory_space<hbm>>) dst(%dma_wait3A_1370 : memref<32x128xf32, #tpu.memory_space<vmem>>)
      %slice3A_1374 = vector.extract_strided_slice %select_n3A_436 {offsets = [10], sizes = [1], strides = [1]} : vector<16xi32> to vector<1xi32>
      %squeeze3A_1375 = vector.extract %slice3A_1374[0] : i32 from vector<1xi32>
      %broadcast_in_dim3A_1376 = vector.broadcast %squeeze3A_1375 : i32 to vector<16xi32>
      %jit3A_1377 = arith.constant 8 : i32
      %eq3A_1378 = arith.constant 0 : i32
      %eq3A_1379 = arith.cmpi eq, %jit3A_1377, %eq3A_1378 : i32
      %jit3A_1380 = arith.constant 1 : i32
      %select_n3A_1381 = arith.select %eq3A_1379, %jit3A_1380, %jit3A_1377 : i32
      %rem3A_1382 = arith.remsi %add3A_375, %select_n3A_1381 : i32
      %ne3A_1383 = arith.constant 0 : i32
      %ne3A_1384 = arith.cmpi ne, %rem3A_1382, %ne3A_1383 : i32
      %lt3A_1385 = arith.constant 0 : i32
      %lt3A_1386 = arith.cmpi slt, %rem3A_1382, %lt3A_1385 : i32
      %lt3A_1387 = arith.constant 0 : i32
      %lt3A_1388 = arith.cmpi slt, %select_n3A_1381, %lt3A_1387 : i32
      %ne3A_1389 = arith.xori %lt3A_1386, %lt3A_1388 : i1
      %and3A_1390 = arith.andi %ne3A_1389, %ne3A_1384 : i1
      %add3A_1391 = arith.addi %rem3A_1382, %select_n3A_1381 : i32
      %select_n3A_1392 = arith.select %and3A_1390, %add3A_1391, %rem3A_1382 : i32
      %mul3A_1393 = arith.constant 16 : i32
      %mul3A_1394 = arith.muli %select_n3A_1392, %mul3A_1393 : i32
      %add3A_1395 = arith.constant 10 : i32
      %add3A_1396 = arith.addi %mul3A_1394, %add3A_1395 : i32
      %broadcast_in_dim3A_1397 = vector.broadcast %add3A_1396 : i32 to vector<16xi32>
      %gather3A_1398 = arith.constant 0 : i32
      %gather3A_1399 = arith.constant 0 : i32
      %gather3A_1400 = tpu.memref_slice %arg6[%select_n3A_1359, %gather3A_1398, %gather3A_1399] : memref<16x32x128xf32, #tpu.memory_space<vmem>> -> memref<1x32x128xf32, #tpu.memory_space<vmem>>
      %gather3A_1401 = tpu.memref_squeeze %gather3A_1400 : memref<1x32x128xf32, #tpu.memory_space<vmem>> -> memref<32x128xf32, #tpu.memory_space<vmem>>
      %gather3A_1402 = tpu.vector_load_idx %gather3A_1401[%iota3A, %broadcast_in_dim3A_1376] : memref<32x128xf32, #tpu.memory_space<vmem>>[vector<16xi32>, vector<16xi32>], vector<16xf32>,
      %gather3A_1403 = arith.constant 0 : i32
      %gather3A_1404 = arith.constant 0 : i32
      %gather3A_1405 = tpu.memref_slice %arg6[%select_n3A_1359, %gather3A_1403, %gather3A_1404] : memref<16x32x128xf32, #tpu.memory_space<vmem>> -> memref<1x32x128xf32, #tpu.memory_space<vmem>>
      %gather3A_1406 = tpu.memref_squeeze %gather3A_1405 : memref<1x32x128xf32, #tpu.memory_space<vmem>> -> memref<32x128xf32, #tpu.memory_space<vmem>>
      %gather3A_1407 = tpu.vector_load_idx %gather3A_1406[%add3A_5, %broadcast_in_dim3A_1376] : memref<32x128xf32, #tpu.memory_space<vmem>>[vector<16xi32>, vector<16xi32>], vector<16xf32>,
      %add3A_1408 = arith.constant 16 : i32
      %add3A_1409 = arith.addi %add3A_1343, %add3A_1408 : i32
      %lt3A_1410 = arith.constant 512 : i32
      %lt3A_1411 = arith.cmpi slt, %add3A_1409, %lt3A_1410 : i32
      %convert_element_type3A_1412 = arith.extui %lt3A_1411 : i1 to i32
      %cond3A_1413 = arith.constant 0 : i32
      %cond3A_1414 = arith.cmpi ne, %convert_element_type3A_1412, %cond3A_1413 : i32
      scf.if %cond3A_1414 {
        %slice3A_1811 = vector.extract_strided_slice %mul3A_493 {offsets = [10], sizes = [1], strides = [1]} : vector<16xi32> to vector<1xi32>
        %squeeze3A_1812 = vector.extract %slice3A_1811[0] : i32 from vector<1xi32>
        %multiple_of3A_1813 = tpu.assume_multiple %squeeze3A_1812, 128 : i32
        %dma_start3A_1814 = arith.constant 0 : i32
        %dma_start3A_1815 = arith.constant 0 : i32
        %dma_start3A_1816 = tpu.memref_slice %arg6[%select_n3A_1359, %dma_start3A_1814, %dma_start3A_1815] : memref<16x32x128xf32, #tpu.memory_space<vmem>> -> memref<1x32x128xf32, #tpu.memory_space<vmem>>
        %dma_start3A_1817 = tpu.memref_squeeze %dma_start3A_1816 : memref<1x32x128xf32, #tpu.memory_space<vmem>> -> memref<32x128xf32, #tpu.memory_space<vmem>>
        %dma_start3A_1818 = arith.constant 0 : i32
        %dma_start3A_1819 = tpu.memref_slice %arg3[%dma_start3A_1818, %multiple_of3A_1813] : memref<32x1000001xf32, #tpu.memory_space<hbm>> -> memref<32x128xf32, #tpu.memory_space<hbm>>
        %dma_start3A_1820 = arith.constant 0 : i32
        %dma_start3A_1821 = arith.constant 0 : i32
        %dma_start3A_1822 = tpu.memref_slice %arg6[%select_n3A_1359, %dma_start3A_1820, %dma_start3A_1821] : memref<16x32x128xf32, #tpu.memory_space<vmem>> -> memref<1x32x128xf32, #tpu.memory_space<vmem>>
        %dma_start3A_1823 = tpu.memref_squeeze %dma_start3A_1822 : memref<1x32x128xf32, #tpu.memory_space<vmem>> -> memref<32x128xf32, #tpu.memory_space<vmem>>
        %dma_start3A_1824 = arith.constant 0 : i32
        %dma_start3A_1825 = tpu.memref_slice %arg3[%dma_start3A_1824, %multiple_of3A_1813] : memref<32x1000001xf32, #tpu.memory_space<hbm>> -> memref<32x128xf32, #tpu.memory_space<hbm>>
        tpu.enqueue_dma source(%dma_start3A_1825 : memref<32x128xf32, #tpu.memory_space<hbm>>) target(%dma_start3A_1823 : memref<32x128xf32, #tpu.memory_space<vmem>>) target_semaphore(%arg8 : memref<!tpu.dma_semaphore, #tpu.memory_space<semaphore_mem>>)
      } else {
      }
      tpu.vector_store_idx %arg7[%iota3A, %broadcast_in_dim3A_1397], %gather3A_1402 : memref<32x128xf32, #tpu.memory_space<vmem>>[vector<16xi32>, vector<16xi32>], vector<16xf32>,
      tpu.vector_store_idx %arg7[%add3A_5, %broadcast_in_dim3A_1397], %gather3A_1407 : memref<32x128xf32, #tpu.memory_space<vmem>>[vector<16xi32>, vector<16xi32>], vector<16xf32>,
      %mul3A_1415 = arith.constant 16 : i32
      %mul3A_1416 = arith.muli %add3A_375, %mul3A_1415 : i32
      %add3A_1417 = arith.constant 11 : i32
      %add3A_1418 = arith.addi %mul3A_1416, %add3A_1417 : i32
      %jit3A_1419 = arith.constant 16 : i32
      %eq3A_1420 = arith.constant 0 : i32
      %eq3A_1421 = arith.cmpi eq, %jit3A_1419, %eq3A_1420 : i32
      %jit3A_1422 = arith.constant 1 : i32
      %select_n3A_1423 = arith.select %eq3A_1421, %jit3A_1422, %jit3A_1419 : i32
      %rem3A_1424 = arith.remsi %add3A_1418, %select_n3A_1423 : i32
      %ne3A_1425 = arith.constant 0 : i32
      %ne3A_1426 = arith.cmpi ne, %rem3A_1424, %ne3A_1425 : i32
      %lt3A_1427 = arith.constant 0 : i32
      %lt3A_1428 = arith.cmpi slt, %rem3A_1424, %lt3A_1427 : i32
      %lt3A_1429 = arith.constant 0 : i32
      %lt3A_1430 = arith.cmpi slt, %select_n3A_1423, %lt3A_1429 : i32
      %ne3A_1431 = arith.xori %lt3A_1428, %lt3A_1430 : i1
      %and3A_1432 = arith.andi %ne3A_1431, %ne3A_1426 : i1
      %add3A_1433 = arith.addi %rem3A_1424, %select_n3A_1423 : i32
      %select_n3A_1434 = arith.select %and3A_1432, %add3A_1433, %rem3A_1424 : i32
      %dma_wait3A_1435 = arith.constant 0 : i32
      %dma_wait3A_1436 = arith.constant 0 : i32
      %dma_wait3A_1437 = tpu.memref_slice %arg6[%select_n3A_1434, %dma_wait3A_1435, %dma_wait3A_1436] : memref<16x32x128xf32, #tpu.memory_space<vmem>> -> memref<1x32x128xf32, #tpu.memory_space<vmem>>
      %dma_wait3A_1438 = tpu.memref_squeeze %dma_wait3A_1437 : memref<1x32x128xf32, #tpu.memory_space<vmem>> -> memref<32x128xf32, #tpu.memory_space<vmem>>
      %dma_wait3A_1439 = arith.constant 0 : i32
      %dma_wait3A_1440 = arith.constant 0 : i32
      %dma_wait3A_1441 = tpu.memref_slice %arg3[%dma_wait3A_1439, %dma_wait3A_1440] : memref<32x1000001xf32, #tpu.memory_space<hbm>> -> memref<32x128xf32, #tpu.memory_space<hbm>>
      %dma_wait3A_1442 = arith.constant 0 : i32
      %dma_wait3A_1443 = arith.constant 0 : i32
      %dma_wait3A_1444 = tpu.memref_slice %arg6[%select_n3A_1434, %dma_wait3A_1442, %dma_wait3A_1443] : memref<16x32x128xf32, #tpu.memory_space<vmem>> -> memref<1x32x128xf32, #tpu.memory_space<vmem>>
      %dma_wait3A_1445 = tpu.memref_squeeze %dma_wait3A_1444 : memref<1x32x128xf32, #tpu.memory_space<vmem>> -> memref<32x128xf32, #tpu.memory_space<vmem>>
      %dma_wait3A_1446 = arith.constant 0 : i32
      %dma_wait3A_1447 = arith.constant 0 : i32
      %dma_wait3A_1448 = tpu.memref_slice %arg3[%dma_wait3A_1446, %dma_wait3A_1447] : memref<32x1000001xf32, #tpu.memory_space<hbm>> -> memref<32x128xf32, #tpu.memory_space<hbm>>
      tpu.wait_dma2 semaphore(%arg8 : memref<!tpu.dma_semaphore, #tpu.memory_space<semaphore_mem>>) src(%dma_wait3A_1448 : memref<32x128xf32, #tpu.memory_space<hbm>>) dst(%dma_wait3A_1445 : memref<32x128xf32, #tpu.memory_space<vmem>>)
      %slice3A_1449 = vector.extract_strided_slice %select_n3A_436 {offsets = [11], sizes = [1], strides = [1]} : vector<16xi32> to vector<1xi32>
      %squeeze3A_1450 = vector.extract %slice3A_1449[0] : i32 from vector<1xi32>
      %broadcast_in_dim3A_1451 = vector.broadcast %squeeze3A_1450 : i32 to vector<16xi32>
      %jit3A_1452 = arith.constant 8 : i32
      %eq3A_1453 = arith.constant 0 : i32
      %eq3A_1454 = arith.cmpi eq, %jit3A_1452, %eq3A_1453 : i32
      %jit3A_1455 = arith.constant 1 : i32
      %select_n3A_1456 = arith.select %eq3A_1454, %jit3A_1455, %jit3A_1452 : i32
      %rem3A_1457 = arith.remsi %add3A_375, %select_n3A_1456 : i32
      %ne3A_1458 = arith.constant 0 : i32
      %ne3A_1459 = arith.cmpi ne, %rem3A_1457, %ne3A_1458 : i32
      %lt3A_1460 = arith.constant 0 : i32
      %lt3A_1461 = arith.cmpi slt, %rem3A_1457, %lt3A_1460 : i32
      %lt3A_1462 = arith.constant 0 : i32
      %lt3A_1463 = arith.cmpi slt, %select_n3A_1456, %lt3A_1462 : i32
      %ne3A_1464 = arith.xori %lt3A_1461, %lt3A_1463 : i1
      %and3A_1465 = arith.andi %ne3A_1464, %ne3A_1459 : i1
      %add3A_1466 = arith.addi %rem3A_1457, %select_n3A_1456 : i32
      %select_n3A_1467 = arith.select %and3A_1465, %add3A_1466, %rem3A_1457 : i32
      %mul3A_1468 = arith.constant 16 : i32
      %mul3A_1469 = arith.muli %select_n3A_1467, %mul3A_1468 : i32
      %add3A_1470 = arith.constant 11 : i32
      %add3A_1471 = arith.addi %mul3A_1469, %add3A_1470 : i32
      %broadcast_in_dim3A_1472 = vector.broadcast %add3A_1471 : i32 to vector<16xi32>
      %gather3A_1473 = arith.constant 0 : i32
      %gather3A_1474 = arith.constant 0 : i32
      %gather3A_1475 = tpu.memref_slice %arg6[%select_n3A_1434, %gather3A_1473, %gather3A_1474] : memref<16x32x128xf32, #tpu.memory_space<vmem>> -> memref<1x32x128xf32, #tpu.memory_space<vmem>>
      %gather3A_1476 = tpu.memref_squeeze %gather3A_1475 : memref<1x32x128xf32, #tpu.memory_space<vmem>> -> memref<32x128xf32, #tpu.memory_space<vmem>>
      %gather3A_1477 = tpu.vector_load_idx %gather3A_1476[%iota3A, %broadcast_in_dim3A_1451] : memref<32x128xf32, #tpu.memory_space<vmem>>[vector<16xi32>, vector<16xi32>], vector<16xf32>,
      %gather3A_1478 = arith.constant 0 : i32
      %gather3A_1479 = arith.constant 0 : i32
      %gather3A_1480 = tpu.memref_slice %arg6[%select_n3A_1434, %gather3A_1478, %gather3A_1479] : memref<16x32x128xf32, #tpu.memory_space<vmem>> -> memref<1x32x128xf32, #tpu.memory_space<vmem>>
      %gather3A_1481 = tpu.memref_squeeze %gather3A_1480 : memref<1x32x128xf32, #tpu.memory_space<vmem>> -> memref<32x128xf32, #tpu.memory_space<vmem>>
      %gather3A_1482 = tpu.vector_load_idx %gather3A_1481[%add3A_5, %broadcast_in_dim3A_1451] : memref<32x128xf32, #tpu.memory_space<vmem>>[vector<16xi32>, vector<16xi32>], vector<16xf32>,
      %add3A_1483 = arith.constant 16 : i32
      %add3A_1484 = arith.addi %add3A_1418, %add3A_1483 : i32
      %lt3A_1485 = arith.constant 512 : i32
      %lt3A_1486 = arith.cmpi slt, %add3A_1484, %lt3A_1485 : i32
      %convert_element_type3A_1487 = arith.extui %lt3A_1486 : i1 to i32
      %cond3A_1488 = arith.constant 0 : i32
      %cond3A_1489 = arith.cmpi ne, %convert_element_type3A_1487, %cond3A_1488 : i32
      scf.if %cond3A_1489 {
        %slice3A_1811 = vector.extract_strided_slice %mul3A_493 {offsets = [11], sizes = [1], strides = [1]} : vector<16xi32> to vector<1xi32>
        %squeeze3A_1812 = vector.extract %slice3A_1811[0] : i32 from vector<1xi32>
        %multiple_of3A_1813 = tpu.assume_multiple %squeeze3A_1812, 128 : i32
        %dma_start3A_1814 = arith.constant 0 : i32
        %dma_start3A_1815 = arith.constant 0 : i32
        %dma_start3A_1816 = tpu.memref_slice %arg6[%select_n3A_1434, %dma_start3A_1814, %dma_start3A_1815] : memref<16x32x128xf32, #tpu.memory_space<vmem>> -> memref<1x32x128xf32, #tpu.memory_space<vmem>>
        %dma_start3A_1817 = tpu.memref_squeeze %dma_start3A_1816 : memref<1x32x128xf32, #tpu.memory_space<vmem>> -> memref<32x128xf32, #tpu.memory_space<vmem>>
        %dma_start3A_1818 = arith.constant 0 : i32
        %dma_start3A_1819 = tpu.memref_slice %arg3[%dma_start3A_1818, %multiple_of3A_1813] : memref<32x1000001xf32, #tpu.memory_space<hbm>> -> memref<32x128xf32, #tpu.memory_space<hbm>>
        %dma_start3A_1820 = arith.constant 0 : i32
        %dma_start3A_1821 = arith.constant 0 : i32
        %dma_start3A_1822 = tpu.memref_slice %arg6[%select_n3A_1434, %dma_start3A_1820, %dma_start3A_1821] : memref<16x32x128xf32, #tpu.memory_space<vmem>> -> memref<1x32x128xf32, #tpu.memory_space<vmem>>
        %dma_start3A_1823 = tpu.memref_squeeze %dma_start3A_1822 : memref<1x32x128xf32, #tpu.memory_space<vmem>> -> memref<32x128xf32, #tpu.memory_space<vmem>>
        %dma_start3A_1824 = arith.constant 0 : i32
        %dma_start3A_1825 = tpu.memref_slice %arg3[%dma_start3A_1824, %multiple_of3A_1813] : memref<32x1000001xf32, #tpu.memory_space<hbm>> -> memref<32x128xf32, #tpu.memory_space<hbm>>
        tpu.enqueue_dma source(%dma_start3A_1825 : memref<32x128xf32, #tpu.memory_space<hbm>>) target(%dma_start3A_1823 : memref<32x128xf32, #tpu.memory_space<vmem>>) target_semaphore(%arg8 : memref<!tpu.dma_semaphore, #tpu.memory_space<semaphore_mem>>)
      } else {
      }
      tpu.vector_store_idx %arg7[%iota3A, %broadcast_in_dim3A_1472], %gather3A_1477 : memref<32x128xf32, #tpu.memory_space<vmem>>[vector<16xi32>, vector<16xi32>], vector<16xf32>,
      tpu.vector_store_idx %arg7[%add3A_5, %broadcast_in_dim3A_1472], %gather3A_1482 : memref<32x128xf32, #tpu.memory_space<vmem>>[vector<16xi32>, vector<16xi32>], vector<16xf32>,
      %mul3A_1490 = arith.constant 16 : i32
      %mul3A_1491 = arith.muli %add3A_375, %mul3A_1490 : i32
      %add3A_1492 = arith.constant 12 : i32
      %add3A_1493 = arith.addi %mul3A_1491, %add3A_1492 : i32
      %jit3A_1494 = arith.constant 16 : i32
      %eq3A_1495 = arith.constant 0 : i32
      %eq3A_1496 = arith.cmpi eq, %jit3A_1494, %eq3A_1495 : i32
      %jit3A_1497 = arith.constant 1 : i32
      %select_n3A_1498 = arith.select %eq3A_1496, %jit3A_1497, %jit3A_1494 : i32
      %rem3A_1499 = arith.remsi %add3A_1493, %select_n3A_1498 : i32
      %ne3A_1500 = arith.constant 0 : i32
      %ne3A_1501 = arith.cmpi ne, %rem3A_1499, %ne3A_1500 : i32
      %lt3A_1502 = arith.constant 0 : i32
      %lt3A_1503 = arith.cmpi slt, %rem3A_1499, %lt3A_1502 : i32
      %lt3A_1504 = arith.constant 0 : i32
      %lt3A_1505 = arith.cmpi slt, %select_n3A_1498, %lt3A_1504 : i32
      %ne3A_1506 = arith.xori %lt3A_1503, %lt3A_1505 : i1
      %and3A_1507 = arith.andi %ne3A_1506, %ne3A_1501 : i1
      %add3A_1508 = arith.addi %rem3A_1499, %select_n3A_1498 : i32
      %select_n3A_1509 = arith.select %and3A_1507, %add3A_1508, %rem3A_1499 : i32
      %dma_wait3A_1510 = arith.constant 0 : i32
      %dma_wait3A_1511 = arith.constant 0 : i32
      %dma_wait3A_1512 = tpu.memref_slice %arg6[%select_n3A_1509, %dma_wait3A_1510, %dma_wait3A_1511] : memref<16x32x128xf32, #tpu.memory_space<vmem>> -> memref<1x32x128xf32, #tpu.memory_space<vmem>>
      %dma_wait3A_1513 = tpu.memref_squeeze %dma_wait3A_1512 : memref<1x32x128xf32, #tpu.memory_space<vmem>> -> memref<32x128xf32, #tpu.memory_space<vmem>>
      %dma_wait3A_1514 = arith.constant 0 : i32
      %dma_wait3A_1515 = arith.constant 0 : i32
      %dma_wait3A_1516 = tpu.memref_slice %arg3[%dma_wait3A_1514, %dma_wait3A_1515] : memref<32x1000001xf32, #tpu.memory_space<hbm>> -> memref<32x128xf32, #tpu.memory_space<hbm>>
      %dma_wait3A_1517 = arith.constant 0 : i32
      %dma_wait3A_1518 = arith.constant 0 : i32
      %dma_wait3A_1519 = tpu.memref_slice %arg6[%select_n3A_1509, %dma_wait3A_1517, %dma_wait3A_1518] : memref<16x32x128xf32, #tpu.memory_space<vmem>> -> memref<1x32x128xf32, #tpu.memory_space<vmem>>
      %dma_wait3A_1520 = tpu.memref_squeeze %dma_wait3A_1519 : memref<1x32x128xf32, #tpu.memory_space<vmem>> -> memref<32x128xf32, #tpu.memory_space<vmem>>
      %dma_wait3A_1521 = arith.constant 0 : i32
      %dma_wait3A_1522 = arith.constant 0 : i32
      %dma_wait3A_1523 = tpu.memref_slice %arg3[%dma_wait3A_1521, %dma_wait3A_1522] : memref<32x1000001xf32, #tpu.memory_space<hbm>> -> memref<32x128xf32, #tpu.memory_space<hbm>>
      tpu.wait_dma2 semaphore(%arg8 : memref<!tpu.dma_semaphore, #tpu.memory_space<semaphore_mem>>) src(%dma_wait3A_1523 : memref<32x128xf32, #tpu.memory_space<hbm>>) dst(%dma_wait3A_1520 : memref<32x128xf32, #tpu.memory_space<vmem>>)
      %slice3A_1524 = vector.extract_strided_slice %select_n3A_436 {offsets = [12], sizes = [1], strides = [1]} : vector<16xi32> to vector<1xi32>
      %squeeze3A_1525 = vector.extract %slice3A_1524[0] : i32 from vector<1xi32>
      %broadcast_in_dim3A_1526 = vector.broadcast %squeeze3A_1525 : i32 to vector<16xi32>
      %jit3A_1527 = arith.constant 8 : i32
      %eq3A_1528 = arith.constant 0 : i32
      %eq3A_1529 = arith.cmpi eq, %jit3A_1527, %eq3A_1528 : i32
      %jit3A_1530 = arith.constant 1 : i32
      %select_n3A_1531 = arith.select %eq3A_1529, %jit3A_1530, %jit3A_1527 : i32
      %rem3A_1532 = arith.remsi %add3A_375, %select_n3A_1531 : i32
      %ne3A_1533 = arith.constant 0 : i32
      %ne3A_1534 = arith.cmpi ne, %rem3A_1532, %ne3A_1533 : i32
      %lt3A_1535 = arith.constant 0 : i32
      %lt3A_1536 = arith.cmpi slt, %rem3A_1532, %lt3A_1535 : i32
      %lt3A_1537 = arith.constant 0 : i32
      %lt3A_1538 = arith.cmpi slt, %select_n3A_1531, %lt3A_1537 : i32
      %ne3A_1539 = arith.xori %lt3A_1536, %lt3A_1538 : i1
      %and3A_1540 = arith.andi %ne3A_1539, %ne3A_1534 : i1
      %add3A_1541 = arith.addi %rem3A_1532, %select_n3A_1531 : i32
      %select_n3A_1542 = arith.select %and3A_1540, %add3A_1541, %rem3A_1532 : i32
      %mul3A_1543 = arith.constant 16 : i32
      %mul3A_1544 = arith.muli %select_n3A_1542, %mul3A_1543 : i32
      %add3A_1545 = arith.constant 12 : i32
      %add3A_1546 = arith.addi %mul3A_1544, %add3A_1545 : i32
      %broadcast_in_dim3A_1547 = vector.broadcast %add3A_1546 : i32 to vector<16xi32>
      %gather3A_1548 = arith.constant 0 : i32
      %gather3A_1549 = arith.constant 0 : i32
      %gather3A_1550 = tpu.memref_slice %arg6[%select_n3A_1509, %gather3A_1548, %gather3A_1549] : memref<16x32x128xf32, #tpu.memory_space<vmem>> -> memref<1x32x128xf32, #tpu.memory_space<vmem>>
      %gather3A_1551 = tpu.memref_squeeze %gather3A_1550 : memref<1x32x128xf32, #tpu.memory_space<vmem>> -> memref<32x128xf32, #tpu.memory_space<vmem>>
      %gather3A_1552 = tpu.vector_load_idx %gather3A_1551[%iota3A, %broadcast_in_dim3A_1526] : memref<32x128xf32, #tpu.memory_space<vmem>>[vector<16xi32>, vector<16xi32>], vector<16xf32>,
      %gather3A_1553 = arith.constant 0 : i32
      %gather3A_1554 = arith.constant 0 : i32
      %gather3A_1555 = tpu.memref_slice %arg6[%select_n3A_1509, %gather3A_1553, %gather3A_1554] : memref<16x32x128xf32, #tpu.memory_space<vmem>> -> memref<1x32x128xf32, #tpu.memory_space<vmem>>
      %gather3A_1556 = tpu.memref_squeeze %gather3A_1555 : memref<1x32x128xf32, #tpu.memory_space<vmem>> -> memref<32x128xf32, #tpu.memory_space<vmem>>
      %gather3A_1557 = tpu.vector_load_idx %gather3A_1556[%add3A_5, %broadcast_in_dim3A_1526] : memref<32x128xf32, #tpu.memory_space<vmem>>[vector<16xi32>, vector<16xi32>], vector<16xf32>,
      %add3A_1558 = arith.constant 16 : i32
      %add3A_1559 = arith.addi %add3A_1493, %add3A_1558 : i32
      %lt3A_1560 = arith.constant 512 : i32
      %lt3A_1561 = arith.cmpi slt, %add3A_1559, %lt3A_1560 : i32
      %convert_element_type3A_1562 = arith.extui %lt3A_1561 : i1 to i32
      %cond3A_1563 = arith.constant 0 : i32
      %cond3A_1564 = arith.cmpi ne, %convert_element_type3A_1562, %cond3A_1563 : i32
      scf.if %cond3A_1564 {
        %slice3A_1811 = vector.extract_strided_slice %mul3A_493 {offsets = [12], sizes = [1], strides = [1]} : vector<16xi32> to vector<1xi32>
        %squeeze3A_1812 = vector.extract %slice3A_1811[0] : i32 from vector<1xi32>
        %multiple_of3A_1813 = tpu.assume_multiple %squeeze3A_1812, 128 : i32
        %dma_start3A_1814 = arith.constant 0 : i32
        %dma_start3A_1815 = arith.constant 0 : i32
        %dma_start3A_1816 = tpu.memref_slice %arg6[%select_n3A_1509, %dma_start3A_1814, %dma_start3A_1815] : memref<16x32x128xf32, #tpu.memory_space<vmem>> -> memref<1x32x128xf32, #tpu.memory_space<vmem>>
        %dma_start3A_1817 = tpu.memref_squeeze %dma_start3A_1816 : memref<1x32x128xf32, #tpu.memory_space<vmem>> -> memref<32x128xf32, #tpu.memory_space<vmem>>
        %dma_start3A_1818 = arith.constant 0 : i32
        %dma_start3A_1819 = tpu.memref_slice %arg3[%dma_start3A_1818, %multiple_of3A_1813] : memref<32x1000001xf32, #tpu.memory_space<hbm>> -> memref<32x128xf32, #tpu.memory_space<hbm>>
        %dma_start3A_1820 = arith.constant 0 : i32
        %dma_start3A_1821 = arith.constant 0 : i32
        %dma_start3A_1822 = tpu.memref_slice %arg6[%select_n3A_1509, %dma_start3A_1820, %dma_start3A_1821] : memref<16x32x128xf32, #tpu.memory_space<vmem>> -> memref<1x32x128xf32, #tpu.memory_space<vmem>>
        %dma_start3A_1823 = tpu.memref_squeeze %dma_start3A_1822 : memref<1x32x128xf32, #tpu.memory_space<vmem>> -> memref<32x128xf32, #tpu.memory_space<vmem>>
        %dma_start3A_1824 = arith.constant 0 : i32
        %dma_start3A_1825 = tpu.memref_slice %arg3[%dma_start3A_1824, %multiple_of3A_1813] : memref<32x1000001xf32, #tpu.memory_space<hbm>> -> memref<32x128xf32, #tpu.memory_space<hbm>>
        tpu.enqueue_dma source(%dma_start3A_1825 : memref<32x128xf32, #tpu.memory_space<hbm>>) target(%dma_start3A_1823 : memref<32x128xf32, #tpu.memory_space<vmem>>) target_semaphore(%arg8 : memref<!tpu.dma_semaphore, #tpu.memory_space<semaphore_mem>>)
      } else {
      }
      tpu.vector_store_idx %arg7[%iota3A, %broadcast_in_dim3A_1547], %gather3A_1552 : memref<32x128xf32, #tpu.memory_space<vmem>>[vector<16xi32>, vector<16xi32>], vector<16xf32>,
      tpu.vector_store_idx %arg7[%add3A_5, %broadcast_in_dim3A_1547], %gather3A_1557 : memref<32x128xf32, #tpu.memory_space<vmem>>[vector<16xi32>, vector<16xi32>], vector<16xf32>,
      %mul3A_1565 = arith.constant 16 : i32
      %mul3A_1566 = arith.muli %add3A_375, %mul3A_1565 : i32
      %add3A_1567 = arith.constant 13 : i32
      %add3A_1568 = arith.addi %mul3A_1566, %add3A_1567 : i32
      %jit3A_1569 = arith.constant 16 : i32
      %eq3A_1570 = arith.constant 0 : i32
      %eq3A_1571 = arith.cmpi eq, %jit3A_1569, %eq3A_1570 : i32
      %jit3A_1572 = arith.constant 1 : i32
      %select_n3A_1573 = arith.select %eq3A_1571, %jit3A_1572, %jit3A_1569 : i32
      %rem3A_1574 = arith.remsi %add3A_1568, %select_n3A_1573 : i32
      %ne3A_1575 = arith.constant 0 : i32
      %ne3A_1576 = arith.cmpi ne, %rem3A_1574, %ne3A_1575 : i32
      %lt3A_1577 = arith.constant 0 : i32
      %lt3A_1578 = arith.cmpi slt, %rem3A_1574, %lt3A_1577 : i32
      %lt3A_1579 = arith.constant 0 : i32
      %lt3A_1580 = arith.cmpi slt, %select_n3A_1573, %lt3A_1579 : i32
      %ne3A_1581 = arith.xori %lt3A_1578, %lt3A_1580 : i1
      %and3A_1582 = arith.andi %ne3A_1581, %ne3A_1576 : i1
      %add3A_1583 = arith.addi %rem3A_1574, %select_n3A_1573 : i32
      %select_n3A_1584 = arith.select %and3A_1582, %add3A_1583, %rem3A_1574 : i32
      %dma_wait3A_1585 = arith.constant 0 : i32
      %dma_wait3A_1586 = arith.constant 0 : i32
      %dma_wait3A_1587 = tpu.memref_slice %arg6[%select_n3A_1584, %dma_wait3A_1585, %dma_wait3A_1586] : memref<16x32x128xf32, #tpu.memory_space<vmem>> -> memref<1x32x128xf32, #tpu.memory_space<vmem>>
      %dma_wait3A_1588 = tpu.memref_squeeze %dma_wait3A_1587 : memref<1x32x128xf32, #tpu.memory_space<vmem>> -> memref<32x128xf32, #tpu.memory_space<vmem>>
      %dma_wait3A_1589 = arith.constant 0 : i32
      %dma_wait3A_1590 = arith.constant 0 : i32
      %dma_wait3A_1591 = tpu.memref_slice %arg3[%dma_wait3A_1589, %dma_wait3A_1590] : memref<32x1000001xf32, #tpu.memory_space<hbm>> -> memref<32x128xf32, #tpu.memory_space<hbm>>
      %dma_wait3A_1592 = arith.constant 0 : i32
      %dma_wait3A_1593 = arith.constant 0 : i32
      %dma_wait3A_1594 = tpu.memref_slice %arg6[%select_n3A_1584, %dma_wait3A_1592, %dma_wait3A_1593] : memref<16x32x128xf32, #tpu.memory_space<vmem>> -> memref<1x32x128xf32, #tpu.memory_space<vmem>>
      %dma_wait3A_1595 = tpu.memref_squeeze %dma_wait3A_1594 : memref<1x32x128xf32, #tpu.memory_space<vmem>> -> memref<32x128xf32, #tpu.memory_space<vmem>>
      %dma_wait3A_1596 = arith.constant 0 : i32
      %dma_wait3A_1597 = arith.constant 0 : i32
      %dma_wait3A_1598 = tpu.memref_slice %arg3[%dma_wait3A_1596, %dma_wait3A_1597] : memref<32x1000001xf32, #tpu.memory_space<hbm>> -> memref<32x128xf32, #tpu.memory_space<hbm>>
      tpu.wait_dma2 semaphore(%arg8 : memref<!tpu.dma_semaphore, #tpu.memory_space<semaphore_mem>>) src(%dma_wait3A_1598 : memref<32x128xf32, #tpu.memory_space<hbm>>) dst(%dma_wait3A_1595 : memref<32x128xf32, #tpu.memory_space<vmem>>)
      %slice3A_1599 = vector.extract_strided_slice %select_n3A_436 {offsets = [13], sizes = [1], strides = [1]} : vector<16xi32> to vector<1xi32>
      %squeeze3A_1600 = vector.extract %slice3A_1599[0] : i32 from vector<1xi32>
      %broadcast_in_dim3A_1601 = vector.broadcast %squeeze3A_1600 : i32 to vector<16xi32>
      %jit3A_1602 = arith.constant 8 : i32
      %eq3A_1603 = arith.constant 0 : i32
      %eq3A_1604 = arith.cmpi eq, %jit3A_1602, %eq3A_1603 : i32
      %jit3A_1605 = arith.constant 1 : i32
      %select_n3A_1606 = arith.select %eq3A_1604, %jit3A_1605, %jit3A_1602 : i32
      %rem3A_1607 = arith.remsi %add3A_375, %select_n3A_1606 : i32
      %ne3A_1608 = arith.constant 0 : i32
      %ne3A_1609 = arith.cmpi ne, %rem3A_1607, %ne3A_1608 : i32
      %lt3A_1610 = arith.constant 0 : i32
      %lt3A_1611 = arith.cmpi slt, %rem3A_1607, %lt3A_1610 : i32
      %lt3A_1612 = arith.constant 0 : i32
      %lt3A_1613 = arith.cmpi slt, %select_n3A_1606, %lt3A_1612 : i32
      %ne3A_1614 = arith.xori %lt3A_1611, %lt3A_1613 : i1
      %and3A_1615 = arith.andi %ne3A_1614, %ne3A_1609 : i1
      %add3A_1616 = arith.addi %rem3A_1607, %select_n3A_1606 : i32
      %select_n3A_1617 = arith.select %and3A_1615, %add3A_1616, %rem3A_1607 : i32
      %mul3A_1618 = arith.constant 16 : i32
      %mul3A_1619 = arith.muli %select_n3A_1617, %mul3A_1618 : i32
      %add3A_1620 = arith.constant 13 : i32
      %add3A_1621 = arith.addi %mul3A_1619, %add3A_1620 : i32
      %broadcast_in_dim3A_1622 = vector.broadcast %add3A_1621 : i32 to vector<16xi32>
      %gather3A_1623 = arith.constant 0 : i32
      %gather3A_1624 = arith.constant 0 : i32
      %gather3A_1625 = tpu.memref_slice %arg6[%select_n3A_1584, %gather3A_1623, %gather3A_1624] : memref<16x32x128xf32, #tpu.memory_space<vmem>> -> memref<1x32x128xf32, #tpu.memory_space<vmem>>
      %gather3A_1626 = tpu.memref_squeeze %gather3A_1625 : memref<1x32x128xf32, #tpu.memory_space<vmem>> -> memref<32x128xf32, #tpu.memory_space<vmem>>
      %gather3A_1627 = tpu.vector_load_idx %gather3A_1626[%iota3A, %broadcast_in_dim3A_1601] : memref<32x128xf32, #tpu.memory_space<vmem>>[vector<16xi32>, vector<16xi32>], vector<16xf32>,
      %gather3A_1628 = arith.constant 0 : i32
      %gather3A_1629 = arith.constant 0 : i32
      %gather3A_1630 = tpu.memref_slice %arg6[%select_n3A_1584, %gather3A_1628, %gather3A_1629] : memref<16x32x128xf32, #tpu.memory_space<vmem>> -> memref<1x32x128xf32, #tpu.memory_space<vmem>>
      %gather3A_1631 = tpu.memref_squeeze %gather3A_1630 : memref<1x32x128xf32, #tpu.memory_space<vmem>> -> memref<32x128xf32, #tpu.memory_space<vmem>>
      %gather3A_1632 = tpu.vector_load_idx %gather3A_1631[%add3A_5, %broadcast_in_dim3A_1601] : memref<32x128xf32, #tpu.memory_space<vmem>>[vector<16xi32>, vector<16xi32>], vector<16xf32>,
      %add3A_1633 = arith.constant 16 : i32
      %add3A_1634 = arith.addi %add3A_1568, %add3A_1633 : i32
      %lt3A_1635 = arith.constant 512 : i32
      %lt3A_1636 = arith.cmpi slt, %add3A_1634, %lt3A_1635 : i32
      %convert_element_type3A_1637 = arith.extui %lt3A_1636 : i1 to i32
      %cond3A_1638 = arith.constant 0 : i32
      %cond3A_1639 = arith.cmpi ne, %convert_element_type3A_1637, %cond3A_1638 : i32
      scf.if %cond3A_1639 {
        %slice3A_1811 = vector.extract_strided_slice %mul3A_493 {offsets = [13], sizes = [1], strides = [1]} : vector<16xi32> to vector<1xi32>
        %squeeze3A_1812 = vector.extract %slice3A_1811[0] : i32 from vector<1xi32>
        %multiple_of3A_1813 = tpu.assume_multiple %squeeze3A_1812, 128 : i32
        %dma_start3A_1814 = arith.constant 0 : i32
        %dma_start3A_1815 = arith.constant 0 : i32
        %dma_start3A_1816 = tpu.memref_slice %arg6[%select_n3A_1584, %dma_start3A_1814, %dma_start3A_1815] : memref<16x32x128xf32, #tpu.memory_space<vmem>> -> memref<1x32x128xf32, #tpu.memory_space<vmem>>
        %dma_start3A_1817 = tpu.memref_squeeze %dma_start3A_1816 : memref<1x32x128xf32, #tpu.memory_space<vmem>> -> memref<32x128xf32, #tpu.memory_space<vmem>>
        %dma_start3A_1818 = arith.constant 0 : i32
        %dma_start3A_1819 = tpu.memref_slice %arg3[%dma_start3A_1818, %multiple_of3A_1813] : memref<32x1000001xf32, #tpu.memory_space<hbm>> -> memref<32x128xf32, #tpu.memory_space<hbm>>
        %dma_start3A_1820 = arith.constant 0 : i32
        %dma_start3A_1821 = arith.constant 0 : i32
        %dma_start3A_1822 = tpu.memref_slice %arg6[%select_n3A_1584, %dma_start3A_1820, %dma_start3A_1821] : memref<16x32x128xf32, #tpu.memory_space<vmem>> -> memref<1x32x128xf32, #tpu.memory_space<vmem>>
        %dma_start3A_1823 = tpu.memref_squeeze %dma_start3A_1822 : memref<1x32x128xf32, #tpu.memory_space<vmem>> -> memref<32x128xf32, #tpu.memory_space<vmem>>
        %dma_start3A_1824 = arith.constant 0 : i32
        %dma_start3A_1825 = tpu.memref_slice %arg3[%dma_start3A_1824, %multiple_of3A_1813] : memref<32x1000001xf32, #tpu.memory_space<hbm>> -> memref<32x128xf32, #tpu.memory_space<hbm>>
        tpu.enqueue_dma source(%dma_start3A_1825 : memref<32x128xf32, #tpu.memory_space<hbm>>) target(%dma_start3A_1823 : memref<32x128xf32, #tpu.memory_space<vmem>>) target_semaphore(%arg8 : memref<!tpu.dma_semaphore, #tpu.memory_space<semaphore_mem>>)
      } else {
      }
      tpu.vector_store_idx %arg7[%iota3A, %broadcast_in_dim3A_1622], %gather3A_1627 : memref<32x128xf32, #tpu.memory_space<vmem>>[vector<16xi32>, vector<16xi32>], vector<16xf32>,
      tpu.vector_store_idx %arg7[%add3A_5, %broadcast_in_dim3A_1622], %gather3A_1632 : memref<32x128xf32, #tpu.memory_space<vmem>>[vector<16xi32>, vector<16xi32>], vector<16xf32>,
      %mul3A_1640 = arith.constant 16 : i32
      %mul3A_1641 = arith.muli %add3A_375, %mul3A_1640 : i32
      %add3A_1642 = arith.constant 14 : i32
      %add3A_1643 = arith.addi %mul3A_1641, %add3A_1642 : i32
      %jit3A_1644 = arith.constant 16 : i32
      %eq3A_1645 = arith.constant 0 : i32
      %eq3A_1646 = arith.cmpi eq, %jit3A_1644, %eq3A_1645 : i32
      %jit3A_1647 = arith.constant 1 : i32
      %select_n3A_1648 = arith.select %eq3A_1646, %jit3A_1647, %jit3A_1644 : i32
      %rem3A_1649 = arith.remsi %add3A_1643, %select_n3A_1648 : i32
      %ne3A_1650 = arith.constant 0 : i32
      %ne3A_1651 = arith.cmpi ne, %rem3A_1649, %ne3A_1650 : i32
      %lt3A_1652 = arith.constant 0 : i32
      %lt3A_1653 = arith.cmpi slt, %rem3A_1649, %lt3A_1652 : i32
      %lt3A_1654 = arith.constant 0 : i32
      %lt3A_1655 = arith.cmpi slt, %select_n3A_1648, %lt3A_1654 : i32
      %ne3A_1656 = arith.xori %lt3A_1653, %lt3A_1655 : i1
      %and3A_1657 = arith.andi %ne3A_1656, %ne3A_1651 : i1
      %add3A_1658 = arith.addi %rem3A_1649, %select_n3A_1648 : i32
      %select_n3A_1659 = arith.select %and3A_1657, %add3A_1658, %rem3A_1649 : i32
      %dma_wait3A_1660 = arith.constant 0 : i32
      %dma_wait3A_1661 = arith.constant 0 : i32
      %dma_wait3A_1662 = tpu.memref_slice %arg6[%select_n3A_1659, %dma_wait3A_1660, %dma_wait3A_1661] : memref<16x32x128xf32, #tpu.memory_space<vmem>> -> memref<1x32x128xf32, #tpu.memory_space<vmem>>
      %dma_wait3A_1663 = tpu.memref_squeeze %dma_wait3A_1662 : memref<1x32x128xf32, #tpu.memory_space<vmem>> -> memref<32x128xf32, #tpu.memory_space<vmem>>
      %dma_wait3A_1664 = arith.constant 0 : i32
      %dma_wait3A_1665 = arith.constant 0 : i32
      %dma_wait3A_1666 = tpu.memref_slice %arg3[%dma_wait3A_1664, %dma_wait3A_1665] : memref<32x1000001xf32, #tpu.memory_space<hbm>> -> memref<32x128xf32, #tpu.memory_space<hbm>>
      %dma_wait3A_1667 = arith.constant 0 : i32
      %dma_wait3A_1668 = arith.constant 0 : i32
      %dma_wait3A_1669 = tpu.memref_slice %arg6[%select_n3A_1659, %dma_wait3A_1667, %dma_wait3A_1668] : memref<16x32x128xf32, #tpu.memory_space<vmem>> -> memref<1x32x128xf32, #tpu.memory_space<vmem>>
      %dma_wait3A_1670 = tpu.memref_squeeze %dma_wait3A_1669 : memref<1x32x128xf32, #tpu.memory_space<vmem>> -> memref<32x128xf32, #tpu.memory_space<vmem>>
      %dma_wait3A_1671 = arith.constant 0 : i32
      %dma_wait3A_1672 = arith.constant 0 : i32
      %dma_wait3A_1673 = tpu.memref_slice %arg3[%dma_wait3A_1671, %dma_wait3A_1672] : memref<32x1000001xf32, #tpu.memory_space<hbm>> -> memref<32x128xf32, #tpu.memory_space<hbm>>
      tpu.wait_dma2 semaphore(%arg8 : memref<!tpu.dma_semaphore, #tpu.memory_space<semaphore_mem>>) src(%dma_wait3A_1673 : memref<32x128xf32, #tpu.memory_space<hbm>>) dst(%dma_wait3A_1670 : memref<32x128xf32, #tpu.memory_space<vmem>>)
      %slice3A_1674 = vector.extract_strided_slice %select_n3A_436 {offsets = [14], sizes = [1], strides = [1]} : vector<16xi32> to vector<1xi32>
      %squeeze3A_1675 = vector.extract %slice3A_1674[0] : i32 from vector<1xi32>
      %broadcast_in_dim3A_1676 = vector.broadcast %squeeze3A_1675 : i32 to vector<16xi32>
      %jit3A_1677 = arith.constant 8 : i32
      %eq3A_1678 = arith.constant 0 : i32
      %eq3A_1679 = arith.cmpi eq, %jit3A_1677, %eq3A_1678 : i32
      %jit3A_1680 = arith.constant 1 : i32
      %select_n3A_1681 = arith.select %eq3A_1679, %jit3A_1680, %jit3A_1677 : i32
      %rem3A_1682 = arith.remsi %add3A_375, %select_n3A_1681 : i32
      %ne3A_1683 = arith.constant 0 : i32
      %ne3A_1684 = arith.cmpi ne, %rem3A_1682, %ne3A_1683 : i32
      %lt3A_1685 = arith.constant 0 : i32
      %lt3A_1686 = arith.cmpi slt, %rem3A_1682, %lt3A_1685 : i32
      %lt3A_1687 = arith.constant 0 : i32
      %lt3A_1688 = arith.cmpi slt, %select_n3A_1681, %lt3A_1687 : i32
      %ne3A_1689 = arith.xori %lt3A_1686, %lt3A_1688 : i1
      %and3A_1690 = arith.andi %ne3A_1689, %ne3A_1684 : i1
      %add3A_1691 = arith.addi %rem3A_1682, %select_n3A_1681 : i32
      %select_n3A_1692 = arith.select %and3A_1690, %add3A_1691, %rem3A_1682 : i32
      %mul3A_1693 = arith.constant 16 : i32
      %mul3A_1694 = arith.muli %select_n3A_1692, %mul3A_1693 : i32
      %add3A_1695 = arith.constant 14 : i32
      %add3A_1696 = arith.addi %mul3A_1694, %add3A_1695 : i32
      %broadcast_in_dim3A_1697 = vector.broadcast %add3A_1696 : i32 to vector<16xi32>
      %gather3A_1698 = arith.constant 0 : i32
      %gather3A_1699 = arith.constant 0 : i32
      %gather3A_1700 = tpu.memref_slice %arg6[%select_n3A_1659, %gather3A_1698, %gather3A_1699] : memref<16x32x128xf32, #tpu.memory_space<vmem>> -> memref<1x32x128xf32, #tpu.memory_space<vmem>>
      %gather3A_1701 = tpu.memref_squeeze %gather3A_1700 : memref<1x32x128xf32, #tpu.memory_space<vmem>> -> memref<32x128xf32, #tpu.memory_space<vmem>>
      %gather3A_1702 = tpu.vector_load_idx %gather3A_1701[%iota3A, %broadcast_in_dim3A_1676] : memref<32x128xf32, #tpu.memory_space<vmem>>[vector<16xi32>, vector<16xi32>], vector<16xf32>,
      %gather3A_1703 = arith.constant 0 : i32
      %gather3A_1704 = arith.constant 0 : i32
      %gather3A_1705 = tpu.memref_slice %arg6[%select_n3A_1659, %gather3A_1703, %gather3A_1704] : memref<16x32x128xf32, #tpu.memory_space<vmem>> -> memref<1x32x128xf32, #tpu.memory_space<vmem>>
      %gather3A_1706 = tpu.memref_squeeze %gather3A_1705 : memref<1x32x128xf32, #tpu.memory_space<vmem>> -> memref<32x128xf32, #tpu.memory_space<vmem>>
      %gather3A_1707 = tpu.vector_load_idx %gather3A_1706[%add3A_5, %broadcast_in_dim3A_1676] : memref<32x128xf32, #tpu.memory_space<vmem>>[vector<16xi32>, vector<16xi32>], vector<16xf32>,
      %add3A_1708 = arith.constant 16 : i32
      %add3A_1709 = arith.addi %add3A_1643, %add3A_1708 : i32
      %lt3A_1710 = arith.constant 512 : i32
      %lt3A_1711 = arith.cmpi slt, %add3A_1709, %lt3A_1710 : i32
      %convert_element_type3A_1712 = arith.extui %lt3A_1711 : i1 to i32
      %cond3A_1713 = arith.constant 0 : i32
      %cond3A_1714 = arith.cmpi ne, %convert_element_type3A_1712, %cond3A_1713 : i32
      scf.if %cond3A_1714 {
        %slice3A_1811 = vector.extract_strided_slice %mul3A_493 {offsets = [14], sizes = [1], strides = [1]} : vector<16xi32> to vector<1xi32>
        %squeeze3A_1812 = vector.extract %slice3A_1811[0] : i32 from vector<1xi32>
        %multiple_of3A_1813 = tpu.assume_multiple %squeeze3A_1812, 128 : i32
        %dma_start3A_1814 = arith.constant 0 : i32
        %dma_start3A_1815 = arith.constant 0 : i32
        %dma_start3A_1816 = tpu.memref_slice %arg6[%select_n3A_1659, %dma_start3A_1814, %dma_start3A_1815] : memref<16x32x128xf32, #tpu.memory_space<vmem>> -> memref<1x32x128xf32, #tpu.memory_space<vmem>>
        %dma_start3A_1817 = tpu.memref_squeeze %dma_start3A_1816 : memref<1x32x128xf32, #tpu.memory_space<vmem>> -> memref<32x128xf32, #tpu.memory_space<vmem>>
        %dma_start3A_1818 = arith.constant 0 : i32
        %dma_start3A_1819 = tpu.memref_slice %arg3[%dma_start3A_1818, %multiple_of3A_1813] : memref<32x1000001xf32, #tpu.memory_space<hbm>> -> memref<32x128xf32, #tpu.memory_space<hbm>>
        %dma_start3A_1820 = arith.constant 0 : i32
        %dma_start3A_1821 = arith.constant 0 : i32
        %dma_start3A_1822 = tpu.memref_slice %arg6[%select_n3A_1659, %dma_start3A_1820, %dma_start3A_1821] : memref<16x32x128xf32, #tpu.memory_space<vmem>> -> memref<1x32x128xf32, #tpu.memory_space<vmem>>
        %dma_start3A_1823 = tpu.memref_squeeze %dma_start3A_1822 : memref<1x32x128xf32, #tpu.memory_space<vmem>> -> memref<32x128xf32, #tpu.memory_space<vmem>>
        %dma_start3A_1824 = arith.constant 0 : i32
        %dma_start3A_1825 = tpu.memref_slice %arg3[%dma_start3A_1824, %multiple_of3A_1813] : memref<32x1000001xf32, #tpu.memory_space<hbm>> -> memref<32x128xf32, #tpu.memory_space<hbm>>
        tpu.enqueue_dma source(%dma_start3A_1825 : memref<32x128xf32, #tpu.memory_space<hbm>>) target(%dma_start3A_1823 : memref<32x128xf32, #tpu.memory_space<vmem>>) target_semaphore(%arg8 : memref<!tpu.dma_semaphore, #tpu.memory_space<semaphore_mem>>)
      } else {
      }
      tpu.vector_store_idx %arg7[%iota3A, %broadcast_in_dim3A_1697], %gather3A_1702 : memref<32x128xf32, #tpu.memory_space<vmem>>[vector<16xi32>, vector<16xi32>], vector<16xf32>,
      tpu.vector_store_idx %arg7[%add3A_5, %broadcast_in_dim3A_1697], %gather3A_1707 : memref<32x128xf32, #tpu.memory_space<vmem>>[vector<16xi32>, vector<16xi32>], vector<16xf32>,
      %mul3A_1715 = arith.constant 16 : i32
      %mul3A_1716 = arith.muli %add3A_375, %mul3A_1715 : i32
      %add3A_1717 = arith.constant 15 : i32
      %add3A_1718 = arith.addi %mul3A_1716, %add3A_1717 : i32
      %jit3A_1719 = arith.constant 16 : i32
      %eq3A_1720 = arith.constant 0 : i32
      %eq3A_1721 = arith.cmpi eq, %jit3A_1719, %eq3A_1720 : i32
      %jit3A_1722 = arith.constant 1 : i32
      %select_n3A_1723 = arith.select %eq3A_1721, %jit3A_1722, %jit3A_1719 : i32
      %rem3A_1724 = arith.remsi %add3A_1718, %select_n3A_1723 : i32
      %ne3A_1725 = arith.constant 0 : i32
      %ne3A_1726 = arith.cmpi ne, %rem3A_1724, %ne3A_1725 : i32
      %lt3A_1727 = arith.constant 0 : i32
      %lt3A_1728 = arith.cmpi slt, %rem3A_1724, %lt3A_1727 : i32
      %lt3A_1729 = arith.constant 0 : i32
      %lt3A_1730 = arith.cmpi slt, %select_n3A_1723, %lt3A_1729 : i32
      %ne3A_1731 = arith.xori %lt3A_1728, %lt3A_1730 : i1
      %and3A_1732 = arith.andi %ne3A_1731, %ne3A_1726 : i1
      %add3A_1733 = arith.addi %rem3A_1724, %select_n3A_1723 : i32
      %select_n3A_1734 = arith.select %and3A_1732, %add3A_1733, %rem3A_1724 : i32
      %dma_wait3A_1735 = arith.constant 0 : i32
      %dma_wait3A_1736 = arith.constant 0 : i32
      %dma_wait3A_1737 = tpu.memref_slice %arg6[%select_n3A_1734, %dma_wait3A_1735, %dma_wait3A_1736] : memref<16x32x128xf32, #tpu.memory_space<vmem>> -> memref<1x32x128xf32, #tpu.memory_space<vmem>>
      %dma_wait3A_1738 = tpu.memref_squeeze %dma_wait3A_1737 : memref<1x32x128xf32, #tpu.memory_space<vmem>> -> memref<32x128xf32, #tpu.memory_space<vmem>>
      %dma_wait3A_1739 = arith.constant 0 : i32
      %dma_wait3A_1740 = arith.constant 0 : i32
      %dma_wait3A_1741 = tpu.memref_slice %arg3[%dma_wait3A_1739, %dma_wait3A_1740] : memref<32x1000001xf32, #tpu.memory_space<hbm>> -> memref<32x128xf32, #tpu.memory_space<hbm>>
      %dma_wait3A_1742 = arith.constant 0 : i32
      %dma_wait3A_1743 = arith.constant 0 : i32
      %dma_wait3A_1744 = tpu.memref_slice %arg6[%select_n3A_1734, %dma_wait3A_1742, %dma_wait3A_1743] : memref<16x32x128xf32, #tpu.memory_space<vmem>> -> memref<1x32x128xf32, #tpu.memory_space<vmem>>
      %dma_wait3A_1745 = tpu.memref_squeeze %dma_wait3A_1744 : memref<1x32x128xf32, #tpu.memory_space<vmem>> -> memref<32x128xf32, #tpu.memory_space<vmem>>
      %dma_wait3A_1746 = arith.constant 0 : i32
      %dma_wait3A_1747 = arith.constant 0 : i32
      %dma_wait3A_1748 = tpu.memref_slice %arg3[%dma_wait3A_1746, %dma_wait3A_1747] : memref<32x1000001xf32, #tpu.memory_space<hbm>> -> memref<32x128xf32, #tpu.memory_space<hbm>>
      tpu.wait_dma2 semaphore(%arg8 : memref<!tpu.dma_semaphore, #tpu.memory_space<semaphore_mem>>) src(%dma_wait3A_1748 : memref<32x128xf32, #tpu.memory_space<hbm>>) dst(%dma_wait3A_1745 : memref<32x128xf32, #tpu.memory_space<vmem>>)
      %slice3A_1749 = vector.extract_strided_slice %select_n3A_436 {offsets = [15], sizes = [1], strides = [1]} : vector<16xi32> to vector<1xi32>
      %squeeze3A_1750 = vector.extract %slice3A_1749[0] : i32 from vector<1xi32>
      %broadcast_in_dim3A_1751 = vector.broadcast %squeeze3A_1750 : i32 to vector<16xi32>
      %jit3A_1752 = arith.constant 8 : i32
      %eq3A_1753 = arith.constant 0 : i32
      %eq3A_1754 = arith.cmpi eq, %jit3A_1752, %eq3A_1753 : i32
      %jit3A_1755 = arith.constant 1 : i32
      %select_n3A_1756 = arith.select %eq3A_1754, %jit3A_1755, %jit3A_1752 : i32
      %rem3A_1757 = arith.remsi %add3A_375, %select_n3A_1756 : i32
      %ne3A_1758 = arith.constant 0 : i32
      %ne3A_1759 = arith.cmpi ne, %rem3A_1757, %ne3A_1758 : i32
      %lt3A_1760 = arith.constant 0 : i32
      %lt3A_1761 = arith.cmpi slt, %rem3A_1757, %lt3A_1760 : i32
      %lt3A_1762 = arith.constant 0 : i32
      %lt3A_1763 = arith.cmpi slt, %select_n3A_1756, %lt3A_1762 : i32
      %ne3A_1764 = arith.xori %lt3A_1761, %lt3A_1763 : i1
      %and3A_1765 = arith.andi %ne3A_1764, %ne3A_1759 : i1
      %add3A_1766 = arith.addi %rem3A_1757, %select_n3A_1756 : i32
      %select_n3A_1767 = arith.select %and3A_1765, %add3A_1766, %rem3A_1757 : i32
      %mul3A_1768 = arith.constant 16 : i32
      %mul3A_1769 = arith.muli %select_n3A_1767, %mul3A_1768 : i32
      %add3A_1770 = arith.constant 15 : i32
      %add3A_1771 = arith.addi %mul3A_1769, %add3A_1770 : i32
      %broadcast_in_dim3A_1772 = vector.broadcast %add3A_1771 : i32 to vector<16xi32>
      %gather3A_1773 = arith.constant 0 : i32
      %gather3A_1774 = arith.constant 0 : i32
      %gather3A_1775 = tpu.memref_slice %arg6[%select_n3A_1734, %gather3A_1773, %gather3A_1774] : memref<16x32x128xf32, #tpu.memory_space<vmem>> -> memref<1x32x128xf32, #tpu.memory_space<vmem>>
      %gather3A_1776 = tpu.memref_squeeze %gather3A_1775 : memref<1x32x128xf32, #tpu.memory_space<vmem>> -> memref<32x128xf32, #tpu.memory_space<vmem>>
      %gather3A_1777 = tpu.vector_load_idx %gather3A_1776[%iota3A, %broadcast_in_dim3A_1751] : memref<32x128xf32, #tpu.memory_space<vmem>>[vector<16xi32>, vector<16xi32>], vector<16xf32>,
      %gather3A_1778 = arith.constant 0 : i32
      %gather3A_1779 = arith.constant 0 : i32
      %gather3A_1780 = tpu.memref_slice %arg6[%select_n3A_1734, %gather3A_1778, %gather3A_1779] : memref<16x32x128xf32, #tpu.memory_space<vmem>> -> memref<1x32x128xf32, #tpu.memory_space<vmem>>
      %gather3A_1781 = tpu.memref_squeeze %gather3A_1780 : memref<1x32x128xf32, #tpu.memory_space<vmem>> -> memref<32x128xf32, #tpu.memory_space<vmem>>
      %gather3A_1782 = tpu.vector_load_idx %gather3A_1781[%add3A_5, %broadcast_in_dim3A_1751] : memref<32x128xf32, #tpu.memory_space<vmem>>[vector<16xi32>, vector<16xi32>], vector<16xf32>,
      %add3A_1783 = arith.constant 16 : i32
      %add3A_1784 = arith.addi %add3A_1718, %add3A_1783 : i32
      %lt3A_1785 = arith.constant 512 : i32
      %lt3A_1786 = arith.cmpi slt, %add3A_1784, %lt3A_1785 : i32
      %convert_element_type3A_1787 = arith.extui %lt3A_1786 : i1 to i32
      %cond3A_1788 = arith.constant 0 : i32
      %cond3A_1789 = arith.cmpi ne, %convert_element_type3A_1787, %cond3A_1788 : i32
      scf.if %cond3A_1789 {
        %slice3A_1811 = vector.extract_strided_slice %mul3A_493 {offsets = [15], sizes = [1], strides = [1]} : vector<16xi32> to vector<1xi32>
        %squeeze3A_1812 = vector.extract %slice3A_1811[0] : i32 from vector<1xi32>
        %multiple_of3A_1813 = tpu.assume_multiple %squeeze3A_1812, 128 : i32
        %dma_start3A_1814 = arith.constant 0 : i32
        %dma_start3A_1815 = arith.constant 0 : i32
        %dma_start3A_1816 = tpu.memref_slice %arg6[%select_n3A_1734, %dma_start3A_1814, %dma_start3A_1815] : memref<16x32x128xf32, #tpu.memory_space<vmem>> -> memref<1x32x128xf32, #tpu.memory_space<vmem>>
        %dma_start3A_1817 = tpu.memref_squeeze %dma_start3A_1816 : memref<1x32x128xf32, #tpu.memory_space<vmem>> -> memref<32x128xf32, #tpu.memory_space<vmem>>
        %dma_start3A_1818 = arith.constant 0 : i32
        %dma_start3A_1819 = tpu.memref_slice %arg3[%dma_start3A_1818, %multiple_of3A_1813] : memref<32x1000001xf32, #tpu.memory_space<hbm>> -> memref<32x128xf32, #tpu.memory_space<hbm>>
        %dma_start3A_1820 = arith.constant 0 : i32
        %dma_start3A_1821 = arith.constant 0 : i32
        %dma_start3A_1822 = tpu.memref_slice %arg6[%select_n3A_1734, %dma_start3A_1820, %dma_start3A_1821] : memref<16x32x128xf32, #tpu.memory_space<vmem>> -> memref<1x32x128xf32, #tpu.memory_space<vmem>>
        %dma_start3A_1823 = tpu.memref_squeeze %dma_start3A_1822 : memref<1x32x128xf32, #tpu.memory_space<vmem>> -> memref<32x128xf32, #tpu.memory_space<vmem>>
        %dma_start3A_1824 = arith.constant 0 : i32
        %dma_start3A_1825 = tpu.memref_slice %arg3[%dma_start3A_1824, %multiple_of3A_1813] : memref<32x1000001xf32, #tpu.memory_space<hbm>> -> memref<32x128xf32, #tpu.memory_space<hbm>>
        tpu.enqueue_dma source(%dma_start3A_1825 : memref<32x128xf32, #tpu.memory_space<hbm>>) target(%dma_start3A_1823 : memref<32x128xf32, #tpu.memory_space<vmem>>) target_semaphore(%arg8 : memref<!tpu.dma_semaphore, #tpu.memory_space<semaphore_mem>>)
      } else {
      }
      tpu.vector_store_idx %arg7[%iota3A, %broadcast_in_dim3A_1772], %gather3A_1777 : memref<32x128xf32, #tpu.memory_space<vmem>>[vector<16xi32>, vector<16xi32>], vector<16xf32>,
      tpu.vector_store_idx %arg7[%add3A_5, %broadcast_in_dim3A_1772], %gather3A_1782 : memref<32x128xf32, #tpu.memory_space<vmem>>[vector<16xi32>, vector<16xi32>], vector<16xf32>,
      %jit3A_1790 = arith.constant 8 : i32
      %eq3A_1791 = arith.constant 0 : i32
      %eq3A_1792 = arith.cmpi eq, %jit3A_1790, %eq3A_1791 : i32
      %jit3A_1793 = arith.constant 1 : i32
      %select_n3A_1794 = arith.select %eq3A_1792, %jit3A_1793, %jit3A_1790 : i32
      %rem3A_1795 = arith.remsi %add3A_375, %select_n3A_1794 : i32
      %ne3A_1796 = arith.constant 0 : i32
      %ne3A_1797 = arith.cmpi ne, %rem3A_1795, %ne3A_1796 : i32
      %lt3A_1798 = arith.constant 0 : i32
      %lt3A_1799 = arith.cmpi slt, %rem3A_1795, %lt3A_1798 : i32
      %lt3A_1800 = arith.constant 0 : i32
      %lt3A_1801 = arith.cmpi slt, %select_n3A_1794, %lt3A_1800 : i32
      %ne3A_1802 = arith.xori %lt3A_1799, %lt3A_1801 : i1
      %and3A_1803 = arith.andi %ne3A_1802, %ne3A_1797 : i1
      %add3A_1804 = arith.addi %rem3A_1795, %select_n3A_1794 : i32
      %select_n3A_1805 = arith.select %and3A_1803, %add3A_1804, %rem3A_1795 : i32
      %eq3A_1806 = arith.constant 7 : i32
      %eq3A_1807 = arith.cmpi eq, %select_n3A_1805, %eq3A_1806 : i32
      %convert_element_type3A_1808 = arith.extui %eq3A_1807 : i1 to i32
      %cond3A_1809 = arith.constant 0 : i32
      %cond3A_1810 = arith.cmpi ne, %convert_element_type3A_1808, %cond3A_1809 : i32
      scf.if %cond3A_1810 {
        %jit3A_1811 = arith.constant 8 : i32
        %div3A_1812 = arith.divsi %add3A_375, %jit3A_1811 : i32
        %sign3A_1813 = arith.constant 0 : i32
        %sign3A_1814 = arith.cmpi sgt, %add3A_375, %sign3A_1813 : i32
        %sign3A_1815 = arith.extui %sign3A_1814 : i1 to i32
        %sign3A_1816 = arith.constant 0 : i32
        %sign3A_1817 = arith.cmpi slt, %add3A_375, %sign3A_1816 : i32
        %sign3A_1818 = arith.extui %sign3A_1817 : i1 to i32
        %sign3A_1819 = arith.subi %sign3A_1815, %sign3A_1818 : i32
        %sign3A_1820 = arith.constant 0 : i32
        %sign3A_1821 = arith.cmpi sgt, %jit3A_1811, %sign3A_1820 : i32
        %sign3A_1822 = arith.extui %sign3A_1821 : i1 to i32
        %sign3A_1823 = arith.constant 0 : i32
        %sign3A_1824 = arith.cmpi slt, %jit3A_1811, %sign3A_1823 : i32
        %sign3A_1825 = arith.extui %sign3A_1824 : i1 to i32
        %sign3A_1826 = arith.subi %sign3A_1822, %sign3A_1825 : i32
        %ne3A_1827 = arith.cmpi ne, %sign3A_1819, %sign3A_1826 : i32
        %rem3A_1828 = arith.remsi %add3A_375, %jit3A_1811 : i32
        %ne3A_1829 = arith.constant 0 : i32
        %ne3A_1830 = arith.cmpi ne, %rem3A_1828, %ne3A_1829 : i32
        %and3A_1831 = arith.andi %ne3A_1827, %ne3A_1830 : i1
        %sub3A_1832 = arith.constant 1 : i32
        %sub3A_1833 = arith.subi %div3A_1812, %sub3A_1832 : i32
        %select_n3A_1834 = arith.select %and3A_1831, %sub3A_1833, %div3A_1812 : i32
        %mul3A_1835 = arith.constant 128 : i32
        %mul3A_1836 = arith.muli %select_n3A_1834, %mul3A_1835 : i32
        %add3A_1837 = arith.addi %mul3A_2, %mul3A_1836 : i32
        %multiple_of3A_1838 = tpu.assume_multiple %add3A_1837, 128 : i32
        "tpu.region"() ({
          %run_scoped3A = tpu.sem_alloc : memref<!tpu.dma_semaphore, #tpu.memory_space<semaphore_mem>>
          %dma_start3A_1839 = arith.constant 0 : i32
          %dma_start3A_1840 = tpu.memref_slice %arg4[%dma_start3A_1839, %multiple_of3A_1838] : memref<32x16384xf32, #tpu.memory_space<hbm>> -> memref<32x128xf32, #tpu.memory_space<hbm>>
          %dma_start3A_1841 = arith.constant 0 : i32
          %dma_start3A_1842 = tpu.memref_slice %arg4[%dma_start3A_1841, %multiple_of3A_1838] : memref<32x16384xf32, #tpu.memory_space<hbm>> -> memref<32x128xf32, #tpu.memory_space<hbm>>
          tpu.enqueue_dma source(%arg7 : memref<32x128xf32, #tpu.memory_space<vmem>>) target(%dma_start3A_1842 : memref<32x128xf32, #tpu.memory_space<hbm>>) target_semaphore(%run_scoped3A : memref<!tpu.dma_semaphore, #tpu.memory_space<semaphore_mem>>)
          %dma_wait3A_1843 = arith.constant 0 : i32
          %dma_wait3A_1844 = tpu.memref_slice %arg4[%dma_wait3A_1843, %multiple_of3A_1838] : memref<32x16384xf32, #tpu.memory_space<hbm>> -> memref<32x128xf32, #tpu.memory_space<hbm>>
          %dma_wait3A_1845 = arith.constant 0 : i32
          %dma_wait3A_1846 = tpu.memref_slice %arg4[%dma_wait3A_1845, %multiple_of3A_1838] : memref<32x16384xf32, #tpu.memory_space<hbm>> -> memref<32x128xf32, #tpu.memory_space<hbm>>
          tpu.wait_dma2 semaphore(%run_scoped3A : memref<!tpu.dma_semaphore, #tpu.memory_space<semaphore_mem>>) src(%arg7 : memref<32x128xf32, #tpu.memory_space<vmem>>) dst(%dma_wait3A_1846 : memref<32x128xf32, #tpu.memory_space<hbm>>)
          tpu.yield
        }) : () -> ()
      } else {
      }
    }
    %scan3A_370 = arith.constant 32 : i32
    return
  }
}

</mosaic_0001>

<sc_bundles>
// kernel: kernel.3.cloned.1.call-start
scs
__scs_entry_jumppad:
0x0: {  	(pc) =	sbr.rel $0x88, $3  }
0x1: {  	(tag) =	ssettag $0x0;
	lr =	simm.s32 $0x1  }
0x2: {  	[smem:$0x3F9F] =	sst lr;
	_ =	strace $0xD0000000  }
0x3: {  	_ = 	snop  }
0x4: {  	_ = 	snop  }
0x5: {  	_ = 	snop  }
0x6: {  	_ = 	snop  }
0x7: {  	_ = 	snop  }
__scs_overlays_trampoline_lowered:
0x8: {  	[smem:$0x3FAE] =	sst s0  }
0x9: {  	[smem:$0x3FAF] =	sst s1  }
0xa: {  	[smem:$0x3FB0] =	sst s2  }
0xb: {  	[smem:$0x3FB1] =	sst s3  }
0xc: {  	[smem:$0x3FB2] =	sst s4  }
0xd: {  	[smem:$0x3FB3] =	sst s5  }
0xe: {  	[smem:$0x3FB4] =	sst s6  }
0xf: {  	[smem:$0x3FB5] =	sst s7  }
0x10: {  	[smem:$0x3FB6] =	sst s8  }
0x11: {  	[smem:$0x3FB7] =	sst s9;
	s0 =	simm.s32 @!p0 $0x0  }
0x12: {  	s1 =	sld [smem:$0x3F9D];
	s0 =	simm.s32 @p0 $0x1  }
0x13: {  	[smem:$0x3FB8] =	sst s0;
	s0 =	simm.s32 @!p1 $0x0  }
0x14: {  	s2 =	sld [smem:$0x3F9C];
	s0 =	simm.s32 @p1 $0x1  }
0x15: {  	[smem:$0x3FB9] =	sst s0;
	s0 =	simm.s32 @!p2 $0x0  }
0x16: {  	s3 =	sld [smem:$0x3FDB];
	s0 =	simm.s32 @p2 $0x1  }
0x17: {  	s4 =	simm.s32 $0x1BF5;
	[smem:$0x3FBB] =	sst s0  }
0x18: {  	s0 =	sld [smem:$0x3F9E];
	_ =	swait.ge [sflag:s4], $0x0  }
0x19: {  	s7 =	sld [smem:$0x3F9F]  }
0x1a: {  	s8 =	sadd.s32 $0xFFFFE003, lr  }
0x1b: {  	s9 =	sadd.s32 $0xFFFFFEF7, lr;
	s5 =	simm.s32 $0xFFFFFFFF;
	p2 =	slt.u32 s8, $0xFFFFF086  }
0x1c: {  	p1 =	slt.u32 s9, $0xF7A;
	s5 =	simm.s32 @!p2 $0x0  }
0x1d: {  	s5 =	simm.s32 @p1 $0x1;
	p0 =	seq.s32 s7, s2  }
0x1e: {  	s7 =	smul.u32 @!p0 $0xF7A, s2;
	p2 =	seq.s32 @!p0 s5, $0x0  }
0x1f: {  	s9 =	smul.u32 $0xF7A, s1;
	s8 =	simm.s32 @!p0 $0x1BF5;
	p2 =	por !p2, p0  }
0x20: {  	[sflag:s8] =	ssyncset.s32 @!p0 $0xFFFFF086;
	s6 =	sadd.s32 @!p0 s3, s7;
	s7 =	simm.s32 @!p0 $0x108  }
0x21: {  	s3 =	sadd.s32 s3, s9;
	s6 =	sadd.s32 @!p0 $0x88, s6;
	s7 =	simm.s32 @p2 $0x1082  }
0x22: {  	[simem:s7], [sflag:s8] =	dma.local @!p0 [hbm:s6], $0xF7A  }
0x23: {  	s9 =	sor.u32 $0xD0000000, s2;
	s6 =	simm.s32 $0x108;
	_ =	swait.ge @!p0 [sflag:s8], $0x0  }
0x24: {  	s3 =	sadd.s32 $0x88, s3;
	s6 =	simm.s32 @!p1 $0x1082;
	[sflag:s4] =	ssyncset.s32 $0xFFFFF086  }
0x25: {  	[simem:s6], [sflag:s4] =	dma.local [hbm:s3], $0xF7A  }
0x26: {  	[smem:$0x3F9F] =	sst s1;
	(tag) =	ssettag s2;
	_ =	strace s9  }
0x27: {  	s1 =	sld [smem:$0x3FAF]  }
0x28: {  	s2 =	sld [smem:$0x3FB0]  }
0x29: {  	s4 =	sld [smem:$0x3FB2]  }
0x2a: {  	p0 =	seq.s32 s5, $0x0;
	s5 =	sld [smem:$0x3FB3]  }
0x2b: {  	s6 =	sld [smem:$0x3FB4]  }
0x2c: {  	s7 =	sld [smem:$0x3FB5]  }
0x2d: {  	s3 =	simm.s32 $0x108;
	s8 =	sld [smem:$0x3FB6]  }
0x2e: {  	s3 =	simm.s32 @!p0 $0x1082;
	s9 =	sld [smem:$0x3FB7]  }
0x2f: {  	lr =	sadd.s32 s0, s3;
	s0 =	sld [smem:$0x3FAE]  }
0x30: {  	s3 =	sld [smem:$0x3FB1]  }
0x31: {  	[smem:$0x3FBA] =	sst s10  }
0x32: {  	s10 =	sld [smem:$0x3FB8];
	_ =	sdelay $0x3  }
0x33: {  	p0 =	seq.s32 s10, $0x1;
	s10 =	sld [smem:$0x3FBA];
	_ =	sdelay $0x3  }
0x34: {  	[smem:$0x3FBA] =	sst s10  }
0x35: {  	s10 =	sld [smem:$0x3FB9];
	_ =	sdelay $0x3  }
0x36: {  	p1 =	seq.s32 s10, $0x1;
	s10 =	sld [smem:$0x3FBA];
	_ =	sdelay $0x3  }
0x37: {  	[smem:$0x3FBA] =	sst s10  }
0x38: {  	s10 =	sld [smem:$0x3FBB]  }
0x39: {  	_ = 	snop;
	(pc) =	sbr.ind lr, $3  }
0x3a: {  	_ = 	snop  }
0x3b: {  	_ = 	snop  }
0x3c: {  	p2 =	seq.s32 s10, $0x1;
	s10 =	sld [smem:$0x3FBA]  }
0x3d: {  	_ =	shalt  }
0x3e: {  	_ =	shalt  }
0x3f: {  	_ =	shalt  }
0x40: {  	_ =	shalt  }
0x41: {  	_ =	shalt  }
0x42: {  	_ =	shalt  }
0x43: {  	_ =	shalt  }
0x44: {  	_ =	shalt  }
0x45: {  	_ =	shalt  }
0x46: {  	_ =	shalt  }
0x47: {  	_ =	shalt  }
0x48: {  	_ =	shalt  }
0x49: {  	_ =	shalt  }
0x4a: {  	_ =	shalt  }
0x4b: {  	_ =	shalt  }
0x4c: {  	_ =	shalt  }
0x4d: {  	_ =	shalt  }
0x4e: {  	_ =	shalt  }
0x4f: {  	_ =	shalt  }
0x50: {  	_ =	shalt  }
0x51: {  	_ =	shalt  }
0x52: {  	_ =	shalt  }
0x53: {  	_ =	shalt  }
0x54: {  	_ =	shalt  }
0x55: {  	_ =	shalt  }
0x56: {  	_ =	shalt  }
0x57: {  	_ =	shalt  }
0x58: {  	_ =	shalt  }
0x59: {  	_ =	shalt  }
0x5a: {  	_ =	shalt  }
0x5b: {  	_ =	shalt  }
0x5c: {  	_ =	shalt  }
0x5d: {  	_ =	shalt  }
0x5e: {  	_ =	shalt  }
0x5f: {  	_ =	shalt  }
0x60: {  	_ =	shalt  }
0x61: {  	_ =	shalt  }
0x62: {  	_ =	shalt  }
0x63: {  	_ =	shalt  }
0x64: {  	_ =	shalt  }
0x65: {  	_ =	shalt  }
0x66: {  	_ =	shalt  }
0x67: {  	_ =	shalt  }
0x68: {  	_ =	shalt  }
0x69: {  	_ =	shalt  }
0x6a: {  	_ =	shalt  }
0x6b: {  	_ =	shalt  }
0x6c: {  	_ =	shalt  }
0x6d: {  	_ =	shalt  }
0x6e: {  	_ =	shalt  }
0x6f: {  	_ =	shalt  }
0x70: {  	_ =	shalt  }
0x71: {  	_ =	shalt  }
0x72: {  	_ =	shalt  }
0x73: {  	_ =	shalt  }
0x74: {  	_ =	shalt  }
0x75: {  	_ =	shalt  }
0x76: {  	_ =	shalt  }
0x77: {  	_ =	shalt  }
0x78: {  	_ =	shalt  }
0x79: {  	_ =	shalt  }
0x7a: {  	_ =	shalt  }
0x7b: {  	_ =	shalt  }
0x7c: {  	_ =	shalt  }
0x7d: {  	_ =	shalt  }
0x7e: {  	_ =	shalt  }
0x7f: {  	_ =	shalt  }
0x80: {  	_ =	shalt  }
0x81: {  	_ =	shalt  }
0x82: {  	_ =	shalt  }
0x83: {  	_ =	shalt  }
0x84: {  	_ =	shalt  }
0x85: {  	_ =	shalt  }
0x86: {  	_ =	shalt  }
0x87: {  	_ =	shalt  }
.Lfunc_end0:
.L_simem_size_0:
called_computation_lowered:
.L_overlay_start_0:
0x88: {  	s2 =	sld [smem:$0x3FD9]  }
0x89: {  	s3 =	sld [smem:$0x3FFE];
	_ =	sdelay $0x1  }
0x8a: {  	s1 =	srdreg.scid  }
0x8b: {  	s0 =	sand.u32 $0x1, s1  }
0x8c: {  	s18 =	sshll.u32 s0, $0xA;
	s2 =	sadd.s32 s3, s2  }
0x8d: {  	s2 =	sadd.s32 s2, s18  }
0x8e: {  	[smem:$0x3FC6] =	sst s2  }
0x8f: {  	_ = 	snop  }
0x90: {  	s2 =	sld [smem:$0x3FC9]  }
0x91: {  	s19 =	sld [smem:$0x3FC8]  }
0x92: {  	s4 =	sld [smem:$0x3FD0];
	(tm) =	ssettm $0x1  }
0x93: {  	s5 =	sld [smem:$0x3FFB];
	_ =	sdelay $0x3  }
0x94: {  	_ =	strace s5  }
0x95: {  	s5 =	sld [smem:$0x3FFC];
	_ =	sdelay $0x3  }
0x96: {  	_ =	strace s5  }
0x97: {  	s5 =	sld [smem:$0x3FFD];
	_ =	sdelay $0x3  }
0x98: {  	_ =	strace s5  }
0x99: {  	_ =	strace $0x8FFFFFFF  }
0x9a: {  	s20 =	sld [smem:$0x3FDB];
	_ =	sdelay $0x1  }
0x9b: {  	s6 =	simm.s32 $_scs_section_size  }
0x9c: {  	s7 =	simm.s32 $_size__tile_overlayer_lowered;
	s8 =	simm.s32 $_tile_overlayer_lowered  }
0x9d: {  	s23 =	simm.s32 $0x1BFF;
	s22 =	sshll.u32 s8, $0x1;
	s5 =	sadd.s32 s6, s20  }
0x9e: {  	s9 =	simm.s32 $0x0;
	s21 =	sshll.u32 s7, $0x1;
	s7 =	sadd.s32 s22, s5  }
0x9f: {  	[timem:s9], [sflag:s23] =	dma.local [hbm:s7], s21  }
0xa0: {  	_ =	swait.ge [sflag:s23], s21  }
0xa1: {  	s6 =	ssub.s32 $0x0, s21;
	[sflag:s23] =	ssyncset.done $0x0  }
0xa2: {  	[sflag:s23] =	ssyncadd.s32 s6;
	_ =	sdelay $0x1  }
0xa3: {  	s24 =	simm.s32 $0x1B8B  }
0xa4: {  	_ =	swait.ge [sflag:s24], $0x1  }
0xa5: {  	[sflag:s24] =	ssyncset.done $0x0  }
0xa6: {  	s25 =	simm.s32 $0x1B8E;
	[sflag:s24] =	ssyncadd.s32 $0xFFFFFFFF  }
0xa7: {  	s26 =	simm.s32 $execute0_lowered;
	[smem:$0x3FD2] =	sst s25  }
0xa8: {  	s6 =	sshll.u32 s26, $0x1;
	_ =	strace $0x80000046;
	[dreg:$0x1] =	wrdreg $0xFFFFFFFF  }
0xa9: {  	s28 =	simm.s32 $_size_execute0_lowered;
	s5 =	sadd.s32 s5, s6;
	[dreg:$0x0] =	wrdreg $0x0  }
0xaa: {  	s6 =	sshll.u32 s28, $0x1;
	[dreg:$0x2] =	wrdreg s5  }
0xab: {  	[dreg:$0x3] =	wrdreg s6  }
0xac: {  	[dreg:$0x4] =	wrdreg $0xC0  }
0xad: {  	_ =	task [dreg:s9], $0x5FFFF  }
0xae: {  	[dreg:$0x1] =	wrdreg $0xFFFFFFFF  }
0xaf: {  	[dreg:$0x0] =	wrdreg $0x60  }
0xb0: {  	[dreg:$0x2] =	wrdreg s2  }
0xb1: {  	[dreg:$0x3] =	wrdreg s19  }
0xb2: {  	[dreg:$0x4] =	wrdreg s4  }
0xb3: {  	[dreg:$0x5] =	wrdreg $0x9  }
0xb4: {  	_ =	task.clear_ibuf [dreg:s9], $0x6FFFF;
	_ =	strace $0x90000046  }
0xb5: {  	s29 =	simm.s32 $0x9;
	_ =	strace $0x80000048  }
0xb6: {  	_ =	swait.ge [sflag:s29], $0x1  }
0xb7: {  	[sflag:s29] =	ssyncadd.s32 $0xFFFFFFFF  }
0xb8: {  	_ =	strace $0x90000048  }
0xb9: {  	_ =	sfence  }
0xba: {  	s30 =	sld [smem:$0x0];
	_ =	sdelay $0x2  }
0xbb: {  	s31 =	sshll.u32 s1, $0xD;
	s1 =	sshrl.u32 s1, $0x2  }
0xbc: {  	s3 =	sand.u32 $0x4000, s31;
	s1 =	sadd.s32 s1, s30  }
0xbd: {  	s0 =	sor.u32 s3, s0;
	s1 =	sshll.u32 s1, $0x11  }
0xbe: {  	s0 =	sor.u32 s1, s0  }
0xbf: {  	s0 =	sadd.s32 $0x8F2B, s0  }
0xc0: {  	[sflag:s0] =	ssyncadd.remote.s32 $0x1  }
0xc1: {  	_ =	sfence.sel $0xFFFF  }
0xc2: {  	[dreg:$0x0] =	wrdreg $0xFFFFFFFF;
	(pc) =	sbr.abs _section_cstart, $3  }
0xc3: {  	[dreg:$0x1] =	wrdreg $0xFFFFFFFF  }
0xc4: {  	_ =	task.clear_ibuf [dreg:s9], $0x2FFFF;
	_ =	strace $0x9FFFFFFF  }
0xc5: {  	(tm) =	ssettm $0x7FFFFFFF  }
tec
execute0_lowered:
.L_overlay_start_1:
0x0: {  	(tag) =	ssettag $0x1  }
0x1: {  	s0 =	rddreg [dreg:$0x0]  }
0x2: {  	s2 =	rddreg [dreg:$0x1]  }
0x3: {  	s1 =	rddreg [dreg:$0x2]  }
0x4: {  	s3 =	srdreg.scid;
	s4 =	stileid.u32  }
0x5: {  	s6 =	simm.s32 $0x0;
	s21 =	simm.s32 $0xC200;
	s22 =	simm.s32 $0xD200  }
0x6: {  	s23 =	simm.s32 $0xE200;
	s24 =	simm.s32 $0xF200;
	s3 =	sand.u32 $0x1, s3  }
0x7: {  	s4 =	sshll.u32 s4, $0xA;
	[smem:$0x7FF] =	sst s6;
	s5 =	sshll.u32 s3, $0x9  }
0x8: {  	s3 =	ssub.s32 $0x2, s3;
	_ =	strace $0x80000047;
	s4 =	sor.u32 s5, s4  }
0x9: {  	v0 =	vlaneseq.u32;
	s28 =	sshrl.u32 s3, $0x1;
	s29 =	sshrl.u32 s4, $0x3;
	s30 =	sadd.s32 s1, s4  }
0xa: {  	v0 =	vmul.u32 $0x80, v0;
	s3 =	ssub.s32 s3, s28;
	s0 =	sadd.s32 s0, s29;
	[dreg:$0x4] =	wrdreg s30  }
0xb: {  	s25 =	simm.s32 $0x1;
	s31 =	smax.u32 s3, $0x1;
	[dreg:$0x5] =	wrdreg s0  }
0xc: {  	v1 =	vimm.s32 $0x0;
	s26 =	simm.s32 $0x10200;
	v2 =	vor.u32 $0x800, v0;
	s3 =	simm.s32 $0x0;
	[dreg:$0x6] =	wrdreg s31  }
.LBB2_1:
0xd: {  	[dreg:$0x7] =	wrdreg s3  }
0xe: {  	s1 =	simm.s32 $0x0;
	s0 =	rddreg [dreg:$0x5];
	s18 =	simm.s32 $0x2  }
0xf: {  	[tilespmem:s1], [sflag:$0x2] =	stream.linear.gather [hbm4b:s0+s1], $0x200, $0x38;
	[tilespmem:$0x11200] =	vst v63  }
0x10: {  	_ =	swait.ge [sflag:s18], $0x200  }
0x11: {  	[sflag:s18] =	ssyncset.done $0x0  }
0x12: {  	[sflag:s18] =	ssyncadd.s32 $0xFFFFFE00  }
0x13: {  	v3 =	vld [tilespmem:$0x0];
	_ =	sdelay $0x4  }
0x14: {  	v4 =	vshra.s32 v3, $0x1F;
	v5 =	vand.u32 $0x7F, v3  }
0x15: {  	vm0 =	vlt.s32 v3, $0x1;
	v4 =	vshrl.u32 v4, $0x19;
	vm1 =	vne.s32 v5, $0x0  }
0x16: {  	v3 =	vadd.s32 v4, v3;
	vm0 =	vmand vm0, vm1  }
0x17: {  	v3 =	vshrl.u32 v3, $0x7;
	v39 =	vsel vm0, $0xFFFFFFFF, v1  }
0x18: {  	v3 =	vadd.s32 v39, v3  }
0x19: {  	v3 =	vshll.u32 v3, $0x7  }
0x1a: {  	v3 =	vadd.s32 s2, v3  }
0x1b: {  	(v2sf) =	vpush v3, $0x0;
	_ =	sdelay $0x1  }
0x1c: {  	(v2sf) =	vpush v3, $0x1;
	_ =	sdelay $0x1  }
0x1d: {  	(v2sf) =	vpush v3, $0x2;
	_ =	sdelay $0x1  }
0x1e: {  	(v2sf) =	vpush v3, $0x3;
	_ =	sdelay $0x1  }
0x1f: {  	(v2sf) =	vpush v3, $0x4;
	_ =	sdelay $0x1  }
0x20: {  	(v2sf) =	vpush v3, $0x5;
	_ =	sdelay $0x1  }
0x21: {  	(v2sf) =	vpush v3, $0x6;
	_ =	sdelay $0x1  }
0x22: {  	s3 =	simm.s32 $0x400;
	(v2sf) =	vpush v3, $0x7  }
0x23: {  	s4 =	simm.s32 $0x7A1400;
	s5 =	simm.s32 $0x200;
	s19 =	spop (v2sf)  }
0x24: {  	(v2sf) =	vpush v3, $0x8;
	[tilespmem:s5], [sflag:$0x1] =	stream.strided.gather [hbm4b:s19+s3], $0x1000, s4, s3, $0x38;
	[tilespmem:$0x11200] =	vst v63  }
0x25: {  	s8 =	simm.s32 $0x1200;
	s20 =	spop (v2sf)  }
0x26: {  	(v2sf) =	vpush v3, $0x9;
	[tilespmem:s8], [sflag:$0x1] =	stream.strided.gather [hbm4b:s20+s3], $0x1000, s4, s3, $0x38;
	[tilespmem:$0x11200] =	vst v63  }
0x27: {  	s18 =	simm.s32 $0x2200;
	s28 =	spop (v2sf)  }
0x28: {  	(v2sf) =	vpush v3, $0xA;
	[tilespmem:s18], [sflag:$0x1] =	stream.strided.gather [hbm4b:s28+s3], $0x1000, s4, s3, $0x38;
	[tilespmem:$0x11200] =	vst v63  }
0x29: {  	s19 =	simm.s32 $0x3200;
	s6 =	spop (v2sf)  }
0x2a: {  	(v2sf) =	vpush v3, $0xB;
	[tilespmem:s19], [sflag:$0x1] =	stream.strided.gather [hbm4b:s6+s3], $0x1000, s4, s3, $0x38;
	[tilespmem:$0x11200] =	vst v63  }
0x2b: {  	s20 =	simm.s32 $0x4200;
	s7 =	spop (v2sf)  }
0x2c: {  	(v2sf) =	vpush v3, $0xC;
	[tilespmem:s20], [sflag:$0x1] =	stream.strided.gather [hbm4b:s7+s3], $0x1000, s4, s3, $0x38;
	[tilespmem:$0x11200] =	vst v63  }
0x2d: {  	s9 =	spop (v2sf);
	s28 =	simm.s32 $0x5200  }
0x2e: {  	(v2sf) =	vpush v3, $0xD;
	[tilespmem:s28], [sflag:$0x1] =	stream.strided.gather [hbm4b:s9+s3], $0x1000, s4, s3, $0x38;
	[tilespmem:$0x11200] =	vst v63  }
0x2f: {  	s29 =	simm.s32 $0x6200;
	s10 =	spop (v2sf)  }
0x30: {  	(v2sf) =	vpush v3, $0xE;
	[tilespmem:s29], [sflag:$0x1] =	stream.strided.gather [hbm4b:s10+s3], $0x1000, s4, s3, $0x38;
	[tilespmem:$0x11200] =	vst v63  }
0x31: {  	s30 =	simm.s32 $0x7200;
	s11 =	spop (v2sf)  }
0x32: {  	(v2sf) =	vpush v3, $0xF;
	[tilespmem:s30], [sflag:$0x1] =	stream.strided.gather [hbm4b:s11+s3], $0x1000, s4, s3, $0x38;
	[tilespmem:$0x11200] =	vst v63  }
0x33: {  	s31 =	simm.s32 $0x8200;
	s12 =	spop (v2sf)  }
0x34: {  	[tilespmem:s31], [sflag:$0x1] =	stream.strided.gather [hbm4b:s12+s3], $0x1000, s4, s3, $0x38;
	[tilespmem:$0x11200] =	vst v63  }
0x35: {  	s6 =	simm.s32 $0x9200;
	s13 =	spop (v2sf)  }
0x36: {  	[tilespmem:s6], [sflag:$0x1] =	stream.strided.gather [hbm4b:s13+s3], $0x1000, s4, s3, $0x38;
	[tilespmem:$0x11200] =	vst v63  }
0x37: {  	s15 =	simm.s32 $0xA200;
	s14 =	spop (v2sf)  }
0x38: {  	[tilespmem:s15], [sflag:$0x1] =	stream.strided.gather [hbm4b:s14+s3], $0x1000, s4, s3, $0x38;
	[tilespmem:$0x11200] =	vst v63  }
0x39: {  	s17 =	simm.s32 $0xB200;
	s16 =	spop (v2sf)  }
0x3a: {  	[tilespmem:s17], [sflag:$0x1] =	stream.strided.gather [hbm4b:s16+s3], $0x1000, s4, s3, $0x38;
	[tilespmem:$0x11200] =	vst v63  }
0x3b: {  	s7 =	spop (v2sf)  }
0x3c: {  	[tilespmem:s21], [sflag:$0x1] =	stream.strided.gather [hbm4b:s7+s3], $0x1000, s4, s3, $0x38;
	[tilespmem:$0x11200] =	vst v63  }
0x3d: {  	s9 =	spop (v2sf)  }
0x3e: {  	[tilespmem:s22], [sflag:$0x1] =	stream.strided.gather [hbm4b:s9+s3], $0x1000, s4, s3, $0x38;
	[tilespmem:$0x11200] =	vst v63  }
0x3f: {  	s12 =	simm.s32 $0x10;
	s10 =	spop (v2sf)  }
0x40: {  	[tilespmem:s23], [sflag:$0x1] =	stream.strided.gather [hbm4b:s10+s3], $0x1000, s4, s3, $0x38;
	[tilespmem:$0x11200] =	vst v63  }
0x41: {  	s0 =	sand.u32 $0x1F0, s12;
	s11 =	spop (v2sf)  }
0x42: {  	[tilespmem:s24], [sflag:$0x1] =	stream.strided.gather [hbm4b:s11+s3], $0x1000, s4, s3, $0x38;
	[tilespmem:$0x11200] =	vst v63  }
0x43: {  	v3 =	vld [tilespmem:s0+$0x0];
	_ =	sdelay $0x4  }
0x44: {  	v40 =	vshra.s32 v3, $0x1F;
	v41 =	vand.u32 $0x7F, v3  }
0x45: {  	vm14 =	vlt.s32 v3, $0x1;
	v4 =	vshrl.u32 v40, $0x19;
	vm15 =	vne.s32 v41, $0x0  }
0x46: {  	v3 =	vadd.s32 v4, v3;
	vm0 =	vmand vm14, vm15  }
0x47: {  	v3 =	vshrl.u32 v3, $0x7;
	v42 =	vsel vm0, $0xFFFFFFFF, v1  }
0x48: {  	v3 =	vadd.s32 v42, v3  }
0x49: {  	p0 =	por $0x0, $0x0;
	v4 =	vshll.u32 v3, $0x7  }
0x4a: {  	v3 =	vld [tilespmem:s1+$0x0];
	(v2sf) =	vpush @!p0 v4, $0x0  }
0x4b: {  	(v2sf) =	vpush @!p0 v4, $0x1;
	_ =	sdelay $0x1  }
0x4c: {  	(v2sf) =	vpush @!p0 v4, $0x2  }
0x4d: {  	(v2sf) =	vpush @!p0 v4, $0x3  }
0x4e: {  	v3 =	vand.u32 $0x7F, v3  }
0x4f: {  	(v2sf) =	vpush @!p0 v4, $0x4;
	v43 =	vbroadcast v3, $0x0  }
0x50: {  	(v2sf) =	vpush @!p0 v4, $0x5  }
0x51: {  	(v2sf) =	vpush @!p0 v4, $0x6;
	v6 =	vor.u32 v0, v43  }
0x52: {  	(v2sf) =	vpush @!p0 v4, $0x7;
	v5 =	vor.u32 v2, v43  }
0x53: {  	s0 =	sand.u32 $0x7, s1;
	_ =	swait.ge [sflag:s25], $0x1000  }
0x54: {  	s1 =	sshll.u32 s0, $0x4;
	(v2sf) =	vpush @!p0 v4, $0x8;
	[sflag:s25] =	ssyncset.done $0x0  }
0x55: {  	v7 =	vmov s1;
	[sflag:s25] =	ssyncadd.s32 $0xFFFFF000;
	(v2sf) =	vpush @!p0 v4, $0x9  }
0x56: {  	v8 =	vor.u32 v0, v7;
	(v2sf) =	vpush @!p0 v4, $0xA;
	v6 =	vld.idx.msk [tilespmem:v6+s5+$0x0], $0xffff  }
0x57: {  	v7 =	vor.u32 v2, v7;
	v5 =	vld.idx.msk [tilespmem:v5+s5+$0x0], $0xffff;
	(v2sf) =	vpush @!p0 v4, $0xB  }
0x58: {  	s3 =	simm.s32 @!p0 $0x7A1400;
	s5 =	simm.s32 @!p0 $0x200;
	(v2sf) =	vpush @!p0 v4, $0xC;
	s4 =	spop @!p0 (v2sf)  }
0x59: {  	v9 =	vbroadcast v3, $0x1;
	(v2sf) =	vpush @!p0 v4, $0xD;
	s6 =	sadd.s32 @!p0 s2, s4;
	s4 =	simm.s32 @!p0 $0x400;
	s7 =	spop @!p0 (v2sf)  }
0x5a: {  	[tilespmem:s5], [sflag:$0x1] =	stream.strided.gather @!p0 [hbm4b:s6+s4], $0x1000, s3, s4, $0x38;
	[tilespmem:$0x11200] =	vst v63  }
0x5b: {  	v44 =	vor.u32 v0, v9;
	(v2sf) =	vpush @!p0 v4, $0xE;
	s5 =	spop @!p0 (v2sf);
	[tilespmem:v8+s26+$0x0] =	vst.idx.msk $0xffff, v6  }
0x5c: {  	v45 =	vor.u32 v2, v9;
	(v2sf) =	vpush @!p0 v4, $0xF;
	s17 =	spop @!p0 (v2sf);
	[tilespmem:v7+s26+$0x0] =	vst.idx.msk $0xffff, v5  }
0x5d: {  	_ =	swait.ge [sflag:s25], $0x1000  }
0x5e: {  	s16 =	spop @!p0 (v2sf);
	[sflag:s25] =	ssyncset.done $0x0  }
0x5f: {  	s13 =	sor.u32 $0x1, s1;
	s15 =	spop @!p0 (v2sf);
	[sflag:s25] =	ssyncadd.s32 $0xFFFFF000  }
0x60: {  	s6 =	sadd.s32 @!p0 s2, s7;
	s7 =	simm.s32 @!p0 $0x1200;
	s14 =	spop @!p0 (v2sf);
	v4 =	vld.idx.msk [tilespmem:v44+s8+$0x0], $0xffff  }
0x61: {  	v46 =	vmov s13;
	v5 =	vld.idx.msk [tilespmem:v45+s8+$0x0], $0xffff;
	[tilespmem:s7], [sflag:$0x1] =	stream.strided.gather @!p0 [hbm4b:s6+s4], $0x1000, s3, s4, $0x38  }
0x62: {  	v47 =	vor.u32 v0, v46;
	s13 =	spop @!p0 (v2sf)  }
0x63: {  	v6 =	vor.u32 v2, v46;
	s12 =	spop @!p0 (v2sf)  }
0x64: {  	s11 =	spop @!p0 (v2sf)  }
0x65: {  	v48 =	vbroadcast v3, $0x2;
	s10 =	spop @!p0 (v2sf)  }
0x66: {  	s9 =	spop @!p0 (v2sf)  }
0x67: {  	v49 =	vor.u32 v0, v48;
	[tilespmem:v47+s26+$0x0] =	vst.idx.msk $0xffff, v4;
	s8 =	spop @!p0 (v2sf)  }
0x68: {  	v50 =	vor.u32 v2, v48;
	[tilespmem:v6+s26+$0x0] =	vst.idx.msk $0xffff, v5;
	s7 =	spop @!p0 (v2sf)  }
0x69: {  	_ =	swait.ge [sflag:s25], $0x1000  }
0x6a: {  	s6 =	sor.u32 $0x2, s1;
	[sflag:s25] =	ssyncset.done $0x0  }
0x6b: {  	v51 =	vmov s6;
	[sflag:s25] =	ssyncadd.s32 $0xFFFFF000  }
0x6c: {  	v52 =	vor.u32 v0, v51;
	v4 =	vld.idx.msk [tilespmem:v49+s18+$0x0], $0xffff  }
0x6d: {  	v6 =	vor.u32 v2, v51;
	v5 =	vld.idx.msk [tilespmem:v50+s18+$0x0], $0xffff;
	_ =	sdelay $0x1  }
0x6e: {  	v53 =	vbroadcast v3, $0x3;
	s5 =	sadd.s32 @!p0 s2, s5;
	s6 =	simm.s32 @!p0 $0x2200  }
0x6f: {  	[tilespmem:s6], [sflag:$0x1] =	stream.strided.gather @!p0 [hbm4b:s5+s4], $0x1000, s3, s4, $0x38;
	[tilespmem:$0x11200] =	vst v63  }
0x70: {  	v54 =	vor.u32 v0, v53;
	s6 =	spop @!p0 (v2sf);
	[tilespmem:v52+s26+$0x0] =	vst.idx.msk $0xffff, v4  }
0x71: {  	v55 =	vor.u32 v2, v53;
	s5 =	spop @!p0 (v2sf);
	[tilespmem:v6+s26+$0x0] =	vst.idx.msk $0xffff, v5  }
0x72: {  	_ =	swait.ge [sflag:s25], $0x1000  }
0x73: {  	s18 =	sor.u32 $0x3, s1;
	[sflag:s25] =	ssyncset.done $0x0  }
0x74: {  	v56 =	vmov s18;
	[sflag:s25] =	ssyncadd.s32 $0xFFFFF000  }
0x75: {  	v57 =	vor.u32 v0, v56;
	v4 =	vld.idx.msk [tilespmem:v54+s19+$0x0], $0xffff  }
0x76: {  	v6 =	vor.u32 v2, v56;
	v5 =	vld.idx.msk [tilespmem:v55+s19+$0x0], $0xffff;
	_ =	sdelay $0x1  }
0x77: {  	v58 =	vbroadcast v3, $0x4;
	s17 =	sadd.s32 @!p0 s2, s17;
	s18 =	simm.s32 @!p0 $0x3200  }
0x78: {  	[tilespmem:s18], [sflag:$0x1] =	stream.strided.gather @!p0 [hbm4b:s17+s4], $0x1000, s3, s4, $0x38;
	[tilespmem:$0x11200] =	vst v63  }
0x79: {  	v59 =	vor.u32 v0, v58;
	[tilespmem:v57+s26+$0x0] =	vst.idx.msk $0xffff, v4  }
0x7a: {  	v60 =	vor.u32 v2, v58;
	[tilespmem:v6+s26+$0x0] =	vst.idx.msk $0xffff, v5  }
0x7b: {  	_ =	swait.ge [sflag:s25], $0x1000  }
0x7c: {  	s19 =	sor.u32 $0x4, s1;
	[sflag:s25] =	ssyncset.done $0x0  }
0x7d: {  	v61 =	vmov s19;
	[sflag:s25] =	ssyncadd.s32 $0xFFFFF000  }
0x7e: {  	v62 =	vor.u32 v0, v61;
	v4 =	vld.idx.msk [tilespmem:v59+s20+$0x0], $0xffff  }
0x7f: {  	v6 =	vor.u32 v2, v61;
	v5 =	vld.idx.msk [tilespmem:v60+s20+$0x0], $0xffff;
	_ =	sdelay $0x1  }
0x80: {  	v63 =	vbroadcast v3, $0x5;
	s16 =	sadd.s32 @!p0 s2, s16;
	s17 =	simm.s32 @!p0 $0x4200  }
0x81: {  	[tilespmem:s17], [sflag:$0x1] =	stream.strided.gather @!p0 [hbm4b:s16+s4], $0x1000, s3, s4, $0x38;
	[tilespmem:$0x11200] =	vst v63  }
0x82: {  	v12 =	vor.u32 v0, v63;
	[tilespmem:v62+s26+$0x0] =	vst.idx.msk $0xffff, v4  }
0x83: {  	v13 =	vor.u32 v2, v63;
	[tilespmem:v6+s26+$0x0] =	vst.idx.msk $0xffff, v5  }
0x84: {  	_ =	swait.ge [sflag:s25], $0x1000  }
0x85: {  	s18 =	sor.u32 $0x5, s1;
	[sflag:s25] =	ssyncset.done $0x0  }
0x86: {  	v14 =	vmov s18;
	[sflag:s25] =	ssyncadd.s32 $0xFFFFF000  }
0x87: {  	v15 =	vor.u32 v0, v14;
	v4 =	vld.idx.msk [tilespmem:v12+s28+$0x0], $0xffff  }
0x88: {  	v6 =	vor.u32 v2, v14;
	v5 =	vld.idx.msk [tilespmem:v13+s28+$0x0], $0xffff;
	_ =	sdelay $0x1  }
0x89: {  	v16 =	vbroadcast v3, $0x6;
	s15 =	sadd.s32 @!p0 s2, s15;
	s16 =	simm.s32 @!p0 $0x5200  }
0x8a: {  	[tilespmem:s16], [sflag:$0x1] =	stream.strided.gather @!p0 [hbm4b:s15+s4], $0x1000, s3, s4, $0x38;
	[tilespmem:$0x11200] =	vst v63  }
0x8b: {  	v17 =	vor.u32 v0, v16;
	[tilespmem:v15+s26+$0x0] =	vst.idx.msk $0xffff, v4  }
0x8c: {  	v18 =	vor.u32 v2, v16;
	[tilespmem:v6+s26+$0x0] =	vst.idx.msk $0xffff, v5  }
0x8d: {  	_ =	swait.ge [sflag:s25], $0x1000  }
0x8e: {  	s19 =	sor.u32 $0x6, s1;
	[sflag:s25] =	ssyncset.done $0x0  }
0x8f: {  	v19 =	vmov s19;
	[sflag:s25] =	ssyncadd.s32 $0xFFFFF000  }
0x90: {  	v20 =	vor.u32 v0, v19;
	v4 =	vld.idx.msk [tilespmem:v17+s29+$0x0], $0xffff  }
0x91: {  	v6 =	vor.u32 v2, v19;
	v5 =	vld.idx.msk [tilespmem:v18+s29+$0x0], $0xffff;
	_ =	sdelay $0x1  }
0x92: {  	v21 =	vbroadcast v3, $0x7;
	s14 =	sadd.s32 @!p0 s2, s14;
	s15 =	simm.s32 @!p0 $0x6200  }
0x93: {  	[tilespmem:s15], [sflag:$0x1] =	stream.strided.gather @!p0 [hbm4b:s14+s4], $0x1000, s3, s4, $0x38;
	[tilespmem:$0x11200] =	vst v63  }
0x94: {  	v22 =	vor.u32 v0, v21;
	[tilespmem:v20+s26+$0x0] =	vst.idx.msk $0xffff, v4  }
0x95: {  	v23 =	vor.u32 v2, v21;
	[tilespmem:v6+s26+$0x0] =	vst.idx.msk $0xffff, v5  }
0x96: {  	_ =	swait.ge [sflag:s25], $0x1000  }
0x97: {  	s20 =	sor.u32 $0x7, s1;
	[sflag:s25] =	ssyncset.done $0x0  }
0x98: {  	v24 =	vmov s20;
	[sflag:s25] =	ssyncadd.s32 $0xFFFFF000  }
0x99: {  	v25 =	vor.u32 v0, v24;
	v4 =	vld.idx.msk [tilespmem:v22+s30+$0x0], $0xffff  }
0x9a: {  	v6 =	vor.u32 v2, v24;
	v5 =	vld.idx.msk [tilespmem:v23+s30+$0x0], $0xffff;
	_ =	sdelay $0x1  }
0x9b: {  	v26 =	vbroadcast v3, $0x8;
	s13 =	sadd.s32 @!p0 s2, s13;
	s14 =	simm.s32 @!p0 $0x7200  }
0x9c: {  	[tilespmem:s14], [sflag:$0x1] =	stream.strided.gather @!p0 [hbm4b:s13+s4], $0x1000, s3, s4, $0x38;
	[tilespmem:$0x11200] =	vst v63  }
0x9d: {  	v27 =	vor.u32 v0, v26;
	[tilespmem:v25+s26+$0x0] =	vst.idx.msk $0xffff, v4  }
0x9e: {  	v28 =	vor.u32 v2, v26;
	[tilespmem:v6+s26+$0x0] =	vst.idx.msk $0xffff, v5  }
0x9f: {  	_ =	swait.ge [sflag:s25], $0x1000  }
0xa0: {  	s28 =	sor.u32 $0x8, s1;
	[sflag:s25] =	ssyncset.done $0x0  }
0xa1: {  	v29 =	vmov s28;
	[sflag:s25] =	ssyncadd.s32 $0xFFFFF000  }
0xa2: {  	v30 =	vor.u32 v0, v29;
	v4 =	vld.idx.msk [tilespmem:v27+s31+$0x0], $0xffff  }
0xa3: {  	v6 =	vor.u32 v2, v29;
	v5 =	vld.idx.msk [tilespmem:v28+s31+$0x0], $0xffff;
	_ =	sdelay $0x1  }
0xa4: {  	v31 =	vbroadcast v3, $0x9;
	s12 =	sadd.s32 @!p0 s2, s12;
	s13 =	simm.s32 @!p0 $0x8200  }
0xa5: {  	[tilespmem:s13], [sflag:$0x1] =	stream.strided.gather @!p0 [hbm4b:s12+s4], $0x1000, s3, s4, $0x38;
	[tilespmem:$0x11200] =	vst v63  }
0xa6: {  	v32 =	vor.u32 v0, v31;
	[tilespmem:v30+s26+$0x0] =	vst.idx.msk $0xffff, v4  }
0xa7: {  	v33 =	vor.u32 v2, v31;
	[tilespmem:v6+s26+$0x0] =	vst.idx.msk $0xffff, v5  }
0xa8: {  	_ =	swait.ge [sflag:s25], $0x1000  }
0xa9: {  	s13 =	sor.u32 $0x9, s1;
	[sflag:s25] =	ssyncset.done $0x0  }
0xaa: {  	s14 =	simm.s32 $0x9200;
	v34 =	vmov s13;
	[sflag:s25] =	ssyncadd.s32 $0xFFFFF000  }
0xab: {  	v35 =	vor.u32 v0, v34;
	v4 =	vld.idx.msk [tilespmem:v32+s14+$0x0], $0xffff  }
0xac: {  	v6 =	vor.u32 v2, v34;
	v5 =	vld.idx.msk [tilespmem:v33+s14+$0x0], $0xffff;
	_ =	sdelay $0x1  }
0xad: {  	v36 =	vbroadcast v3, $0xA;
	s11 =	sadd.s32 @!p0 s2, s11;
	s12 =	simm.s32 @!p0 $0x9200  }
0xae: {  	[tilespmem:s12], [sflag:$0x1] =	stream.strided.gather @!p0 [hbm4b:s11+s4], $0x1000, s3, s4, $0x38;
	[tilespmem:$0x11200] =	vst v63  }
0xaf: {  	v37 =	vor.u32 v0, v36;
	[tilespmem:v35+s26+$0x0] =	vst.idx.msk $0xffff, v4  }
0xb0: {  	v38 =	vor.u32 v2, v36;
	[tilespmem:v6+s26+$0x0] =	vst.idx.msk $0xffff, v5  }
0xb1: {  	_ =	swait.ge [sflag:s25], $0x1000  }
0xb2: {  	s15 =	sor.u32 $0xA, s1;
	[sflag:s25] =	ssyncset.done $0x0  }
0xb3: {  	s16 =	simm.s32 $0xA200;
	v39 =	vmov s15;
	[sflag:s25] =	ssyncadd.s32 $0xFFFFF000  }
0xb4: {  	v40 =	vor.u32 v0, v39;
	v4 =	vld.idx.msk [tilespmem:v37+s16+$0x0], $0xffff  }
0xb5: {  	v6 =	vor.u32 v2, v39;
	v5 =	vld.idx.msk [tilespmem:v38+s16+$0x0], $0xffff;
	_ =	sdelay $0x1  }
0xb6: {  	v41 =	vbroadcast v3, $0xB;
	s10 =	sadd.s32 @!p0 s2, s10;
	s11 =	simm.s32 @!p0 $0xA200  }
0xb7: {  	[tilespmem:s11], [sflag:$0x1] =	stream.strided.gather @!p0 [hbm4b:s10+s4], $0x1000, s3, s4, $0x38;
	[tilespmem:$0x11200] =	vst v63  }
0xb8: {  	v42 =	vor.u32 v0, v41;
	[tilespmem:v40+s26+$0x0] =	vst.idx.msk $0xffff, v4  }
0xb9: {  	v43 =	vor.u32 v2, v41;
	[tilespmem:v6+s26+$0x0] =	vst.idx.msk $0xffff, v5  }
0xba: {  	_ =	swait.ge [sflag:s25], $0x1000  }
0xbb: {  	s17 =	sor.u32 $0xB, s1;
	[sflag:s25] =	ssyncset.done $0x0  }
0xbc: {  	s18 =	simm.s32 $0xB200;
	v44 =	vmov s17;
	[sflag:s25] =	ssyncadd.s32 $0xFFFFF000  }
0xbd: {  	v45 =	vor.u32 v0, v44;
	v4 =	vld.idx.msk [tilespmem:v42+s18+$0x0], $0xffff  }
0xbe: {  	v6 =	vor.u32 v2, v44;
	v5 =	vld.idx.msk [tilespmem:v43+s18+$0x0], $0xffff;
	_ =	sdelay $0x1  }
0xbf: {  	v46 =	vbroadcast v3, $0xC;
	s9 =	sadd.s32 @!p0 s2, s9;
	s10 =	simm.s32 @!p0 $0xB200  }
0xc0: {  	[tilespmem:s10], [sflag:$0x1] =	stream.strided.gather @!p0 [hbm4b:s9+s4], $0x1000, s3, s4, $0x38;
	[tilespmem:$0x11200] =	vst v63  }
0xc1: {  	v47 =	vor.u32 v0, v46;
	[tilespmem:v45+s26+$0x0] =	vst.idx.msk $0xffff, v4  }
0xc2: {  	v48 =	vor.u32 v2, v46;
	[tilespmem:v6+s26+$0x0] =	vst.idx.msk $0xffff, v5  }
0xc3: {  	_ =	swait.ge [sflag:s25], $0x1000  }
0xc4: {  	s19 =	sor.u32 $0xC, s1;
	[sflag:s25] =	ssyncset.done $0x0  }
0xc5: {  	v49 =	vmov s19;
	[sflag:s25] =	ssyncadd.s32 $0xFFFFF000  }
0xc6: {  	v50 =	vor.u32 v0, v49;
	v4 =	vld.idx.msk [tilespmem:v47+s21+$0x0], $0xffff  }
0xc7: {  	v6 =	vor.u32 v2, v49;
	v5 =	vld.idx.msk [tilespmem:v48+s21+$0x0], $0xffff;
	_ =	sdelay $0x1  }
0xc8: {  	v51 =	vbroadcast v3, $0xD;
	s8 =	sadd.s32 @!p0 s2, s8;
	s9 =	simm.s32 @!p0 $0xC200  }
0xc9: {  	[tilespmem:s9], [sflag:$0x1] =	stream.strided.gather @!p0 [hbm4b:s8+s4], $0x1000, s3, s4, $0x38;
	[tilespmem:$0x11200] =	vst v63  }
0xca: {  	v52 =	vor.u32 v0, v51;
	[tilespmem:v50+s26+$0x0] =	vst.idx.msk $0xffff, v4  }
0xcb: {  	v53 =	vor.u32 v2, v51;
	[tilespmem:v6+s26+$0x0] =	vst.idx.msk $0xffff, v5  }
0xcc: {  	_ =	swait.ge [sflag:s25], $0x1000  }
0xcd: {  	s20 =	sor.u32 $0xD, s1;
	[sflag:s25] =	ssyncset.done $0x0  }
0xce: {  	v54 =	vmov s20;
	[sflag:s25] =	ssyncadd.s32 $0xFFFFF000  }
0xcf: {  	v55 =	vor.u32 v0, v54;
	v4 =	vld.idx.msk [tilespmem:v52+s22+$0x0], $0xffff  }
0xd0: {  	v6 =	vor.u32 v2, v54;
	v5 =	vld.idx.msk [tilespmem:v53+s22+$0x0], $0xffff;
	_ =	sdelay $0x1  }
0xd1: {  	s7 =	sadd.s32 @!p0 s2, s7;
	v56 =	vbroadcast v3, $0xE;
	s8 =	simm.s32 @!p0 $0xD200  }
0xd2: {  	[tilespmem:s8], [sflag:$0x1] =	stream.strided.gather @!p0 [hbm4b:s7+s4], $0x1000, s3, s4, $0x38;
	[tilespmem:$0x11200] =	vst v63  }
0xd3: {  	v57 =	vor.u32 v0, v56;
	[tilespmem:v55+s26+$0x0] =	vst.idx.msk $0xffff, v4  }
0xd4: {  	v58 =	vor.u32 v2, v56;
	[tilespmem:v6+s26+$0x0] =	vst.idx.msk $0xffff, v5  }
0xd5: {  	_ =	swait.ge [sflag:s25], $0x1000  }
0xd6: {  	s28 =	sor.u32 $0xE, s1;
	[sflag:s25] =	ssyncset.done $0x0  }
0xd7: {  	v59 =	vmov s28;
	[sflag:s25] =	ssyncadd.s32 $0xFFFFF000  }
0xd8: {  	v60 =	vor.u32 v0, v59;
	v4 =	vld.idx.msk [tilespmem:v57+s23+$0x0], $0xffff  }
0xd9: {  	v6 =	vor.u32 v2, v59;
	v5 =	vld.idx.msk [tilespmem:v58+s23+$0x0], $0xffff;
	_ =	sdelay $0x1  }
0xda: {  	s6 =	sadd.s32 @!p0 s2, s6;
	v3 =	vbroadcast v3, $0xF;
	s7 =	simm.s32 @!p0 $0xE200  }
0xdb: {  	[tilespmem:s7], [sflag:$0x1] =	stream.strided.gather @!p0 [hbm4b:s6+s4], $0x1000, s3, s4, $0x38;
	[tilespmem:$0x11200] =	vst v63  }
0xdc: {  	v61 =	vor.u32 v0, v3;
	[tilespmem:v60+s26+$0x0] =	vst.idx.msk $0xffff, v4  }
0xdd: {  	v3 =	vor.u32 v2, v3;
	[tilespmem:v6+s26+$0x0] =	vst.idx.msk $0xffff, v5  }
0xde: {  	_ =	swait.ge [sflag:s25], $0x1000  }
0xdf: {  	s1 =	sor.u32 $0xF, s1;
	[sflag:s25] =	ssyncset.done $0x0  }
0xe0: {  	v62 =	vmov s1;
	[sflag:s25] =	ssyncadd.s32 $0xFFFFF000  }
0xe1: {  	v63 =	vor.u32 v0, v62;
	v4 =	vld.idx.msk [tilespmem:v61+s24+$0x0], $0xffff  }
0xe2: {  	v5 =	vor.u32 v2, v62;
	v3 =	vld.idx.msk [tilespmem:v3+s24+$0x0], $0xffff  }
0xe3: {  	p1 =	sne.s32 s0, $0x7;
	s1 =	sadd.s32 @!p0 s2, s5;
	s5 =	simm.s32 @!p0 $0xF200  }
0xe4: {  	[tilespmem:s5], [sflag:$0x1] =	stream.strided.gather @!p0 [hbm4b:s1+s4], $0x1000, s3, s4, $0x38;
	[tilespmem:$0x11200] =	vst v63  }
0xe5: {  	s0 =	rddreg [dreg:$0x4];
	s3 =	simm.s32 @!p1 $0x0  }
0xe6: {  	s1 =	simm.s32 @!p1 $0x2;
	s4 =	simm.s32 @!p1 $0x10200;
	s3 =	sand.u32 @!p1 $0x180, s3;
	[tilespmem:v63+s26+$0x0] =	vst.idx.msk $0xffff, v4  }
0xe7: {  	s5 =	simm.s32 @!p1 $0x20000;
	s0 =	sadd.s32 @!p1 s3, s0;
	s3 =	simm.s32 @!p1 $0x400;
	[tilespmem:v5+s26+$0x0] =	vst.idx.msk $0xffff, v3  }
0xe8: {  	[hbm4b:s0+s3] =	stream.strided.scatter @!p1 [tilespmem:s4], [sflag:$0x2], $0x1000, s5, s3, $0x38;
	[tilespmem:$0x11200] =	vst v63  }
0xe9: {  	s29 =	simm.s32 $0x20;
	s30 =	simm.s32 $0x1;
	_ =	swait.ge @!p1 [sflag:s1], $0x1000  }
0xea: {  	s31 =	simm.s32 $0x10;
	s0 =	simm.s32 $0x2;
	[sflag:s1] =	ssyncset.done @!p1 $0x0  }
.LBB2_2:
0xeb: {  	s4 =	sand.u32 $0x1F0, s29;
	[sflag:s1] =	ssyncadd.s32 @!p1 $0xFFFFF000  }
0xec: {  	v3 =	vld [tilespmem:s4+$0x0];
	_ =	sdelay $0x4  }
0xed: {  	v5 =	vshra.s32 v3, $0x1F;
	v6 =	vand.u32 $0x7F, v3  }
0xee: {  	vm0 =	vlt.s32 v3, $0x1;
	v5 =	vshrl.u32 v5, $0x19;
	vm1 =	vne.s32 v6, $0x0  }
0xef: {  	v3 =	vadd.s32 v5, v3;
	vm0 =	vmand vm0, vm1  }
0xf0: {  	v3 =	vshrl.u32 v3, $0x7;
	v50 =	vsel vm0, $0xFFFFFFFF, v1  }
0xf1: {  	v3 =	vadd.s32 v50, v3  }
0xf2: {  	p1 =	seq.s32 s30, $0x1F;
	v10 =	vshll.u32 v3, $0x7  }
0xf3: {  	v4 =	vld [tilespmem:s31+$0x0];
	(v2sf) =	vpush @!p1 v10, $0x0  }
0xf4: {  	(v2sf) =	vpush @!p1 v10, $0x1;
	_ =	sdelay $0x1  }
0xf5: {  	(v2sf) =	vpush @!p1 v10, $0x2  }
0xf6: {  	(v2sf) =	vpush @!p1 v10, $0x3  }
0xf7: {  	v49 =	vand.u32 $0x7F, v4  }
0xf8: {  	v51 =	vbroadcast v49, $0x0;
	(v2sf) =	vpush @!p1 v10, $0x4  }
0xf9: {  	(v2sf) =	vpush @!p1 v10, $0x5  }
0xfa: {  	v12 =	vor.u32 v0, v51;
	(v2sf) =	vpush @!p1 v10, $0x6  }
0xfb: {  	s3 =	smov.u32 s0;
	v14 =	vor.u32 v2, v51;
	(v2sf) =	vpush @!p1 v10, $0x7  }
0xfc: {  	s1 =	sand.u32 $0x7, s30;
	s7 =	simm.s32 $0x200;
	_ =	swait.ge [sflag:s25], $0x1000  }
0xfd: {  	s30 =	smov.u32 s3;
	s16 =	sshll.u32 s1, $0x4;
	(v2sf) =	vpush @!p1 v10, $0x8;
	[sflag:s25] =	ssyncset.done $0x0  }
0xfe: {  	s4 =	simm.s32 @!p1 $0x7A1400;
	s12 =	simm.s32 @!p1 $0x200;
	v52 =	vmov s16;
	[sflag:s25] =	ssyncadd.s32 $0xFFFFF000;
	(v2sf) =	vpush @!p1 v10, $0x9  }
0xff: {  	s18 =	sor.u32 $0x1, s16;
	s5 =	sor.u32 $0x2, s16;
	s6 =	sor.u32 $0x3, s16;
	v16 =	vor.u32 v0, v52;
	v12 =	vld.idx.msk [tilespmem:v12+s7+$0x0], $0xffff;
	(v2sf) =	vpush @!p1 v10, $0xA  }
0x100: {  	s14 =	sor.u32 $0x4, s16;
	s19 =	sor.u32 $0x5, s16;
	s8 =	sor.u32 $0x6, s16;
	v6 =	vor.u32 v2, v52;
	v14 =	vld.idx.msk [tilespmem:v14+s7+$0x0], $0xffff;
	(v2sf) =	vpush @!p1 v10, $0xB  }
0x101: {  	s10 =	sor.u32 $0x7, s16;
	s9 =	sor.u32 $0x8, s16;
	v28 =	vmov s5;
	(v2sf) =	vpush @!p1 v10, $0xC;
	s5 =	spop @!p1 (v2sf)  }
0x102: {  	v29 =	vmov s6;
	v8 =	vbroadcast v49, $0x1;
	(v2sf) =	vpush @!p1 v10, $0xD;
	s6 =	sadd.s32 @!p1 s2, s5;
	s5 =	simm.s32 @!p1 $0x400;
	s7 =	spop @!p1 (v2sf)  }
0x103: {  	[tilespmem:s12], [sflag:$0x1] =	stream.strided.gather @!p1 [hbm4b:s6+s5], $0x1000, s4, s5, $0x38;
	[tilespmem:$0x11200] =	vst v63  }
0x104: {  	s11 =	sor.u32 $0x9, s16;
	s20 =	sor.u32 $0xA, s16;
	v24 =	vmov s19;
	v30 =	vor.u32 v0, v8;
	(v2sf) =	vpush @!p1 v10, $0xE;
	s19 =	spop @!p1 (v2sf);
	[tilespmem:v16+s26+$0x0] =	vst.idx.msk $0xffff, v12  }
0x105: {  	s28 =	sor.u32 $0xB, s16;
	s3 =	sor.u32 $0xF, s16;
	v27 =	vmov s18;
	v31 =	vor.u32 v2, v8;
	(v2sf) =	vpush @!p1 v10, $0xF;
	s18 =	spop @!p1 (v2sf);
	[tilespmem:v6+s26+$0x0] =	vst.idx.msk $0xffff, v14  }
0x106: {  	v23 =	vmov s8;
	v21 =	vmov s10;
	s8 =	sor.u32 $0xC, s16;
	s10 =	sor.u32 $0xD, s16;
	_ =	swait.ge [sflag:s25], $0x1000  }
0x107: {  	v18 =	vmov s11;
	s11 =	sor.u32 $0xE, s16;
	s17 =	spop @!p1 (v2sf);
	[sflag:s25] =	ssyncset.done $0x0  }
0x108: {  	s12 =	simm.s32 $0x1200;
	s16 =	spop @!p1 (v2sf);
	[sflag:s25] =	ssyncadd.s32 $0xFFFFF000  }
0x109: {  	s6 =	simm.s32 @!p1 $0x1200;
	v6 =	vmov s3;
	s3 =	sadd.s32 @!p1 s2, s7;
	s15 =	spop @!p1 (v2sf);
	v30 =	vld.idx.msk [tilespmem:v30+s12+$0x0], $0xffff  }
0x10a: {  	v31 =	vld.idx.msk [tilespmem:v31+s12+$0x0], $0xffff;
	[tilespmem:s6], [sflag:$0x1] =	stream.strided.gather @!p1 [hbm4b:s3+s5], $0x1000, s4, s5, $0x38  }
0x10b: {  	v32 =	vor.u32 v0, v27;
	s13 =	spop @!p1 (v2sf)  }
0x10c: {  	v27 =	vor.u32 v2, v27;
	s7 =	spop @!p1 (v2sf)  }
0x10d: {  	v8 =	vmov s11;
	s11 =	spop @!p1 (v2sf)  }
0x10e: {  	v26 =	vbroadcast v49, $0x2;
	v10 =	vmov s10;
	s10 =	spop @!p1 (v2sf)  }
0x10f: {  	v12 =	vmov s8;
	s8 =	spop @!p1 (v2sf)  }
0x110: {  	v55 =	vor.u32 v0, v26;
	s12 =	sadd.s32 @!p1 s2, s7;
	[tilespmem:v32+s26+$0x0] =	vst.idx.msk $0xffff, v30;
	s7 =	spop @!p1 (v2sf)  }
0x111: {  	v54 =	vmov s28;
	v26 =	vor.u32 v2, v26;
	[tilespmem:v27+s26+$0x0] =	vst.idx.msk $0xffff, v31;
	s28 =	spop @!p1 (v2sf)  }
0x112: {  	_ =	swait.ge [sflag:s25], $0x1000  }
0x113: {  	[sflag:s25] =	ssyncset.done $0x0  }
0x114: {  	v53 =	vmov s20;
	s20 =	simm.s32 $0x2200;
	[sflag:s25] =	ssyncadd.s32 $0xFFFFF000  }
0x115: {  	v57 =	vor.u32 v0, v28;
	v56 =	vld.idx.msk [tilespmem:v55+s20+$0x0], $0xffff  }
0x116: {  	v28 =	vor.u32 v2, v28;
	v26 =	vld.idx.msk [tilespmem:v26+s20+$0x0], $0xffff;
	_ =	sdelay $0x1  }
0x117: {  	v25 =	vbroadcast v49, $0x3;
	s19 =	sadd.s32 @!p1 s2, s19;
	s20 =	simm.s32 @!p1 $0x2200  }
0x118: {  	[tilespmem:s20], [sflag:$0x1] =	stream.strided.gather @!p1 [hbm4b:s19+s5], $0x1000, s4, s5, $0x38;
	[tilespmem:$0x11200] =	vst v63  }
0x119: {  	v58 =	vor.u32 v0, v25;
	s6 =	spop @!p1 (v2sf);
	[tilespmem:v57+s26+$0x0] =	vst.idx.msk $0xffff, v56  }
0x11a: {  	v25 =	vor.u32 v2, v25;
	s3 =	spop @!p1 (v2sf);
	[tilespmem:v28+s26+$0x0] =	vst.idx.msk $0xffff, v26  }
0x11b: {  	_ =	swait.ge [sflag:s25], $0x1000  }
0x11c: {  	[sflag:s25] =	ssyncset.done $0x0  }
0x11d: {  	s20 =	simm.s32 $0x3200;
	[sflag:s25] =	ssyncadd.s32 $0xFFFFF000  }
0x11e: {  	v60 =	vor.u32 v0, v29;
	v59 =	vld.idx.msk [tilespmem:v58+s20+$0x0], $0xffff  }
0x11f: {  	v61 =	vor.u32 v2, v29;
	v25 =	vld.idx.msk [tilespmem:v25+s20+$0x0], $0xffff;
	_ =	sdelay $0x1  }
0x120: {  	v22 =	vbroadcast v49, $0x4;
	s18 =	sadd.s32 @!p1 s2, s18;
	s19 =	simm.s32 @!p1 $0x3200  }
0x121: {  	[tilespmem:s19], [sflag:$0x1] =	stream.strided.gather @!p1 [hbm4b:s18+s5], $0x1000, s4, s5, $0x38;
	[tilespmem:$0x11200] =	vst v63  }
0x122: {  	v62 =	vor.u32 v0, v22;
	[tilespmem:v60+s26+$0x0] =	vst.idx.msk $0xffff, v59  }
0x123: {  	v22 =	vor.u32 v2, v22;
	[tilespmem:v61+s26+$0x0] =	vst.idx.msk $0xffff, v25  }
0x124: {  	_ =	swait.ge [sflag:s25], $0x1000  }
0x125: {  	[sflag:s25] =	ssyncset.done $0x0  }
0x126: {  	v63 =	vmov s14;
	s18 =	simm.s32 $0x4200;
	[sflag:s25] =	ssyncadd.s32 $0xFFFFF000  }
0x127: {  	v30 =	vor.u32 v0, v63;
	v26 =	vld.idx.msk [tilespmem:v62+s18+$0x0], $0xffff  }
0x128: {  	v25 =	vor.u32 v2, v63;
	v22 =	vld.idx.msk [tilespmem:v22+s18+$0x0], $0xffff;
	_ =	sdelay $0x1  }
0x129: {  	v20 =	vbroadcast v49, $0x5;
	s14 =	sadd.s32 @!p1 s2, s17;
	s17 =	simm.s32 @!p1 $0x4200  }
0x12a: {  	[tilespmem:s17], [sflag:$0x1] =	stream.strided.gather @!p1 [hbm4b:s14+s5], $0x1000, s4, s5, $0x38;
	[tilespmem:$0x11200] =	vst v63  }
0x12b: {  	v31 =	vor.u32 v0, v20;
	[tilespmem:v30+s26+$0x0] =	vst.idx.msk $0xffff, v26  }
0x12c: {  	v20 =	vor.u32 v2, v20;
	[tilespmem:v25+s26+$0x0] =	vst.idx.msk $0xffff, v22  }
0x12d: {  	_ =	swait.ge [sflag:s25], $0x1000  }
0x12e: {  	[sflag:s25] =	ssyncset.done $0x0  }
0x12f: {  	s19 =	simm.s32 $0x5200;
	[sflag:s25] =	ssyncadd.s32 $0xFFFFF000  }
0x130: {  	v33 =	vor.u32 v0, v24;
	v32 =	vld.idx.msk [tilespmem:v31+s19+$0x0], $0xffff  }
0x131: {  	v24 =	vor.u32 v2, v24;
	v20 =	vld.idx.msk [tilespmem:v20+s19+$0x0], $0xffff;
	_ =	sdelay $0x1  }
0x132: {  	v19 =	vbroadcast v49, $0x6;
	s14 =	sadd.s32 @!p1 s2, s16;
	s16 =	simm.s32 @!p1 $0x5200  }
0x133: {  	[tilespmem:s16], [sflag:$0x1] =	stream.strided.gather @!p1 [hbm4b:s14+s5], $0x1000, s4, s5, $0x38;
	[tilespmem:$0x11200] =	vst v63  }
0x134: {  	v34 =	vor.u32 v0, v19;
	[tilespmem:v33+s26+$0x0] =	vst.idx.msk $0xffff, v32  }
0x135: {  	v19 =	vor.u32 v2, v19;
	[tilespmem:v24+s26+$0x0] =	vst.idx.msk $0xffff, v20  }
0x136: {  	_ =	swait.ge [sflag:s25], $0x1000  }
0x137: {  	[sflag:s25] =	ssyncset.done $0x0  }
0x138: {  	s20 =	simm.s32 $0x6200;
	[sflag:s25] =	ssyncadd.s32 $0xFFFFF000  }
0x139: {  	v36 =	vor.u32 v0, v23;
	v35 =	vld.idx.msk [tilespmem:v34+s20+$0x0], $0xffff  }
0x13a: {  	v23 =	vor.u32 v2, v23;
	v19 =	vld.idx.msk [tilespmem:v19+s20+$0x0], $0xffff;
	_ =	sdelay $0x1  }
0x13b: {  	v17 =	vbroadcast v49, $0x7;
	s14 =	sadd.s32 @!p1 s2, s15;
	s15 =	simm.s32 @!p1 $0x6200  }
0x13c: {  	[tilespmem:s15], [sflag:$0x1] =	stream.strided.gather @!p1 [hbm4b:s14+s5], $0x1000, s4, s5, $0x38;
	[tilespmem:$0x11200] =	vst v63  }
0x13d: {  	v37 =	vor.u32 v0, v17;
	[tilespmem:v36+s26+$0x0] =	vst.idx.msk $0xffff, v35  }
0x13e: {  	v17 =	vor.u32 v2, v17;
	[tilespmem:v23+s26+$0x0] =	vst.idx.msk $0xffff, v19  }
0x13f: {  	_ =	swait.ge [sflag:s25], $0x1000  }
0x140: {  	[sflag:s25] =	ssyncset.done $0x0  }
0x141: {  	s16 =	simm.s32 $0x7200;
	[sflag:s25] =	ssyncadd.s32 $0xFFFFF000  }
0x142: {  	v39 =	vor.u32 v0, v21;
	v38 =	vld.idx.msk [tilespmem:v37+s16+$0x0], $0xffff  }
0x143: {  	v21 =	vor.u32 v2, v21;
	v17 =	vld.idx.msk [tilespmem:v17+s16+$0x0], $0xffff;
	_ =	sdelay $0x1  }
0x144: {  	v15 =	vbroadcast v49, $0x8;
	s13 =	sadd.s32 @!p1 s2, s13;
	s14 =	simm.s32 @!p1 $0x7200  }
0x145: {  	[tilespmem:s14], [sflag:$0x1] =	stream.strided.gather @!p1 [hbm4b:s13+s5], $0x1000, s4, s5, $0x38;
	[tilespmem:$0x11200] =	vst v63  }
0x146: {  	v40 =	vor.u32 v0, v15;
	[tilespmem:v39+s26+$0x0] =	vst.idx.msk $0xffff, v38  }
0x147: {  	v15 =	vor.u32 v2, v15;
	[tilespmem:v21+s26+$0x0] =	vst.idx.msk $0xffff, v17  }
0x148: {  	_ =	swait.ge [sflag:s25], $0x1000  }
0x149: {  	[sflag:s25] =	ssyncset.done $0x0  }
0x14a: {  	v41 =	vmov s9;
	s17 =	simm.s32 $0x8200;
	[sflag:s25] =	ssyncadd.s32 $0xFFFFF000  }
0x14b: {  	v42 =	vor.u32 v0, v41;
	v19 =	vld.idx.msk [tilespmem:v40+s17+$0x0], $0xffff  }
0x14c: {  	v17 =	vor.u32 v2, v41;
	v15 =	vld.idx.msk [tilespmem:v15+s17+$0x0], $0xffff;
	_ =	sdelay $0x1  }
0x14d: {  	s9 =	simm.s32 @!p1 $0x8200;
	v13 =	vbroadcast v49, $0x9  }
0x14e: {  	[tilespmem:s9], [sflag:$0x1] =	stream.strided.gather @!p1 [hbm4b:s12+s5], $0x1000, s4, s5, $0x38;
	[tilespmem:$0x11200] =	vst v63  }
0x14f: {  	v43 =	vor.u32 v0, v13;
	[tilespmem:v42+s26+$0x0] =	vst.idx.msk $0xffff, v19  }
0x150: {  	v13 =	vor.u32 v2, v13;
	[tilespmem:v17+s26+$0x0] =	vst.idx.msk $0xffff, v15  }
0x151: {  	_ =	swait.ge [sflag:s25], $0x1000  }
0x152: {  	[sflag:s25] =	ssyncset.done $0x0  }
0x153: {  	s18 =	simm.s32 $0x9200;
	[sflag:s25] =	ssyncadd.s32 $0xFFFFF000  }
0x154: {  	v45 =	vor.u32 v0, v18;
	v44 =	vld.idx.msk [tilespmem:v43+s18+$0x0], $0xffff  }
0x155: {  	v18 =	vor.u32 v2, v18;
	v13 =	vld.idx.msk [tilespmem:v13+s18+$0x0], $0xffff;
	_ =	sdelay $0x1  }
0x156: {  	v11 =	vbroadcast v49, $0xA;
	s9 =	sadd.s32 @!p1 s2, s11;
	s11 =	simm.s32 @!p1 $0x9200  }
0x157: {  	[tilespmem:s11], [sflag:$0x1] =	stream.strided.gather @!p1 [hbm4b:s9+s5], $0x1000, s4, s5, $0x38;
	[tilespmem:$0x11200] =	vst v63  }
0x158: {  	v46 =	vor.u32 v0, v11;
	[tilespmem:v45+s26+$0x0] =	vst.idx.msk $0xffff, v44  }
0x159: {  	v11 =	vor.u32 v2, v11;
	[tilespmem:v18+s26+$0x0] =	vst.idx.msk $0xffff, v13  }
0x15a: {  	_ =	swait.ge [sflag:s25], $0x1000  }
0x15b: {  	[sflag:s25] =	ssyncset.done $0x0  }
0x15c: {  	s19 =	simm.s32 $0xA200;
	[sflag:s25] =	ssyncadd.s32 $0xFFFFF000  }
0x15d: {  	v48 =	vor.u32 v0, v53;
	v47 =	vld.idx.msk [tilespmem:v46+s19+$0x0], $0xffff  }
0x15e: {  	v16 =	vor.u32 v2, v53;
	v11 =	vld.idx.msk [tilespmem:v11+s19+$0x0], $0xffff;
	_ =	sdelay $0x1  }
0x15f: {  	v9 =	vbroadcast v49, $0xB;
	s9 =	sadd.s32 @!p1 s2, s10;
	s10 =	simm.s32 @!p1 $0xA200  }
0x160: {  	v7 =	vbroadcast v49, $0xC;
	v4 =	vbroadcast v49, $0xE;
	[tilespmem:s10], [sflag:$0x1] =	stream.strided.gather @!p1 [hbm4b:s9+s5], $0x1000, s4, s5, $0x38;
	[tilespmem:$0x11200] =	vst v63  }
0x161: {  	v5 =	vbroadcast v49, $0xD;
	v3 =	vbroadcast v49, $0xF;
	v49 =	vor.u32 v0, v9;
	[tilespmem:v48+s26+$0x0] =	vst.idx.msk $0xffff, v47  }
0x162: {  	v9 =	vor.u32 v2, v9;
	[tilespmem:v16+s26+$0x0] =	vst.idx.msk $0xffff, v11  }
0x163: {  	_ =	swait.ge [sflag:s25], $0x1000  }
0x164: {  	[sflag:s25] =	ssyncset.done $0x0  }
0x165: {  	s20 =	simm.s32 $0xB200;
	[sflag:s25] =	ssyncadd.s32 $0xFFFFF000  }
0x166: {  	v51 =	vor.u32 v0, v54;
	v50 =	vld.idx.msk [tilespmem:v49+s20+$0x0], $0xffff  }
0x167: {  	v14 =	vor.u32 v2, v54;
	v9 =	vld.idx.msk [tilespmem:v9+s20+$0x0], $0xffff;
	_ =	sdelay $0x1  }
0x168: {  	s8 =	sadd.s32 @!p1 s2, s8;
	s9 =	simm.s32 @!p1 $0xB200  }
0x169: {  	[tilespmem:s9], [sflag:$0x1] =	stream.strided.gather @!p1 [hbm4b:s8+s5], $0x1000, s4, s5, $0x38;
	[tilespmem:$0x11200] =	vst v63  }
0x16a: {  	v52 =	vor.u32 v0, v7;
	[tilespmem:v51+s26+$0x0] =	vst.idx.msk $0xffff, v50  }
0x16b: {  	v7 =	vor.u32 v2, v7;
	[tilespmem:v14+s26+$0x0] =	vst.idx.msk $0xffff, v9  }
0x16c: {  	_ =	swait.ge [sflag:s25], $0x1000  }
0x16d: {  	[sflag:s25] =	ssyncset.done $0x0  }
0x16e: {  	[sflag:s25] =	ssyncadd.s32 $0xFFFFF000  }
0x16f: {  	v54 =	vor.u32 v0, v12;
	v53 =	vld.idx.msk [tilespmem:v52+s21+$0x0], $0xffff  }
0x170: {  	v12 =	vor.u32 v2, v12;
	v7 =	vld.idx.msk [tilespmem:v7+s21+$0x0], $0xffff;
	_ =	sdelay $0x1  }
0x171: {  	s7 =	sadd.s32 @!p1 s2, s7;
	s8 =	simm.s32 @!p1 $0xC200  }
0x172: {  	[tilespmem:s8], [sflag:$0x1] =	stream.strided.gather @!p1 [hbm4b:s7+s5], $0x1000, s4, s5, $0x38;
	[tilespmem:$0x11200] =	vst v63  }
0x173: {  	v55 =	vor.u32 v0, v5;
	[tilespmem:v54+s26+$0x0] =	vst.idx.msk $0xffff, v53  }
0x174: {  	v5 =	vor.u32 v2, v5;
	[tilespmem:v12+s26+$0x0] =	vst.idx.msk $0xffff, v7  }
0x175: {  	_ =	swait.ge [sflag:s25], $0x1000  }
0x176: {  	[sflag:s25] =	ssyncset.done $0x0  }
0x177: {  	[sflag:s25] =	ssyncadd.s32 $0xFFFFF000  }
0x178: {  	v57 =	vor.u32 v0, v10;
	v56 =	vld.idx.msk [tilespmem:v55+s22+$0x0], $0xffff  }
0x179: {  	v10 =	vor.u32 v2, v10;
	v5 =	vld.idx.msk [tilespmem:v5+s22+$0x0], $0xffff;
	_ =	sdelay $0x1  }
0x17a: {  	s7 =	sadd.s32 @!p1 s2, s28;
	s8 =	simm.s32 @!p1 $0xD200  }
0x17b: {  	[tilespmem:s8], [sflag:$0x1] =	stream.strided.gather @!p1 [hbm4b:s7+s5], $0x1000, s4, s5, $0x38;
	[tilespmem:$0x11200] =	vst v63  }
0x17c: {  	v58 =	vor.u32 v0, v4;
	[tilespmem:v57+s26+$0x0] =	vst.idx.msk $0xffff, v56  }
0x17d: {  	v4 =	vor.u32 v2, v4;
	[tilespmem:v10+s26+$0x0] =	vst.idx.msk $0xffff, v5  }
0x17e: {  	_ =	swait.ge [sflag:s25], $0x1000  }
0x17f: {  	[sflag:s25] =	ssyncset.done $0x0  }
0x180: {  	[sflag:s25] =	ssyncadd.s32 $0xFFFFF000  }
0x181: {  	v60 =	vor.u32 v0, v8;
	v59 =	vld.idx.msk [tilespmem:v58+s23+$0x0], $0xffff  }
0x182: {  	v8 =	vor.u32 v2, v8;
	v4 =	vld.idx.msk [tilespmem:v4+s23+$0x0], $0xffff;
	_ =	sdelay $0x1  }
0x183: {  	s6 =	sadd.s32 @!p1 s2, s6;
	s7 =	simm.s32 @!p1 $0xE200  }
0x184: {  	[tilespmem:s7], [sflag:$0x1] =	stream.strided.gather @!p1 [hbm4b:s6+s5], $0x1000, s4, s5, $0x38;
	[tilespmem:$0x11200] =	vst v63  }
0x185: {  	v61 =	vor.u32 v0, v3;
	[tilespmem:v60+s26+$0x0] =	vst.idx.msk $0xffff, v59  }
0x186: {  	v3 =	vor.u32 v2, v3;
	[tilespmem:v8+s26+$0x0] =	vst.idx.msk $0xffff, v4  }
0x187: {  	_ =	swait.ge [sflag:s25], $0x1000  }
0x188: {  	[sflag:s25] =	ssyncset.done $0x0  }
0x189: {  	[sflag:s25] =	ssyncadd.s32 $0xFFFFF000  }
0x18a: {  	v63 =	vor.u32 v0, v6;
	v62 =	vld.idx.msk [tilespmem:v61+s24+$0x0], $0xffff  }
0x18b: {  	s0 =	sadd.s32 $0x1, s0;
	s3 =	sadd.s32 @!p1 s2, s3;
	v6 =	vor.u32 v2, v6;
	s6 =	simm.s32 @!p1 $0xF200;
	v3 =	vld.idx.msk [tilespmem:v3+s24+$0x0], $0xffff  }
0x18c: {  	[tilespmem:s6], [sflag:$0x1] =	stream.strided.gather @!p1 [hbm4b:s3+s5], $0x1000, s4, s5, $0x38;
	[tilespmem:$0x11200] =	vst v63  }
0x18d: {  	p0 =	sne.s32 s0, $0x20;
	p1 =	sne.s32 s1, $0x7  }
0x18e: {  	s3 =	rddreg [dreg:$0x4];
	s4 =	sadd.s32 @!p1 $0xFFFFFFF0, s29;
	s1 =	simm.s32 @!p1 $0x2  }
.Ltmp0:
0x18f: {  	s5 =	simm.s32 @!p1 $0x10200;
	s4 =	sand.u32 @!p1 $0x180, s4;
	[tilespmem:v63+s26+$0x0] =	vst.idx.msk $0xffff, v62;
	(pc) =	sbr.rel @p0 .LBB2_2-.Ltmp0, $4  }
0x190: {  	s6 =	simm.s32 @!p1 $0x20000;
	s3 =	sadd.s32 @!p1 s4, s3;
	s4 =	simm.s32 @!p1 $0x400;
	[tilespmem:v6+s26+$0x0] =	vst.idx.msk $0xffff, v3  }
0x191: {  	[hbm4b:s3+s4] =	stream.strided.scatter @!p1 [tilespmem:s5], [sflag:$0x2], $0x1000, s6, s4, $0x38;
	[tilespmem:$0x11200] =	vst v63  }
0x192: {  	_ =	swait.ge @!p1 [sflag:s1], $0x1000  }
0x193: {  	s31 =	sadd.s32 $0x10, s31;
	s29 =	sadd.s32 $0x10, s29;
	[sflag:s1] =	ssyncset.done @!p1 $0x0  }
0x194: {  	s0 =	sand.u32 $0x1F0, s29;
	[sflag:s1] =	ssyncadd.s32 @!p1 $0xFFFFF000  }
0x195: {  	v3 =	vld [tilespmem:s0+$0x0];
	_ =	sdelay $0x4  }
0x196: {  	v4 =	vshra.s32 v3, $0x1F;
	v5 =	vand.u32 $0x7F, v3  }
0x197: {  	vm0 =	vlt.s32 v3, $0x1;
	v4 =	vshrl.u32 v4, $0x19;
	vm1 =	vne.s32 v5, $0x0  }
0x198: {  	v3 =	vadd.s32 v4, v3;
	vm0 =	vmand vm0, vm1  }
0x199: {  	v3 =	vshrl.u32 v3, $0x7;
	v42 =	vsel vm0, $0xFFFFFFFF, v1  }
0x19a: {  	v3 =	vadd.s32 v42, v3  }
0x19b: {  	p0 =	seq.s32 s30, $0x1F;
	v4 =	vshll.u32 v3, $0x7  }
0x19c: {  	v3 =	vld [tilespmem:s31+$0x0];
	(v2sf) =	vpush @!p0 v4, $0x0  }
0x19d: {  	(v2sf) =	vpush @!p0 v4, $0x1;
	_ =	sdelay $0x1  }
0x19e: {  	(v2sf) =	vpush @!p0 v4, $0x2  }
0x19f: {  	(v2sf) =	vpush @!p0 v4, $0x3  }
0x1a0: {  	v3 =	vand.u32 $0x7F, v3  }
0x1a1: {  	(v2sf) =	vpush @!p0 v4, $0x4;
	v43 =	vbroadcast v3, $0x0  }
0x1a2: {  	(v2sf) =	vpush @!p0 v4, $0x5  }
0x1a3: {  	(v2sf) =	vpush @!p0 v4, $0x6;
	v6 =	vor.u32 v0, v43  }
0x1a4: {  	(v2sf) =	vpush @!p0 v4, $0x7;
	v5 =	vor.u32 v2, v43  }
0x1a5: {  	s0 =	sand.u32 $0x7, s30;
	_ =	swait.ge [sflag:s25], $0x1000  }
0x1a6: {  	s1 =	sshll.u32 s0, $0x4;
	(v2sf) =	vpush @!p0 v4, $0x8;
	[sflag:s25] =	ssyncset.done $0x0  }
0x1a7: {  	s3 =	simm.s32 $0x200;
	v7 =	vmov s1;
	[sflag:s25] =	ssyncadd.s32 $0xFFFFF000;
	(v2sf) =	vpush @!p0 v4, $0x9  }
0x1a8: {  	v8 =	vor.u32 v0, v7;
	(v2sf) =	vpush @!p0 v4, $0xA;
	v6 =	vld.idx.msk [tilespmem:v6+s3+$0x0], $0xffff  }
0x1a9: {  	v7 =	vor.u32 v2, v7;
	v5 =	vld.idx.msk [tilespmem:v5+s3+$0x0], $0xffff;
	(v2sf) =	vpush @!p0 v4, $0xB  }
0x1aa: {  	s5 =	simm.s32 @!p0 $0x200;
	s3 =	simm.s32 @!p0 $0x7A1400;
	(v2sf) =	vpush @!p0 v4, $0xC;
	s4 =	spop @!p0 (v2sf)  }
0x1ab: {  	v9 =	vbroadcast v3, $0x1;
	(v2sf) =	vpush @!p0 v4, $0xD;
	s6 =	sadd.s32 @!p0 s2, s4;
	s4 =	simm.s32 @!p0 $0x400;
	s7 =	spop @!p0 (v2sf)  }
0x1ac: {  	[tilespmem:s5], [sflag:$0x1] =	stream.strided.gather @!p0 [hbm4b:s6+s4], $0x1000, s3, s4, $0x38;
	[tilespmem:$0x11200] =	vst v63  }
0x1ad: {  	v44 =	vor.u32 v0, v9;
	(v2sf) =	vpush @!p0 v4, $0xE;
	s5 =	spop @!p0 (v2sf);
	[tilespmem:v8+s26+$0x0] =	vst.idx.msk $0xffff, v6  }
0x1ae: {  	v45 =	vor.u32 v2, v9;
	(v2sf) =	vpush @!p0 v4, $0xF;
	s17 =	spop @!p0 (v2sf);
	[tilespmem:v7+s26+$0x0] =	vst.idx.msk $0xffff, v5  }
0x1af: {  	_ =	swait.ge [sflag:s25], $0x1000  }
0x1b0: {  	s12 =	simm.s32 $0x1200;
	s16 =	spop @!p0 (v2sf);
	[sflag:s25] =	ssyncset.done $0x0  }
0x1b1: {  	s11 =	sor.u32 $0x1, s1;
	s15 =	spop @!p0 (v2sf);
	[sflag:s25] =	ssyncadd.s32 $0xFFFFF000  }
0x1b2: {  	s6 =	sadd.s32 @!p0 s2, s7;
	s7 =	simm.s32 @!p0 $0x1200;
	s14 =	spop @!p0 (v2sf);
	v4 =	vld.idx.msk [tilespmem:v44+s12+$0x0], $0xffff  }
0x1b3: {  	v46 =	vmov s11;
	v5 =	vld.idx.msk [tilespmem:v45+s12+$0x0], $0xffff;
	[tilespmem:s7], [sflag:$0x1] =	stream.strided.gather @!p0 [hbm4b:s6+s4], $0x1000, s3, s4, $0x38  }
0x1b4: {  	v47 =	vor.u32 v0, v46;
	s13 =	spop @!p0 (v2sf)  }
0x1b5: {  	v6 =	vor.u32 v2, v46;
	s12 =	spop @!p0 (v2sf)  }
0x1b6: {  	s11 =	spop @!p0 (v2sf)  }
0x1b7: {  	v48 =	vbroadcast v3, $0x2;
	s10 =	spop @!p0 (v2sf)  }
0x1b8: {  	s9 =	spop @!p0 (v2sf)  }
0x1b9: {  	v49 =	vor.u32 v0, v48;
	[tilespmem:v47+s26+$0x0] =	vst.idx.msk $0xffff, v4;
	s8 =	spop @!p0 (v2sf)  }
0x1ba: {  	v50 =	vor.u32 v2, v48;
	[tilespmem:v6+s26+$0x0] =	vst.idx.msk $0xffff, v5;
	s7 =	spop @!p0 (v2sf)  }
0x1bb: {  	_ =	swait.ge [sflag:s25], $0x1000  }
0x1bc: {  	s18 =	sor.u32 $0x2, s1;
	[sflag:s25] =	ssyncset.done $0x0  }
0x1bd: {  	s19 =	simm.s32 $0x2200;
	v51 =	vmov s18;
	[sflag:s25] =	ssyncadd.s32 $0xFFFFF000  }
0x1be: {  	v52 =	vor.u32 v0, v51;
	v4 =	vld.idx.msk [tilespmem:v49+s19+$0x0], $0xffff  }
0x1bf: {  	v6 =	vor.u32 v2, v51;
	v5 =	vld.idx.msk [tilespmem:v50+s19+$0x0], $0xffff;
	_ =	sdelay $0x1  }
0x1c0: {  	v53 =	vbroadcast v3, $0x3;
	s5 =	sadd.s32 @!p0 s2, s5;
	s6 =	simm.s32 @!p0 $0x2200  }
0x1c1: {  	[tilespmem:s6], [sflag:$0x1] =	stream.strided.gather @!p0 [hbm4b:s5+s4], $0x1000, s3, s4, $0x38;
	[tilespmem:$0x11200] =	vst v63  }
0x1c2: {  	v54 =	vor.u32 v0, v53;
	s6 =	spop @!p0 (v2sf);
	[tilespmem:v52+s26+$0x0] =	vst.idx.msk $0xffff, v4  }
0x1c3: {  	v55 =	vor.u32 v2, v53;
	s5 =	spop @!p0 (v2sf);
	[tilespmem:v6+s26+$0x0] =	vst.idx.msk $0xffff, v5  }
0x1c4: {  	_ =	swait.ge [sflag:s25], $0x1000  }
0x1c5: {  	s18 =	sor.u32 $0x3, s1;
	[sflag:s25] =	ssyncset.done $0x0  }
0x1c6: {  	s20 =	simm.s32 $0x3200;
	v56 =	vmov s18;
	[sflag:s25] =	ssyncadd.s32 $0xFFFFF000  }
0x1c7: {  	v57 =	vor.u32 v0, v56;
	v4 =	vld.idx.msk [tilespmem:v54+s20+$0x0], $0xffff  }
0x1c8: {  	v6 =	vor.u32 v2, v56;
	v5 =	vld.idx.msk [tilespmem:v55+s20+$0x0], $0xffff;
	_ =	sdelay $0x1  }
0x1c9: {  	s18 =	simm.s32 @!p0 $0x3200;
	v58 =	vbroadcast v3, $0x4;
	s17 =	sadd.s32 @!p0 s2, s17  }
0x1ca: {  	[tilespmem:s18], [sflag:$0x1] =	stream.strided.gather @!p0 [hbm4b:s17+s4], $0x1000, s3, s4, $0x38;
	[tilespmem:$0x11200] =	vst v63  }
0x1cb: {  	v59 =	vor.u32 v0, v58;
	[tilespmem:v57+s26+$0x0] =	vst.idx.msk $0xffff, v4  }
0x1cc: {  	v60 =	vor.u32 v2, v58;
	[tilespmem:v6+s26+$0x0] =	vst.idx.msk $0xffff, v5  }
0x1cd: {  	_ =	swait.ge [sflag:s25], $0x1000  }
0x1ce: {  	s28 =	sor.u32 $0x4, s1;
	[sflag:s25] =	ssyncset.done $0x0  }
0x1cf: {  	s30 =	simm.s32 $0x4200;
	v61 =	vmov s28;
	[sflag:s25] =	ssyncadd.s32 $0xFFFFF000  }
0x1d0: {  	v62 =	vor.u32 v0, v61;
	v4 =	vld.idx.msk [tilespmem:v59+s30+$0x0], $0xffff  }
0x1d1: {  	v6 =	vor.u32 v2, v61;
	v5 =	vld.idx.msk [tilespmem:v60+s30+$0x0], $0xffff;
	_ =	sdelay $0x1  }
0x1d2: {  	v63 =	vbroadcast v3, $0x5;
	s16 =	sadd.s32 @!p0 s2, s16;
	s17 =	simm.s32 @!p0 $0x4200  }
0x1d3: {  	[tilespmem:s17], [sflag:$0x1] =	stream.strided.gather @!p0 [hbm4b:s16+s4], $0x1000, s3, s4, $0x38;
	[tilespmem:$0x11200] =	vst v63  }
0x1d4: {  	v12 =	vor.u32 v0, v63;
	[tilespmem:v62+s26+$0x0] =	vst.idx.msk $0xffff, v4  }
0x1d5: {  	v13 =	vor.u32 v2, v63;
	[tilespmem:v6+s26+$0x0] =	vst.idx.msk $0xffff, v5  }
0x1d6: {  	_ =	swait.ge [sflag:s25], $0x1000  }
0x1d7: {  	s31 =	sor.u32 $0x5, s1;
	[sflag:s25] =	ssyncset.done $0x0  }
0x1d8: {  	v14 =	vmov s31;
	s17 =	simm.s32 $0x5200;
	[sflag:s25] =	ssyncadd.s32 $0xFFFFF000  }
0x1d9: {  	v15 =	vor.u32 v0, v14;
	v4 =	vld.idx.msk [tilespmem:v12+s17+$0x0], $0xffff  }
0x1da: {  	v6 =	vor.u32 v2, v14;
	v5 =	vld.idx.msk [tilespmem:v13+s17+$0x0], $0xffff;
	_ =	sdelay $0x1  }
0x1db: {  	v16 =	vbroadcast v3, $0x6;
	s15 =	sadd.s32 @!p0 s2, s15;
	s16 =	simm.s32 @!p0 $0x5200  }
0x1dc: {  	[tilespmem:s16], [sflag:$0x1] =	stream.strided.gather @!p0 [hbm4b:s15+s4], $0x1000, s3, s4, $0x38;
	[tilespmem:$0x11200] =	vst v63  }
0x1dd: {  	v17 =	vor.u32 v0, v16;
	[tilespmem:v15+s26+$0x0] =	vst.idx.msk $0xffff, v4  }
0x1de: {  	v18 =	vor.u32 v2, v16;
	[tilespmem:v6+s26+$0x0] =	vst.idx.msk $0xffff, v5  }
0x1df: {  	_ =	swait.ge [sflag:s25], $0x1000  }
0x1e0: {  	s18 =	sor.u32 $0x6, s1;
	[sflag:s25] =	ssyncset.done $0x0  }
0x1e1: {  	s19 =	simm.s32 $0x6200;
	v19 =	vmov s18;
	[sflag:s25] =	ssyncadd.s32 $0xFFFFF000  }
0x1e2: {  	v20 =	vor.u32 v0, v19;
	v4 =	vld.idx.msk [tilespmem:v17+s19+$0x0], $0xffff  }
0x1e3: {  	v6 =	vor.u32 v2, v19;
	v5 =	vld.idx.msk [tilespmem:v18+s19+$0x0], $0xffff;
	_ =	sdelay $0x1  }
0x1e4: {  	v21 =	vbroadcast v3, $0x7;
	s14 =	sadd.s32 @!p0 s2, s14;
	s15 =	simm.s32 @!p0 $0x6200  }
0x1e5: {  	[tilespmem:s15], [sflag:$0x1] =	stream.strided.gather @!p0 [hbm4b:s14+s4], $0x1000, s3, s4, $0x38;
	[tilespmem:$0x11200] =	vst v63  }
0x1e6: {  	v22 =	vor.u32 v0, v21;
	[tilespmem:v20+s26+$0x0] =	vst.idx.msk $0xffff, v4  }
0x1e7: {  	v23 =	vor.u32 v2, v21;
	[tilespmem:v6+s26+$0x0] =	vst.idx.msk $0xffff, v5  }
0x1e8: {  	_ =	swait.ge [sflag:s25], $0x1000  }
0x1e9: {  	s20 =	sor.u32 $0x7, s1;
	[sflag:s25] =	ssyncset.done $0x0  }
0x1ea: {  	s28 =	simm.s32 $0x7200;
	v24 =	vmov s20;
	[sflag:s25] =	ssyncadd.s32 $0xFFFFF000  }
0x1eb: {  	v25 =	vor.u32 v0, v24;
	v4 =	vld.idx.msk [tilespmem:v22+s28+$0x0], $0xffff  }
0x1ec: {  	v6 =	vor.u32 v2, v24;
	v5 =	vld.idx.msk [tilespmem:v23+s28+$0x0], $0xffff;
	_ =	sdelay $0x1  }
0x1ed: {  	v26 =	vbroadcast v3, $0x8;
	s13 =	sadd.s32 @!p0 s2, s13;
	s14 =	simm.s32 @!p0 $0x7200  }
0x1ee: {  	[tilespmem:s14], [sflag:$0x1] =	stream.strided.gather @!p0 [hbm4b:s13+s4], $0x1000, s3, s4, $0x38;
	[tilespmem:$0x11200] =	vst v63  }
0x1ef: {  	v27 =	vor.u32 v0, v26;
	[tilespmem:v25+s26+$0x0] =	vst.idx.msk $0xffff, v4  }
0x1f0: {  	v28 =	vor.u32 v2, v26;
	[tilespmem:v6+s26+$0x0] =	vst.idx.msk $0xffff, v5  }
0x1f1: {  	_ =	swait.ge [sflag:s25], $0x1000  }
0x1f2: {  	s30 =	sor.u32 $0x8, s1;
	[sflag:s25] =	ssyncset.done $0x0  }
0x1f3: {  	s31 =	simm.s32 $0x8200;
	v29 =	vmov s30;
	[sflag:s25] =	ssyncadd.s32 $0xFFFFF000  }
0x1f4: {  	v30 =	vor.u32 v0, v29;
	v4 =	vld.idx.msk [tilespmem:v27+s31+$0x0], $0xffff  }
0x1f5: {  	v6 =	vor.u32 v2, v29;
	v5 =	vld.idx.msk [tilespmem:v28+s31+$0x0], $0xffff;
	_ =	sdelay $0x1  }
0x1f6: {  	v31 =	vbroadcast v3, $0x9;
	s12 =	sadd.s32 @!p0 s2, s12;
	s13 =	simm.s32 @!p0 $0x8200  }
0x1f7: {  	[tilespmem:s13], [sflag:$0x1] =	stream.strided.gather @!p0 [hbm4b:s12+s4], $0x1000, s3, s4, $0x38;
	[tilespmem:$0x11200] =	vst v63  }
0x1f8: {  	v32 =	vor.u32 v0, v31;
	[tilespmem:v30+s26+$0x0] =	vst.idx.msk $0xffff, v4  }
0x1f9: {  	v33 =	vor.u32 v2, v31;
	[tilespmem:v6+s26+$0x0] =	vst.idx.msk $0xffff, v5  }
0x1fa: {  	_ =	swait.ge [sflag:s25], $0x1000  }
0x1fb: {  	s13 =	sor.u32 $0x9, s1;
	[sflag:s25] =	ssyncset.done $0x0  }
0x1fc: {  	s14 =	simm.s32 $0x9200;
	v34 =	vmov s13;
	[sflag:s25] =	ssyncadd.s32 $0xFFFFF000  }
0x1fd: {  	v35 =	vor.u32 v0, v34;
	v4 =	vld.idx.msk [tilespmem:v32+s14+$0x0], $0xffff  }
0x1fe: {  	v6 =	vor.u32 v2, v34;
	v5 =	vld.idx.msk [tilespmem:v33+s14+$0x0], $0xffff;
	_ =	sdelay $0x1  }
0x1ff: {  	v36 =	vbroadcast v3, $0xA;
	s11 =	sadd.s32 @!p0 s2, s11;
	s12 =	simm.s32 @!p0 $0x9200  }
0x200: {  	[tilespmem:s12], [sflag:$0x1] =	stream.strided.gather @!p0 [hbm4b:s11+s4], $0x1000, s3, s4, $0x38;
	[tilespmem:$0x11200] =	vst v63  }
0x201: {  	v37 =	vor.u32 v0, v36;
	[tilespmem:v35+s26+$0x0] =	vst.idx.msk $0xffff, v4  }
0x202: {  	v38 =	vor.u32 v2, v36;
	[tilespmem:v6+s26+$0x0] =	vst.idx.msk $0xffff, v5  }
0x203: {  	_ =	swait.ge [sflag:s25], $0x1000  }
0x204: {  	s15 =	sor.u32 $0xA, s1;
	[sflag:s25] =	ssyncset.done $0x0  }
0x205: {  	s16 =	simm.s32 $0xA200;
	v39 =	vmov s15;
	[sflag:s25] =	ssyncadd.s32 $0xFFFFF000  }
0x206: {  	v40 =	vor.u32 v0, v39;
	v4 =	vld.idx.msk [tilespmem:v37+s16+$0x0], $0xffff  }
0x207: {  	v6 =	vor.u32 v2, v39;
	v5 =	vld.idx.msk [tilespmem:v38+s16+$0x0], $0xffff;
	_ =	sdelay $0x1  }
0x208: {  	v41 =	vbroadcast v3, $0xB;
	s10 =	sadd.s32 @!p0 s2, s10;
	s11 =	simm.s32 @!p0 $0xA200  }
0x209: {  	[tilespmem:s11], [sflag:$0x1] =	stream.strided.gather @!p0 [hbm4b:s10+s4], $0x1000, s3, s4, $0x38;
	[tilespmem:$0x11200] =	vst v63  }
0x20a: {  	v42 =	vor.u32 v0, v41;
	[tilespmem:v40+s26+$0x0] =	vst.idx.msk $0xffff, v4  }
0x20b: {  	v43 =	vor.u32 v2, v41;
	[tilespmem:v6+s26+$0x0] =	vst.idx.msk $0xffff, v5  }
0x20c: {  	_ =	swait.ge [sflag:s25], $0x1000  }
0x20d: {  	s17 =	sor.u32 $0xB, s1;
	[sflag:s25] =	ssyncset.done $0x0  }
0x20e: {  	s18 =	simm.s32 $0xB200;
	v44 =	vmov s17;
	[sflag:s25] =	ssyncadd.s32 $0xFFFFF000  }
0x20f: {  	v45 =	vor.u32 v0, v44;
	v4 =	vld.idx.msk [tilespmem:v42+s18+$0x0], $0xffff  }
0x210: {  	v6 =	vor.u32 v2, v44;
	v5 =	vld.idx.msk [tilespmem:v43+s18+$0x0], $0xffff;
	_ =	sdelay $0x1  }
0x211: {  	v46 =	vbroadcast v3, $0xC;
	s9 =	sadd.s32 @!p0 s2, s9;
	s10 =	simm.s32 @!p0 $0xB200  }
0x212: {  	[tilespmem:s10], [sflag:$0x1] =	stream.strided.gather @!p0 [hbm4b:s9+s4], $0x1000, s3, s4, $0x38;
	[tilespmem:$0x11200] =	vst v63  }
0x213: {  	v47 =	vor.u32 v0, v46;
	[tilespmem:v45+s26+$0x0] =	vst.idx.msk $0xffff, v4  }
0x214: {  	v48 =	vor.u32 v2, v46;
	[tilespmem:v6+s26+$0x0] =	vst.idx.msk $0xffff, v5  }
0x215: {  	_ =	swait.ge [sflag:s25], $0x1000  }
0x216: {  	s19 =	sor.u32 $0xC, s1;
	[sflag:s25] =	ssyncset.done $0x0  }
0x217: {  	v49 =	vmov s19;
	[sflag:s25] =	ssyncadd.s32 $0xFFFFF000  }
0x218: {  	v50 =	vor.u32 v0, v49;
	v4 =	vld.idx.msk [tilespmem:v47+s21+$0x0], $0xffff  }
0x219: {  	v6 =	vor.u32 v2, v49;
	v5 =	vld.idx.msk [tilespmem:v48+s21+$0x0], $0xffff;
	_ =	sdelay $0x1  }
0x21a: {  	v51 =	vbroadcast v3, $0xD;
	s8 =	sadd.s32 @!p0 s2, s8;
	s9 =	simm.s32 @!p0 $0xC200  }
0x21b: {  	[tilespmem:s9], [sflag:$0x1] =	stream.strided.gather @!p0 [hbm4b:s8+s4], $0x1000, s3, s4, $0x38;
	[tilespmem:$0x11200] =	vst v63  }
0x21c: {  	v52 =	vor.u32 v0, v51;
	[tilespmem:v50+s26+$0x0] =	vst.idx.msk $0xffff, v4  }
0x21d: {  	v53 =	vor.u32 v2, v51;
	[tilespmem:v6+s26+$0x0] =	vst.idx.msk $0xffff, v5  }
0x21e: {  	_ =	swait.ge [sflag:s25], $0x1000  }
0x21f: {  	s20 =	sor.u32 $0xD, s1;
	[sflag:s25] =	ssyncset.done $0x0  }
0x220: {  	v54 =	vmov s20;
	[sflag:s25] =	ssyncadd.s32 $0xFFFFF000  }
0x221: {  	v55 =	vor.u32 v0, v54;
	v4 =	vld.idx.msk [tilespmem:v52+s22+$0x0], $0xffff  }
0x222: {  	v6 =	vor.u32 v2, v54;
	v5 =	vld.idx.msk [tilespmem:v53+s22+$0x0], $0xffff;
	_ =	sdelay $0x1  }
0x223: {  	s7 =	sadd.s32 @!p0 s2, s7;
	v56 =	vbroadcast v3, $0xE;
	s8 =	simm.s32 @!p0 $0xD200  }
0x224: {  	[tilespmem:s8], [sflag:$0x1] =	stream.strided.gather @!p0 [hbm4b:s7+s4], $0x1000, s3, s4, $0x38;
	[tilespmem:$0x11200] =	vst v63  }
0x225: {  	v57 =	vor.u32 v0, v56;
	[tilespmem:v55+s26+$0x0] =	vst.idx.msk $0xffff, v4  }
0x226: {  	v58 =	vor.u32 v2, v56;
	[tilespmem:v6+s26+$0x0] =	vst.idx.msk $0xffff, v5  }
0x227: {  	_ =	swait.ge [sflag:s25], $0x1000  }
0x228: {  	s28 =	sor.u32 $0xE, s1;
	[sflag:s25] =	ssyncset.done $0x0  }
0x229: {  	v59 =	vmov s28;
	[sflag:s25] =	ssyncadd.s32 $0xFFFFF000  }
0x22a: {  	v60 =	vor.u32 v0, v59;
	v4 =	vld.idx.msk [tilespmem:v57+s23+$0x0], $0xffff  }
0x22b: {  	v6 =	vor.u32 v2, v59;
	v5 =	vld.idx.msk [tilespmem:v58+s23+$0x0], $0xffff;
	_ =	sdelay $0x1  }
0x22c: {  	s6 =	sadd.s32 @!p0 s2, s6;
	v3 =	vbroadcast v3, $0xF;
	s7 =	simm.s32 @!p0 $0xE200  }
0x22d: {  	[tilespmem:s7], [sflag:$0x1] =	stream.strided.gather @!p0 [hbm4b:s6+s4], $0x1000, s3, s4, $0x38;
	[tilespmem:$0x11200] =	vst v63  }
0x22e: {  	v61 =	vor.u32 v0, v3;
	[tilespmem:v60+s26+$0x0] =	vst.idx.msk $0xffff, v4  }
0x22f: {  	v3 =	vor.u32 v2, v3;
	[tilespmem:v6+s26+$0x0] =	vst.idx.msk $0xffff, v5  }
0x230: {  	_ =	swait.ge [sflag:s25], $0x1000  }
0x231: {  	s1 =	sor.u32 $0xF, s1;
	[sflag:s25] =	ssyncset.done $0x0  }
0x232: {  	v62 =	vmov s1;
	[sflag:s25] =	ssyncadd.s32 $0xFFFFF000  }
0x233: {  	v63 =	vor.u32 v0, v62;
	v4 =	vld.idx.msk [tilespmem:v61+s24+$0x0], $0xffff  }
0x234: {  	s1 =	sadd.s32 @!p0 s2, s5;
	s5 =	simm.s32 @!p0 $0xF200;
	v5 =	vor.u32 v2, v62;
	v3 =	vld.idx.msk [tilespmem:v3+s24+$0x0], $0xffff  }
0x235: {  	[tilespmem:s5], [sflag:$0x1] =	stream.strided.gather @!p0 [hbm4b:s1+s4], $0x1000, s3, s4, $0x38;
	[tilespmem:$0x11200] =	vst v63  }
0x236: {  	p0 =	sne.s32 s0, $0x7  }
0x237: {  	s1 =	sadd.s32 @!p0 $0xFFFFFFF0, s29  }
0x238: {  	s0 =	rddreg [dreg:$0x4];
	s3 =	simm.s32 @!p0 $0x10200;
	s1 =	sand.u32 @!p0 $0x180, s1;
	[tilespmem:v63+s26+$0x0] =	vst.idx.msk $0xffff, v4  }
0x239: {  	s4 =	simm.s32 @!p0 $0x20000;
	s0 =	sadd.s32 @!p0 s1, s0;
	s1 =	simm.s32 @!p0 $0x400;
	[tilespmem:v5+s26+$0x0] =	vst.idx.msk $0xffff, v3  }
0x23a: {  	[hbm4b:s0+s1] =	stream.strided.scatter @!p0 [tilespmem:s3], [sflag:$0x2], $0x1000, s4, s1, $0x38;
	[tilespmem:$0x11200] =	vst v63  }
0x23b: {  	s0 =	simm.s32 @!p0 $0x2  }
0x23c: {  	_ =	swait.ge @!p0 [sflag:s0], $0x1000  }
0x23d: {  	s30 =	rddreg [dreg:$0x7]  }
0x23e: {  	s31 =	rddreg [dreg:$0x6];
	s3 =	sadd.s32 $0x1, s30  }
0x23f: {  	p1 =	sne.s32 s3, s31  }
.Ltmp1:
0x240: {  	_ = 	snop;
	(pc) =	sbr.rel @p1 .LBB2_1-.Ltmp1, $3  }
0x241: {  	_ =	sdelay $0x1  }
0x242: {  	[sflag:s0] =	ssyncset.done @!p0 $0x0  }
0x243: {  	[sflag:s0] =	ssyncadd.s32 @!p0 $0xFFFFF000  }
0x244: {  	_ =	sfence.sel $0x180000  }
0x245: {  	[bflag:$0x0] =	sbarrier.arrive $0xFFFF  }
0x246: {  	_ =	strace $0x90000047  }
0x247: {  	s0 =	stileid.u32;
	[bflag:$0x2] =	sbarrier.arrive $0xFFFF  }
0x248: {  	p0 =	sne.s32 s0, $0x0;
	s0 =	rddreg [dreg:$0x3]  }
0x249: {  	s0 =	sadd.s32 @!p0 $0x100000, s0  }
0x24a: {  	[sflag:s0] =	ssyncadd.tile.s32 @!p0 $0x1;
	_ =	shalt  }
.Lfunc_end2:
_tile_overlayer_lowered:
.L_overlay_start_2:
0x24b: {  	(tag) =	ssettag $0x2  }
0x24c: {  	s0 =	rddreg [dreg:$0x0];
	s2 =	stileid.u32  }
0x24d: {  	s1 =	rddreg [dreg:$0x1];
	p0 =	sne.s32 s2, $0x0  }
0x24e: {  	s3 =	rddreg [dreg:$0x2];
	[bflag:$0x3] =	sbarrier.arrive $0xFFFF;
	s2 =	simm.s32 @!p0 $0x1C02  }
0x24f: {  	[timem:s3], [sflag:s2] =	dma.local @!p0 [hbm:s0], s1  }
0x250: {  	s0 =	simm.s32 @!p0 $0x2  }
0x251: {  	_ =	swait.ge @!p0 [sflag:s0], s1  }
0x252: {  	s1 =	ssub.s32 @!p0 $0x0, s1;
	[sflag:s0] =	ssyncset.done @!p0 $0x0  }
0x253: {  	[sflag:s0] =	ssyncadd.s32 @!p0 s1  }
0x254: {  	[bflag:$0x3] =	sbarrier.arrive $0xFFFF  }
0x255: {  	_ =	shalt  }

</sc_bundles>
